<compile_context>
chip_gen: v7x
topology: tpu7x:2x2x1
jax: 0.10.2.dev20260603
libtpu: 0.0.44.dev20260713+nightly
codegen_flags: <defaults>
</compile_context>

<pallas_src>
import jax
import jax.numpy as jnp
from jax import lax
from jax.experimental import pallas as pl
from jax.experimental.pallas import tpu as pltpu
from jax.experimental.pallas import tpu_sc as plsc

VOCAB = 50257
HIDDEN = 1024
BATCH = 4
SEQ = 8192

_info = plsc.get_sparse_core_info()
NC, NS = _info.num_cores, _info.num_subcores
NW = NC * NS
POS_PER_W = SEQ // NW
PC = 16
NPC = POS_PER_W // PC
NSTEP = NPC * 2
NRB = 3
LANES = 16
IDX_PER_W = POS_PER_W * BATCH


def _body(idsr_hbm, tok_hbm, pos_hbm, out_hbm,
          idx_v, pos_v, rows_b, gsems, osems, psem):
    wid = lax.axis_index("s") * NC + lax.axis_index("c")
    s0 = wid * POS_PER_W

    pltpu.sync_copy(idsr_hbm.at[pl.ds(wid * IDX_PER_W, IDX_PER_W)], idx_v)

    def gather_cp(pc, bp, rb):
        off = pc * (2 * PC * 2) + bp * (2 * PC)
        return pltpu.make_async_copy(
            tok_hbm.at[idx_v.at[pl.ds(off, 2 * PC)]],
            rows_b.at[rb], gsems.at[rb])

    def out_cp(pc, bp, rb, h):
        return pltpu.make_async_copy(
            rows_b.at[rb, pl.ds(h * PC, PC)],
            out_hbm.at[pl.ds((2 * bp + h) * SEQ + s0 + pc * PC, PC)],
            osems.at[rb])

    def pos_cp(pc):
        return pltpu.make_async_copy(
            pos_hbm.at[pl.ds(s0 + pc * PC, PC)], pos_v, psem)

    def add_rows(rb):
        @plsc.parallel_loop(0, PC, unroll=2)
        def _(r):
            for j in range(HIDDEN // LANES):
                sl = pl.ds(j * LANES, LANES)
                x = pos_v[r, sl]
                plsc.addupdate(rows_b.at[rb, r, sl], x)
                plsc.addupdate(rows_b.at[rb, PC + r, sl], x)

    pos_cp(0).start()
    gather_cp(0, 0, 0).start()

    def cps(t):
        pc = lax.div(t, 2)
        bp = lax.rem(t, 2)
        rb = lax.rem(t, NRB)
        return pc, bp, rb

    def step(t, carry):
        pc, bp, rb = cps(t)
        @pl.when(t >= 2)
        def _():
            pc2, bp2, rb2 = cps(t - 2)
            for h in range(2):
                out_cp(pc2, bp2, rb2, h).wait()

        @pl.when(t + 1 < NSTEP)
        def _():
            pc1, bp1, rb1 = cps(t + 1)
            gather_cp(pc1, bp1, rb1).start()

        @pl.when(bp == 0)
        def _():
            pos_cp(pc).wait()

        gather_cp(pc, bp, rb).wait()
        add_rows(rb)

        @pl.when((bp == 1) & (pc + 1 < NPC))
        def _():
            pos_cp(pc + 1).start()

        for h in range(2):
            out_cp(pc, bp, rb, h).start()
        return carry

    lax.fori_loop(0, NSTEP, step, 0)

    for t in (NSTEP - 2, NSTEP - 1):
        pc, bp, rb = t // 2, t % 2, t % NRB
        for h in range(2):
            out_cp(pc, bp, rb, h).wait()


@jax.jit
def _embed(ids_re, token_table, pos_table):
    mesh = plsc.VectorSubcoreMesh(core_axis_name="c", subcore_axis_name="s")
    k = pl.kernel(
        _body,
        out_type=jax.ShapeDtypeStruct((BATCH * SEQ, HIDDEN), jnp.float32),
        mesh=mesh,
        scratch_types=[
            pltpu.VMEM((IDX_PER_W,), jnp.int32),
            pltpu.VMEM((PC, HIDDEN), jnp.float32),
            pltpu.VMEM((NRB, 2 * PC, HIDDEN), jnp.float32),
            pltpu.SemaphoreType.DMA((NRB,)),
            pltpu.SemaphoreType.DMA((NRB,)),
            pltpu.SemaphoreType.DMA,
        ],
    )
    return k(ids_re, token_table, pos_table)


def kernel(input_ids, token_table, pos_table):
    ids_re = (
        input_ids.astype(jnp.int32)
        .reshape(BATCH, SEQ // PC, PC)
        .transpose(1, 0, 2)
        .reshape(BATCH * SEQ)
    )
    out = _embed(ids_re, token_table, pos_table)
    return out.reshape(BATCH, SEQ, HIDDEN)

# --- scband reference (transcript-rebuilt; emitter-appended) ---
"""Pipeline reference for scband-gpt3-embeddings-74466142978205 (READ-ONLY COPY).

The authoritative reference and input builder live on the scoring server;
editing this copy changes nothing except your own understanding.
"""

import jax, jax.numpy as jnp
import numpy as np

VOCAB = 50257
HIDDEN = 1024
MAX_POS = 8192
BATCH = 4
SEQ = 8192


def setup_inputs(seed: int = 0) -> dict:
    key = jax.random.key(seed)
    k1, k2, k3 = jax.random.split(key, 3)
    input_ids = jax.random.randint(k1, (BATCH, SEQ), 0, VOCAB, dtype=jnp.int64 if jax.config.jax_enable_x64 else jnp.int32)
    token_table = jax.random.normal(k2, (VOCAB, HIDDEN), dtype=jnp.float32) * 0.02
    pos_table = jax.random.normal(k3, (MAX_POS, HIDDEN), dtype=jnp.float32) * 0.02
    return {"input_ids": input_ids, "token_table": token_table, "pos_table": pos_table}


def reference(input_ids, token_table, pos_table):
    # position_ids = arange(seq_len) broadcast to input_ids shape
    seq_len = input_ids.shape[1]
    position_ids = jnp.arange(seq_len, dtype=input_ids.dtype)[None, :]
    position_ids = jnp.broadcast_to(position_ids, input_ids.shape)
    token_embeds = jnp.take(token_table, input_ids, axis=0)
    position_embeds = jnp.take(pos_table, position_ids, axis=0)
    embeddings = token_embeds + position_embeds
    # dropout p=0.0 -> identity
    return embeddings

if __name__ == "__main__":
    import jax
    _d = setup_inputs()
    print(jax.jit(kernel)(*tuple(_d.values())))

</pallas_src>

<mosaic_0001>
#map = affine_map<(d0, d1) -> (0)>
#map1 = affine_map<(d0, d1) -> (0, 0)>
module attributes {stable_mosaic.version = 14 : i64} {
  func.func @_body(%arg0: i32, %arg1: i32, %arg2: memref<32768xi32, #tpu.memory_space<hbm>>, %arg3: memref<50257x1024xf32, #tpu.memory_space<hbm>>, %arg4: memref<8192x1024xf32, #tpu.memory_space<hbm>>, %arg5: memref<32768x1024xf32, #tpu.memory_space<hbm>>, %arg6: memref<1024xi32, #tpu.memory_space<vmem>>, %arg7: memref<16x1024xf32, #tpu.memory_space<vmem>>, %arg8: memref<3x32x1024xf32, #tpu.memory_space<vmem>>, %arg9: memref<3x!tpu.dma_semaphore, #tpu.memory_space<semaphore_mem>>, %arg10: memref<3x!tpu.dma_semaphore, #tpu.memory_space<semaphore_mem>>, %arg11: memref<!tpu.dma_semaphore, #tpu.memory_space<semaphore_mem>>) attributes {dimension_semantics = [#tpu.dimension_semantics<core_parallel>, #tpu.dimension_semantics<subcore_parallel>], iteration_bounds = array<i64: 2, 16>, scalar_prefetch = 0 : i64, scratch_operands = 6 : i64, tpu.core_type = #tpu.core_type<sc_vector_subcore>, window_params = [{transform_indices = #map}, {transform_indices = #map1}, {transform_indices = #map1}, {transform_indices = #map1}]} {
    %mul3A = arith.constant 2 : i32
    %mul3A_0 = arith.muli %arg1, %mul3A : i32
    %add3A = arith.addi %mul3A_0, %arg0 : i32
    %mul3A_1 = arith.constant 256 : i32
    %mul3A_2 = arith.muli %add3A, %mul3A_1 : i32
    %mul3A_3 = arith.constant 1024 : i32
    %mul3A_4 = arith.muli %add3A, %mul3A_3 : i32
    "tpu.region"() ({
      %run_scoped3A = tpu.sem_alloc : memref<!tpu.dma_semaphore, #tpu.memory_space<semaphore_mem>>
      %dma_start3A_107 = tpu.memref_slice %arg2[%mul3A_4] : memref<32768xi32, #tpu.memory_space<hbm>> -> memref<1024xi32, #tpu.memory_space<hbm>>
      %dma_start3A_108 = tpu.memref_slice %arg2[%mul3A_4] : memref<32768xi32, #tpu.memory_space<hbm>> -> memref<1024xi32, #tpu.memory_space<hbm>>
      tpu.enqueue_dma source(%dma_start3A_108 : memref<1024xi32, #tpu.memory_space<hbm>>) target(%arg6 : memref<1024xi32, #tpu.memory_space<vmem>>) target_semaphore(%run_scoped3A : memref<!tpu.dma_semaphore, #tpu.memory_space<semaphore_mem>>)
      %dma_wait3A_109 = tpu.memref_slice %arg2[%mul3A_4] : memref<32768xi32, #tpu.memory_space<hbm>> -> memref<1024xi32, #tpu.memory_space<hbm>>
      %dma_wait3A_110 = tpu.memref_slice %arg2[%mul3A_4] : memref<32768xi32, #tpu.memory_space<hbm>> -> memref<1024xi32, #tpu.memory_space<hbm>>
      tpu.wait_dma2 semaphore(%run_scoped3A : memref<!tpu.dma_semaphore, #tpu.memory_space<semaphore_mem>>) src(%dma_wait3A_110 : memref<1024xi32, #tpu.memory_space<hbm>>) dst(%arg6 : memref<1024xi32, #tpu.memory_space<vmem>>)
      tpu.yield
    }) : () -> ()
    %add3A_5 = arith.constant 0 : i32
    %add3A_6 = arith.addi %mul3A_2, %add3A_5 : i32
    %dma_start3A = arith.constant 0 : i32
    %dma_start3A_7 = tpu.memref_slice %arg4[%add3A_6, %dma_start3A] : memref<8192x1024xf32, #tpu.memory_space<hbm>> -> memref<16x1024xf32, #tpu.memory_space<hbm>>
    %dma_start3A_8 = arith.constant 0 : i32
    %dma_start3A_9 = tpu.memref_slice %arg4[%add3A_6, %dma_start3A_8] : memref<8192x1024xf32, #tpu.memory_space<hbm>> -> memref<16x1024xf32, #tpu.memory_space<hbm>>
    tpu.enqueue_dma source(%dma_start3A_9 : memref<16x1024xf32, #tpu.memory_space<hbm>>) target(%arg7 : memref<16x1024xf32, #tpu.memory_space<vmem>>) target_semaphore(%arg11 : memref<!tpu.dma_semaphore, #tpu.memory_space<semaphore_mem>>)
    %dma_start3A_10 = arith.constant 0 : i32
    %dma_start3A_11 = arith.constant 0 : i32
    %dma_start3A_12 = arith.constant 0 : i32
    %dma_start3A_13 = arith.constant 0 : i32
    %dma_start3A_14 = tpu.memref_slice %arg8[%dma_start3A_10, %dma_start3A_12, %dma_start3A_13] : memref<3x32x1024xf32, #tpu.memory_space<vmem>> -> memref<1x32x1024xf32, #tpu.memory_space<vmem>>
    %dma_start3A_15 = tpu.memref_squeeze %dma_start3A_14 : memref<1x32x1024xf32, #tpu.memory_space<vmem>> -> memref<32x1024xf32, #tpu.memory_space<vmem>>
    %dma_start3A_16 = arith.constant 0 : i32
    %dma_start3A_17 = tpu.memref_slice %arg6[%dma_start3A_16] : memref<1024xi32, #tpu.memory_space<vmem>> -> memref<32xi32, #tpu.memory_space<vmem>>
    %dma_start3A_18 = arith.constant 0 : i32
    %dma_start3A_19 = arith.constant 0 : i32
    %dma_start3A_20 = tpu.memref_slice %arg3[%dma_start3A_18, %dma_start3A_19] : memref<50257x1024xf32, #tpu.memory_space<hbm>> -> memref<50257x1024xf32, #tpu.memory_space<hbm>>
    %dma_start3A_21 = tpu.memref_slice %arg9[%dma_start3A_11] : memref<3x!tpu.dma_semaphore, #tpu.memory_space<semaphore_mem>> -> memref<1x!tpu.dma_semaphore, #tpu.memory_space<semaphore_mem>>
    %dma_start3A_22 = tpu.memref_squeeze %dma_start3A_21 : memref<1x!tpu.dma_semaphore, #tpu.memory_space<semaphore_mem>> -> memref<!tpu.dma_semaphore, #tpu.memory_space<semaphore_mem>>
    tpu.enqueue_indirect_dma source(%dma_start3A_20 : memref<50257x1024xf32, #tpu.memory_space<hbm>>) target(%dma_start3A_15 : memref<32x1024xf32, #tpu.memory_space<vmem>>) offsets(%dma_start3A_17 : memref<32xi32, #tpu.memory_space<vmem>>) semaphore(%dma_start3A_22 : memref<!tpu.dma_semaphore, #tpu.memory_space<semaphore_mem>>)
    %scan3A = arith.constant 0 : i32
    %scan3A_23 = arith.constant 0 : i32
    %scan3A_24 = arith.constant 32 : i32
    %scan3A_25 = arith.addi %scan3A_23, %scan3A_24 : i32
    %scan3A_26 = arith.constant 1 : i32
    scf.for %scan3A_107 = %scan3A_23 to %scan3A_25 step %scan3A_26  : i32 {
      %div3A = arith.constant 2 : i32
      %div3A_108 = arith.divsi %scan3A_107, %div3A : i32
      %rem3A = arith.constant 2 : i32
      %rem3A_109 = arith.remsi %scan3A_107, %rem3A : i32
      %rem3A_110 = arith.constant 3 : i32
      %rem3A_111 = arith.remsi %scan3A_107, %rem3A_110 : i32
      %ge3A = arith.constant 2 : i32
      %ge3A_112 = arith.cmpi sge, %scan3A_107, %ge3A : i32
      %convert_element_type3A = arith.extui %ge3A_112 : i1 to i32
      %cond3A = arith.constant 0 : i32
      %cond3A_113 = arith.cmpi ne, %convert_element_type3A, %cond3A : i32
      scf.if %cond3A_113 {
        %sub3A = arith.constant 2 : i32
        %sub3A_198 = arith.subi %scan3A_107, %sub3A : i32
        %div3A_199 = arith.constant 2 : i32
        %div3A_200 = arith.divsi %sub3A_198, %div3A_199 : i32
        %rem3A_201 = arith.constant 2 : i32
        %rem3A_202 = arith.remsi %sub3A_198, %rem3A_201 : i32
        %rem3A_203 = arith.constant 3 : i32
        %rem3A_204 = arith.remsi %sub3A_198, %rem3A_203 : i32
        %mul3A_205 = arith.constant 2 : i32
        %mul3A_206 = arith.muli %mul3A_205, %rem3A_202 : i32
        %add3A_207 = arith.constant 0 : i32
        %add3A_208 = arith.addi %mul3A_206, %add3A_207 : i32
        %mul3A_209 = arith.constant 8192 : i32
        %mul3A_210 = arith.muli %add3A_208, %mul3A_209 : i32
        %add3A_211 = arith.addi %mul3A_210, %mul3A_2 : i32
        %mul3A_212 = arith.constant 16 : i32
        %mul3A_213 = arith.muli %div3A_200, %mul3A_212 : i32
        %add3A_214 = arith.addi %add3A_211, %mul3A_213 : i32
        %dma_wait3A_215 = arith.constant 0 : i32
        %dma_wait3A_216 = arith.constant 0 : i32
        %dma_wait3A_217 = tpu.memref_slice %arg8[%rem3A_204, %dma_wait3A_215, %dma_wait3A_216] : memref<3x32x1024xf32, #tpu.memory_space<vmem>> -> memref<1x16x1024xf32, #tpu.memory_space<vmem>>
        %dma_wait3A_218 = tpu.memref_squeeze %dma_wait3A_217 : memref<1x16x1024xf32, #tpu.memory_space<vmem>> -> memref<16x1024xf32, #tpu.memory_space<vmem>>
        %dma_wait3A_219 = arith.constant 0 : i32
        %dma_wait3A_220 = tpu.memref_slice %arg5[%add3A_214, %dma_wait3A_219] : memref<32768x1024xf32, #tpu.memory_space<hbm>> -> memref<16x1024xf32, #tpu.memory_space<hbm>>
        %dma_wait3A_221 = tpu.memref_slice %arg10[%rem3A_204] : memref<3x!tpu.dma_semaphore, #tpu.memory_space<semaphore_mem>> -> memref<1x!tpu.dma_semaphore, #tpu.memory_space<semaphore_mem>>
        %dma_wait3A_222 = tpu.memref_squeeze %dma_wait3A_221 : memref<1x!tpu.dma_semaphore, #tpu.memory_space<semaphore_mem>> -> memref<!tpu.dma_semaphore, #tpu.memory_space<semaphore_mem>>
        %dma_wait3A_223 = arith.constant 0 : i32
        %dma_wait3A_224 = tpu.memref_slice %arg5[%add3A_214, %dma_wait3A_223] : memref<32768x1024xf32, #tpu.memory_space<hbm>> -> memref<16x1024xf32, #tpu.memory_space<hbm>>
        %dma_wait3A_225 = arith.constant 0 : i32
        %dma_wait3A_226 = arith.constant 0 : i32
        %dma_wait3A_227 = tpu.memref_slice %arg8[%rem3A_204, %dma_wait3A_225, %dma_wait3A_226] : memref<3x32x1024xf32, #tpu.memory_space<vmem>> -> memref<1x16x1024xf32, #tpu.memory_space<vmem>>
        %dma_wait3A_228 = tpu.memref_squeeze %dma_wait3A_227 : memref<1x16x1024xf32, #tpu.memory_space<vmem>> -> memref<16x1024xf32, #tpu.memory_space<vmem>>
        tpu.wait_dma2 semaphore(%dma_wait3A_222 : memref<!tpu.dma_semaphore, #tpu.memory_space<semaphore_mem>>) src(%dma_wait3A_228 : memref<16x1024xf32, #tpu.memory_space<vmem>>) dst(%dma_wait3A_224 : memref<16x1024xf32, #tpu.memory_space<hbm>>)
        %mul3A_229 = arith.constant 2 : i32
        %mul3A_230 = arith.muli %mul3A_229, %rem3A_202 : i32
        %add3A_231 = arith.constant 1 : i32
        %add3A_232 = arith.addi %mul3A_230, %add3A_231 : i32
        %mul3A_233 = arith.constant 8192 : i32
        %mul3A_234 = arith.muli %add3A_232, %mul3A_233 : i32
        %add3A_235 = arith.addi %mul3A_234, %mul3A_2 : i32
        %mul3A_236 = arith.constant 16 : i32
        %mul3A_237 = arith.muli %div3A_200, %mul3A_236 : i32
        %add3A_238 = arith.addi %add3A_235, %mul3A_237 : i32
        %dma_wait3A_239 = arith.constant 16 : i32
        %dma_wait3A_240 = arith.constant 0 : i32
        %dma_wait3A_241 = tpu.memref_slice %arg8[%rem3A_204, %dma_wait3A_239, %dma_wait3A_240] : memref<3x32x1024xf32, #tpu.memory_space<vmem>> -> memref<1x16x1024xf32, #tpu.memory_space<vmem>>
        %dma_wait3A_242 = tpu.memref_squeeze %dma_wait3A_241 : memref<1x16x1024xf32, #tpu.memory_space<vmem>> -> memref<16x1024xf32, #tpu.memory_space<vmem>>
        %dma_wait3A_243 = arith.constant 0 : i32
        %dma_wait3A_244 = tpu.memref_slice %arg5[%add3A_238, %dma_wait3A_243] : memref<32768x1024xf32, #tpu.memory_space<hbm>> -> memref<16x1024xf32, #tpu.memory_space<hbm>>
        %dma_wait3A_245 = tpu.memref_slice %arg10[%rem3A_204] : memref<3x!tpu.dma_semaphore, #tpu.memory_space<semaphore_mem>> -> memref<1x!tpu.dma_semaphore, #tpu.memory_space<semaphore_mem>>
        %dma_wait3A_246 = tpu.memref_squeeze %dma_wait3A_245 : memref<1x!tpu.dma_semaphore, #tpu.memory_space<semaphore_mem>> -> memref<!tpu.dma_semaphore, #tpu.memory_space<semaphore_mem>>
        %dma_wait3A_247 = arith.constant 0 : i32
        %dma_wait3A_248 = tpu.memref_slice %arg5[%add3A_238, %dma_wait3A_247] : memref<32768x1024xf32, #tpu.memory_space<hbm>> -> memref<16x1024xf32, #tpu.memory_space<hbm>>
        %dma_wait3A_249 = arith.constant 16 : i32
        %dma_wait3A_250 = arith.constant 0 : i32
        %dma_wait3A_251 = tpu.memref_slice %arg8[%rem3A_204, %dma_wait3A_249, %dma_wait3A_250] : memref<3x32x1024xf32, #tpu.memory_space<vmem>> -> memref<1x16x1024xf32, #tpu.memory_space<vmem>>
        %dma_wait3A_252 = tpu.memref_squeeze %dma_wait3A_251 : memref<1x16x1024xf32, #tpu.memory_space<vmem>> -> memref<16x1024xf32, #tpu.memory_space<vmem>>
        tpu.wait_dma2 semaphore(%dma_wait3A_246 : memref<!tpu.dma_semaphore, #tpu.memory_space<semaphore_mem>>) src(%dma_wait3A_252 : memref<16x1024xf32, #tpu.memory_space<vmem>>) dst(%dma_wait3A_248 : memref<16x1024xf32, #tpu.memory_space<hbm>>)
      } else {
      }
      %add3A_114 = arith.constant 1 : i32
      %add3A_115 = arith.addi %scan3A_107, %add3A_114 : i32
      %lt3A = arith.constant 32 : i32
      %lt3A_116 = arith.cmpi slt, %add3A_115, %lt3A : i32
      %convert_element_type3A_117 = arith.extui %lt3A_116 : i1 to i32
      %cond3A_118 = arith.constant 0 : i32
      %cond3A_119 = arith.cmpi ne, %convert_element_type3A_117, %cond3A_118 : i32
      scf.if %cond3A_119 {
        %add3A_198 = arith.constant 1 : i32
        %add3A_199 = arith.addi %scan3A_107, %add3A_198 : i32
        %div3A_200 = arith.constant 2 : i32
        %div3A_201 = arith.divsi %add3A_199, %div3A_200 : i32
        %rem3A_202 = arith.constant 2 : i32
        %rem3A_203 = arith.remsi %add3A_199, %rem3A_202 : i32
        %rem3A_204 = arith.constant 3 : i32
        %rem3A_205 = arith.remsi %add3A_199, %rem3A_204 : i32
        %mul3A_206 = arith.constant 64 : i32
        %mul3A_207 = arith.muli %div3A_201, %mul3A_206 : i32
        %mul3A_208 = arith.constant 32 : i32
        %mul3A_209 = arith.muli %rem3A_203, %mul3A_208 : i32
        %add3A_210 = arith.addi %mul3A_207, %mul3A_209 : i32
        %dma_start3A_211 = arith.constant 0 : i32
        %dma_start3A_212 = arith.constant 0 : i32
        %dma_start3A_213 = tpu.memref_slice %arg8[%rem3A_205, %dma_start3A_211, %dma_start3A_212] : memref<3x32x1024xf32, #tpu.memory_space<vmem>> -> memref<1x32x1024xf32, #tpu.memory_space<vmem>>
        %dma_start3A_214 = tpu.memref_squeeze %dma_start3A_213 : memref<1x32x1024xf32, #tpu.memory_space<vmem>> -> memref<32x1024xf32, #tpu.memory_space<vmem>>
        %dma_start3A_215 = tpu.memref_slice %arg6[%add3A_210] : memref<1024xi32, #tpu.memory_space<vmem>> -> memref<32xi32, #tpu.memory_space<vmem>>
        %dma_start3A_216 = arith.constant 0 : i32
        %dma_start3A_217 = arith.constant 0 : i32
        %dma_start3A_218 = tpu.memref_slice %arg3[%dma_start3A_216, %dma_start3A_217] : memref<50257x1024xf32, #tpu.memory_space<hbm>> -> memref<50257x1024xf32, #tpu.memory_space<hbm>>
        %dma_start3A_219 = tpu.memref_slice %arg9[%rem3A_205] : memref<3x!tpu.dma_semaphore, #tpu.memory_space<semaphore_mem>> -> memref<1x!tpu.dma_semaphore, #tpu.memory_space<semaphore_mem>>
        %dma_start3A_220 = tpu.memref_squeeze %dma_start3A_219 : memref<1x!tpu.dma_semaphore, #tpu.memory_space<semaphore_mem>> -> memref<!tpu.dma_semaphore, #tpu.memory_space<semaphore_mem>>
        tpu.enqueue_indirect_dma source(%dma_start3A_218 : memref<50257x1024xf32, #tpu.memory_space<hbm>>) target(%dma_start3A_214 : memref<32x1024xf32, #tpu.memory_space<vmem>>) offsets(%dma_start3A_215 : memref<32xi32, #tpu.memory_space<vmem>>) semaphore(%dma_start3A_220 : memref<!tpu.dma_semaphore, #tpu.memory_space<semaphore_mem>>)
      } else {
      }
      %eq3A = arith.constant 0 : i32
      %eq3A_120 = arith.cmpi eq, %rem3A_109, %eq3A : i32
      %convert_element_type3A_121 = arith.extui %eq3A_120 : i1 to i32
      %cond3A_122 = arith.constant 0 : i32
      %cond3A_123 = arith.cmpi ne, %convert_element_type3A_121, %cond3A_122 : i32
      scf.if %cond3A_123 {
        %mul3A_198 = arith.constant 16 : i32
        %mul3A_199 = arith.muli %div3A_108, %mul3A_198 : i32
        %add3A_200 = arith.addi %mul3A_2, %mul3A_199 : i32
        %dma_wait3A_201 = arith.constant 0 : i32
        %dma_wait3A_202 = tpu.memref_slice %arg4[%add3A_200, %dma_wait3A_201] : memref<8192x1024xf32, #tpu.memory_space<hbm>> -> memref<16x1024xf32, #tpu.memory_space<hbm>>
        %dma_wait3A_203 = arith.constant 0 : i32
        %dma_wait3A_204 = tpu.memref_slice %arg4[%add3A_200, %dma_wait3A_203] : memref<8192x1024xf32, #tpu.memory_space<hbm>> -> memref<16x1024xf32, #tpu.memory_space<hbm>>
        tpu.wait_dma2 semaphore(%arg11 : memref<!tpu.dma_semaphore, #tpu.memory_space<semaphore_mem>>) src(%dma_wait3A_204 : memref<16x1024xf32, #tpu.memory_space<hbm>>) dst(%arg7 : memref<16x1024xf32, #tpu.memory_space<vmem>>)
      } else {
      }
      %mul3A_124 = arith.constant 64 : i32
      %mul3A_125 = arith.muli %div3A_108, %mul3A_124 : i32
      %mul3A_126 = arith.constant 32 : i32
      %mul3A_127 = arith.muli %rem3A_109, %mul3A_126 : i32
      %add3A_128 = arith.addi %mul3A_125, %mul3A_127 : i32
      %dma_wait3A_129 = arith.constant 0 : i32
      %dma_wait3A_130 = arith.constant 0 : i32
      %dma_wait3A_131 = tpu.memref_slice %arg8[%rem3A_111, %dma_wait3A_129, %dma_wait3A_130] : memref<3x32x1024xf32, #tpu.memory_space<vmem>> -> memref<1x32x1024xf32, #tpu.memory_space<vmem>>
      %dma_wait3A_132 = tpu.memref_squeeze %dma_wait3A_131 : memref<1x32x1024xf32, #tpu.memory_space<vmem>> -> memref<32x1024xf32, #tpu.memory_space<vmem>>
      %dma_wait3A_133 = tpu.memref_slice %arg6[%add3A_128] : memref<1024xi32, #tpu.memory_space<vmem>> -> memref<32xi32, #tpu.memory_space<vmem>>
      %dma_wait3A_134 = arith.constant 0 : i32
      %dma_wait3A_135 = arith.constant 0 : i32
      %dma_wait3A_136 = tpu.memref_slice %arg3[%dma_wait3A_134, %dma_wait3A_135] : memref<50257x1024xf32, #tpu.memory_space<hbm>> -> memref<50257x1024xf32, #tpu.memory_space<hbm>>
      %dma_wait3A_137 = tpu.memref_slice %arg9[%rem3A_111] : memref<3x!tpu.dma_semaphore, #tpu.memory_space<semaphore_mem>> -> memref<1x!tpu.dma_semaphore, #tpu.memory_space<semaphore_mem>>
      %dma_wait3A_138 = tpu.memref_squeeze %dma_wait3A_137 : memref<1x!tpu.dma_semaphore, #tpu.memory_space<semaphore_mem>> -> memref<!tpu.dma_semaphore, #tpu.memory_space<semaphore_mem>>
      tpu.wait_indirect_dma semaphore(%dma_wait3A_138 : memref<!tpu.dma_semaphore, #tpu.memory_space<semaphore_mem>>) src(%dma_wait3A_136 : memref<50257x1024xf32, #tpu.memory_space<hbm>>) dst(%dma_wait3A_132 : memref<32x1024xf32, #tpu.memory_space<vmem>>)
      %parallel_loop3A = arith.constant 0 : i32
      %parallel_loop3A_139 = arith.constant 16 : i32
      %parallel_loop3A_140 = arith.constant 1 : i32
      scf.for %parallel_loop3A_198 = %parallel_loop3A to %parallel_loop3A_139 step %parallel_loop3A_140  : i32 {
        %parallel_loop3A_199 = arith.index_cast %parallel_loop3A_198 : i32 to index
        %parallel_loop3A_200 = arith.constant 0 : index
        %parallel_loop3A_201 = tpu.vector_load %arg7[%parallel_loop3A_199, %parallel_loop3A_200] {strides = array<i32>} : memref<16x1024xf32, #tpu.memory_space<vmem>>, vector<1x16xf32>,
        %parallel_loop3A_202 = vector.shape_cast %parallel_loop3A_201 : vector<1x16xf32> to vector<16xf32>
        %parallel_loop3A_203 = arith.index_cast %rem3A_111 : i32 to index
        %parallel_loop3A_204 = arith.index_cast %parallel_loop3A_198 : i32 to index
        %parallel_loop3A_205 = arith.constant 0 : index
        %parallel_loop3A_206 = tpu.vector_load %arg8[%parallel_loop3A_203, %parallel_loop3A_204, %parallel_loop3A_205] {strides = array<i32>} : memref<3x32x1024xf32, #tpu.memory_space<vmem>>, vector<1x1x16xf32>,
        %parallel_loop3A_207 = vector.shape_cast %parallel_loop3A_206 : vector<1x1x16xf32> to vector<16xf32>
        %parallel_loop3A_208 = vector.shape_cast %parallel_loop3A_202 : vector<16xf32> to vector<1x1x16xf32>
        tpu.vector_store %arg8[%parallel_loop3A_203, %parallel_loop3A_204, %parallel_loop3A_205], %parallel_loop3A_208 {add = true, strides = array<i32>} : memref<3x32x1024xf32, #tpu.memory_space<vmem>>, vector<1x1x16xf32>,
        %parallel_loop3A_209 = arith.constant 16 : i32
        %parallel_loop3A_210 = arith.addi %parallel_loop3A_209, %parallel_loop3A_198 : i32
        %parallel_loop3A_211 = arith.index_cast %rem3A_111 : i32 to index
        %parallel_loop3A_212 = arith.index_cast %parallel_loop3A_210 : i32 to index
        %parallel_loop3A_213 = arith.constant 0 : index
        %parallel_loop3A_214 = tpu.vector_load %arg8[%parallel_loop3A_211, %parallel_loop3A_212, %parallel_loop3A_213] {strides = array<i32>} : memref<3x32x1024xf32, #tpu.memory_space<vmem>>, vector<1x1x16xf32>,
        %parallel_loop3A_215 = vector.shape_cast %parallel_loop3A_214 : vector<1x1x16xf32> to vector<16xf32>
        %parallel_loop3A_216 = vector.shape_cast %parallel_loop3A_202 : vector<16xf32> to vector<1x1x16xf32>
        tpu.vector_store %arg8[%parallel_loop3A_211, %parallel_loop3A_212, %parallel_loop3A_213], %parallel_loop3A_216 {add = true, strides = array<i32>} : memref<3x32x1024xf32, #tpu.memory_space<vmem>>, vector<1x1x16xf32>,
        %parallel_loop3A_217 = arith.index_cast %parallel_loop3A_198 : i32 to index
        %parallel_loop3A_218 = arith.constant 16 : index
        %parallel_loop3A_219 = tpu.vector_load %arg7[%parallel_loop3A_217, %parallel_loop3A_218] {strides = array<i32>} : memref<16x1024xf32, #tpu.memory_space<vmem>>, vector<1x16xf32>,
        %parallel_loop3A_220 = vector.shape_cast %parallel_loop3A_219 : vector<1x16xf32> to vector<16xf32>
        %parallel_loop3A_221 = arith.index_cast %rem3A_111 : i32 to index
        %parallel_loop3A_222 = arith.index_cast %parallel_loop3A_198 : i32 to index
        %parallel_loop3A_223 = arith.constant 16 : index
        %parallel_loop3A_224 = tpu.vector_load %arg8[%parallel_loop3A_221, %parallel_loop3A_222, %parallel_loop3A_223] {strides = array<i32>} : memref<3x32x1024xf32, #tpu.memory_space<vmem>>, vector<1x1x16xf32>,
        %parallel_loop3A_225 = vector.shape_cast %parallel_loop3A_224 : vector<1x1x16xf32> to vector<16xf32>
        %parallel_loop3A_226 = vector.shape_cast %parallel_loop3A_220 : vector<16xf32> to vector<1x1x16xf32>
        tpu.vector_store %arg8[%parallel_loop3A_221, %parallel_loop3A_222, %parallel_loop3A_223], %parallel_loop3A_226 {add = true, strides = array<i32>} : memref<3x32x1024xf32, #tpu.memory_space<vmem>>, vector<1x1x16xf32>,
        %parallel_loop3A_227 = arith.constant 16 : i32
        %parallel_loop3A_228 = arith.addi %parallel_loop3A_227, %parallel_loop3A_198 : i32
        %parallel_loop3A_229 = arith.index_cast %rem3A_111 : i32 to index
        %parallel_loop3A_230 = arith.index_cast %parallel_loop3A_228 : i32 to index
        %parallel_loop3A_231 = arith.constant 16 : index
        %parallel_loop3A_232 = tpu.vector_load %arg8[%parallel_loop3A_229, %parallel_loop3A_230, %parallel_loop3A_231] {strides = array<i32>} : memref<3x32x1024xf32, #tpu.memory_space<vmem>>, vector<1x1x16xf32>,
        %parallel_loop3A_233 = vector.shape_cast %parallel_loop3A_232 : vector<1x1x16xf32> to vector<16xf32>
        %parallel_loop3A_234 = vector.shape_cast %parallel_loop3A_220 : vector<16xf32> to vector<1x1x16xf32>
        tpu.vector_store %arg8[%parallel_loop3A_229, %parallel_loop3A_230, %parallel_loop3A_231], %parallel_loop3A_234 {add = true, strides = array<i32>} : memref<3x32x1024xf32, #tpu.memory_space<vmem>>, vector<1x1x16xf32>,
        %parallel_loop3A_235 = arith.index_cast %parallel_loop3A_198 : i32 to index
        %parallel_loop3A_236 = arith.constant 32 : index
        %parallel_loop3A_237 = tpu.vector_load %arg7[%parallel_loop3A_235, %parallel_loop3A_236] {strides = array<i32>} : memref<16x1024xf32, #tpu.memory_space<vmem>>, vector<1x16xf32>,
        %parallel_loop3A_238 = vector.shape_cast %parallel_loop3A_237 : vector<1x16xf32> to vector<16xf32>
        %parallel_loop3A_239 = arith.index_cast %rem3A_111 : i32 to index
        %parallel_loop3A_240 = arith.index_cast %parallel_loop3A_198 : i32 to index
        %parallel_loop3A_241 = arith.constant 32 : index
        %parallel_loop3A_242 = tpu.vector_load %arg8[%parallel_loop3A_239, %parallel_loop3A_240, %parallel_loop3A_241] {strides = array<i32>} : memref<3x32x1024xf32, #tpu.memory_space<vmem>>, vector<1x1x16xf32>,
        %parallel_loop3A_243 = vector.shape_cast %parallel_loop3A_242 : vector<1x1x16xf32> to vector<16xf32>
        %parallel_loop3A_244 = vector.shape_cast %parallel_loop3A_238 : vector<16xf32> to vector<1x1x16xf32>
        tpu.vector_store %arg8[%parallel_loop3A_239, %parallel_loop3A_240, %parallel_loop3A_241], %parallel_loop3A_244 {add = true, strides = array<i32>} : memref<3x32x1024xf32, #tpu.memory_space<vmem>>, vector<1x1x16xf32>,
        %parallel_loop3A_245 = arith.constant 16 : i32
        %parallel_loop3A_246 = arith.addi %parallel_loop3A_245, %parallel_loop3A_198 : i32
        %parallel_loop3A_247 = arith.index_cast %rem3A_111 : i32 to index
        %parallel_loop3A_248 = arith.index_cast %parallel_loop3A_246 : i32 to index
        %parallel_loop3A_249 = arith.constant 32 : index
        %parallel_loop3A_250 = tpu.vector_load %arg8[%parallel_loop3A_247, %parallel_loop3A_248, %parallel_loop3A_249] {strides = array<i32>} : memref<3x32x1024xf32, #tpu.memory_space<vmem>>, vector<1x1x16xf32>,
        %parallel_loop3A_251 = vector.shape_cast %parallel_loop3A_250 : vector<1x1x16xf32> to vector<16xf32>
        %parallel_loop3A_252 = vector.shape_cast %parallel_loop3A_238 : vector<16xf32> to vector<1x1x16xf32>
        tpu.vector_store %arg8[%parallel_loop3A_247, %parallel_loop3A_248, %parallel_loop3A_249], %parallel_loop3A_252 {add = true, strides = array<i32>} : memref<3x32x1024xf32, #tpu.memory_space<vmem>>, vector<1x1x16xf32>,
        %parallel_loop3A_253 = arith.index_cast %parallel_loop3A_198 : i32 to index
        %parallel_loop3A_254 = arith.constant 48 : index
        %parallel_loop3A_255 = tpu.vector_load %arg7[%parallel_loop3A_253, %parallel_loop3A_254] {strides = array<i32>} : memref<16x1024xf32, #tpu.memory_space<vmem>>, vector<1x16xf32>,
        %parallel_loop3A_256 = vector.shape_cast %parallel_loop3A_255 : vector<1x16xf32> to vector<16xf32>
        %parallel_loop3A_257 = arith.index_cast %rem3A_111 : i32 to index
        %parallel_loop3A_258 = arith.index_cast %parallel_loop3A_198 : i32 to index
        %parallel_loop3A_259 = arith.constant 48 : index
        %parallel_loop3A_260 = tpu.vector_load %arg8[%parallel_loop3A_257, %parallel_loop3A_258, %parallel_loop3A_259] {strides = array<i32>} : memref<3x32x1024xf32, #tpu.memory_space<vmem>>, vector<1x1x16xf32>,
        %parallel_loop3A_261 = vector.shape_cast %parallel_loop3A_260 : vector<1x1x16xf32> to vector<16xf32>
        %parallel_loop3A_262 = vector.shape_cast %parallel_loop3A_256 : vector<16xf32> to vector<1x1x16xf32>
        tpu.vector_store %arg8[%parallel_loop3A_257, %parallel_loop3A_258, %parallel_loop3A_259], %parallel_loop3A_262 {add = true, strides = array<i32>} : memref<3x32x1024xf32, #tpu.memory_space<vmem>>, vector<1x1x16xf32>,
        %parallel_loop3A_263 = arith.constant 16 : i32
        %parallel_loop3A_264 = arith.addi %parallel_loop3A_263, %parallel_loop3A_198 : i32
        %parallel_loop3A_265 = arith.index_cast %rem3A_111 : i32 to index
        %parallel_loop3A_266 = arith.index_cast %parallel_loop3A_264 : i32 to index
        %parallel_loop3A_267 = arith.constant 48 : index
        %parallel_loop3A_268 = tpu.vector_load %arg8[%parallel_loop3A_265, %parallel_loop3A_266, %parallel_loop3A_267] {strides = array<i32>} : memref<3x32x1024xf32, #tpu.memory_space<vmem>>, vector<1x1x16xf32>,
        %parallel_loop3A_269 = vector.shape_cast %parallel_loop3A_268 : vector<1x1x16xf32> to vector<16xf32>
        %parallel_loop3A_270 = vector.shape_cast %parallel_loop3A_256 : vector<16xf32> to vector<1x1x16xf32>
        tpu.vector_store %arg8[%parallel_loop3A_265, %parallel_loop3A_266, %parallel_loop3A_267], %parallel_loop3A_270 {add = true, strides = array<i32>} : memref<3x32x1024xf32, #tpu.memory_space<vmem>>, vector<1x1x16xf32>,
        %parallel_loop3A_271 = arith.index_cast %parallel_loop3A_198 : i32 to index
        %parallel_loop3A_272 = arith.constant 64 : index
        %parallel_loop3A_273 = tpu.vector_load %arg7[%parallel_loop3A_271, %parallel_loop3A_272] {strides = array<i32>} : memref<16x1024xf32, #tpu.memory_space<vmem>>, vector<1x16xf32>,
        %parallel_loop3A_274 = vector.shape_cast %parallel_loop3A_273 : vector<1x16xf32> to vector<16xf32>
        %parallel_loop3A_275 = arith.index_cast %rem3A_111 : i32 to index
        %parallel_loop3A_276 = arith.index_cast %parallel_loop3A_198 : i32 to index
        %parallel_loop3A_277 = arith.constant 64 : index
        %parallel_loop3A_278 = tpu.vector_load %arg8[%parallel_loop3A_275, %parallel_loop3A_276, %parallel_loop3A_277] {strides = array<i32>} : memref<3x32x1024xf32, #tpu.memory_space<vmem>>, vector<1x1x16xf32>,
        %parallel_loop3A_279 = vector.shape_cast %parallel_loop3A_278 : vector<1x1x16xf32> to vector<16xf32>
        %parallel_loop3A_280 = vector.shape_cast %parallel_loop3A_274 : vector<16xf32> to vector<1x1x16xf32>
        tpu.vector_store %arg8[%parallel_loop3A_275, %parallel_loop3A_276, %parallel_loop3A_277], %parallel_loop3A_280 {add = true, strides = array<i32>} : memref<3x32x1024xf32, #tpu.memory_space<vmem>>, vector<1x1x16xf32>,
        %parallel_loop3A_281 = arith.constant 16 : i32
        %parallel_loop3A_282 = arith.addi %parallel_loop3A_281, %parallel_loop3A_198 : i32
        %parallel_loop3A_283 = arith.index_cast %rem3A_111 : i32 to index
        %parallel_loop3A_284 = arith.index_cast %parallel_loop3A_282 : i32 to index
        %parallel_loop3A_285 = arith.constant 64 : index
        %parallel_loop3A_286 = tpu.vector_load %arg8[%parallel_loop3A_283, %parallel_loop3A_284, %parallel_loop3A_285] {strides = array<i32>} : memref<3x32x1024xf32, #tpu.memory_space<vmem>>, vector<1x1x16xf32>,
        %parallel_loop3A_287 = vector.shape_cast %parallel_loop3A_286 : vector<1x1x16xf32> to vector<16xf32>
        %parallel_loop3A_288 = vector.shape_cast %parallel_loop3A_274 : vector<16xf32> to vector<1x1x16xf32>
        tpu.vector_store %arg8[%parallel_loop3A_283, %parallel_loop3A_284, %parallel_loop3A_285], %parallel_loop3A_288 {add = true, strides = array<i32>} : memref<3x32x1024xf32, #tpu.memory_space<vmem>>, vector<1x1x16xf32>,
        %parallel_loop3A_289 = arith.index_cast %parallel_loop3A_198 : i32 to index
        %parallel_loop3A_290 = arith.constant 80 : index
        %parallel_loop3A_291 = tpu.vector_load %arg7[%parallel_loop3A_289, %parallel_loop3A_290] {strides = array<i32>} : memref<16x1024xf32, #tpu.memory_space<vmem>>, vector<1x16xf32>,
        %parallel_loop3A_292 = vector.shape_cast %parallel_loop3A_291 : vector<1x16xf32> to vector<16xf32>
        %parallel_loop3A_293 = arith.index_cast %rem3A_111 : i32 to index
        %parallel_loop3A_294 = arith.index_cast %parallel_loop3A_198 : i32 to index
        %parallel_loop3A_295 = arith.constant 80 : index
        %parallel_loop3A_296 = tpu.vector_load %arg8[%parallel_loop3A_293, %parallel_loop3A_294, %parallel_loop3A_295] {strides = array<i32>} : memref<3x32x1024xf32, #tpu.memory_space<vmem>>, vector<1x1x16xf32>,
        %parallel_loop3A_297 = vector.shape_cast %parallel_loop3A_296 : vector<1x1x16xf32> to vector<16xf32>
        %parallel_loop3A_298 = vector.shape_cast %parallel_loop3A_292 : vector<16xf32> to vector<1x1x16xf32>
        tpu.vector_store %arg8[%parallel_loop3A_293, %parallel_loop3A_294, %parallel_loop3A_295], %parallel_loop3A_298 {add = true, strides = array<i32>} : memref<3x32x1024xf32, #tpu.memory_space<vmem>>, vector<1x1x16xf32>,
        %parallel_loop3A_299 = arith.constant 16 : i32
        %parallel_loop3A_300 = arith.addi %parallel_loop3A_299, %parallel_loop3A_198 : i32
        %parallel_loop3A_301 = arith.index_cast %rem3A_111 : i32 to index
        %parallel_loop3A_302 = arith.index_cast %parallel_loop3A_300 : i32 to index
        %parallel_loop3A_303 = arith.constant 80 : index
        %parallel_loop3A_304 = tpu.vector_load %arg8[%parallel_loop3A_301, %parallel_loop3A_302, %parallel_loop3A_303] {strides = array<i32>} : memref<3x32x1024xf32, #tpu.memory_space<vmem>>, vector<1x1x16xf32>,
        %parallel_loop3A_305 = vector.shape_cast %parallel_loop3A_304 : vector<1x1x16xf32> to vector<16xf32>
        %parallel_loop3A_306 = vector.shape_cast %parallel_loop3A_292 : vector<16xf32> to vector<1x1x16xf32>
        tpu.vector_store %arg8[%parallel_loop3A_301, %parallel_loop3A_302, %parallel_loop3A_303], %parallel_loop3A_306 {add = true, strides = array<i32>} : memref<3x32x1024xf32, #tpu.memory_space<vmem>>, vector<1x1x16xf32>,
        %parallel_loop3A_307 = arith.index_cast %parallel_loop3A_198 : i32 to index
        %parallel_loop3A_308 = arith.constant 96 : index
        %parallel_loop3A_309 = tpu.vector_load %arg7[%parallel_loop3A_307, %parallel_loop3A_308] {strides = array<i32>} : memref<16x1024xf32, #tpu.memory_space<vmem>>, vector<1x16xf32>,
        %parallel_loop3A_310 = vector.shape_cast %parallel_loop3A_309 : vector<1x16xf32> to vector<16xf32>
        %parallel_loop3A_311 = arith.index_cast %rem3A_111 : i32 to index
        %parallel_loop3A_312 = arith.index_cast %parallel_loop3A_198 : i32 to index
        %parallel_loop3A_313 = arith.constant 96 : index
        %parallel_loop3A_314 = tpu.vector_load %arg8[%parallel_loop3A_311, %parallel_loop3A_312, %parallel_loop3A_313] {strides = array<i32>} : memref<3x32x1024xf32, #tpu.memory_space<vmem>>, vector<1x1x16xf32>,
        %parallel_loop3A_315 = vector.shape_cast %parallel_loop3A_314 : vector<1x1x16xf32> to vector<16xf32>
        %parallel_loop3A_316 = vector.shape_cast %parallel_loop3A_310 : vector<16xf32> to vector<1x1x16xf32>
        tpu.vector_store %arg8[%parallel_loop3A_311, %parallel_loop3A_312, %parallel_loop3A_313], %parallel_loop3A_316 {add = true, strides = array<i32>} : memref<3x32x1024xf32, #tpu.memory_space<vmem>>, vector<1x1x16xf32>,
        %parallel_loop3A_317 = arith.constant 16 : i32
        %parallel_loop3A_318 = arith.addi %parallel_loop3A_317, %parallel_loop3A_198 : i32
        %parallel_loop3A_319 = arith.index_cast %rem3A_111 : i32 to index
        %parallel_loop3A_320 = arith.index_cast %parallel_loop3A_318 : i32 to index
        %parallel_loop3A_321 = arith.constant 96 : index
        %parallel_loop3A_322 = tpu.vector_load %arg8[%parallel_loop3A_319, %parallel_loop3A_320, %parallel_loop3A_321] {strides = array<i32>} : memref<3x32x1024xf32, #tpu.memory_space<vmem>>, vector<1x1x16xf32>,
        %parallel_loop3A_323 = vector.shape_cast %parallel_loop3A_322 : vector<1x1x16xf32> to vector<16xf32>
        %parallel_loop3A_324 = vector.shape_cast %parallel_loop3A_310 : vector<16xf32> to vector<1x1x16xf32>
        tpu.vector_store %arg8[%parallel_loop3A_319, %parallel_loop3A_320, %parallel_loop3A_321], %parallel_loop3A_324 {add = true, strides = array<i32>} : memref<3x32x1024xf32, #tpu.memory_space<vmem>>, vector<1x1x16xf32>,
        %parallel_loop3A_325 = arith.index_cast %parallel_loop3A_198 : i32 to index
        %parallel_loop3A_326 = arith.constant 112 : index
        %parallel_loop3A_327 = tpu.vector_load %arg7[%parallel_loop3A_325, %parallel_loop3A_326] {strides = array<i32>} : memref<16x1024xf32, #tpu.memory_space<vmem>>, vector<1x16xf32>,
        %parallel_loop3A_328 = vector.shape_cast %parallel_loop3A_327 : vector<1x16xf32> to vector<16xf32>
        %parallel_loop3A_329 = arith.index_cast %rem3A_111 : i32 to index
        %parallel_loop3A_330 = arith.index_cast %parallel_loop3A_198 : i32 to index
        %parallel_loop3A_331 = arith.constant 112 : index
        %parallel_loop3A_332 = tpu.vector_load %arg8[%parallel_loop3A_329, %parallel_loop3A_330, %parallel_loop3A_331] {strides = array<i32>} : memref<3x32x1024xf32, #tpu.memory_space<vmem>>, vector<1x1x16xf32>,
        %parallel_loop3A_333 = vector.shape_cast %parallel_loop3A_332 : vector<1x1x16xf32> to vector<16xf32>
        %parallel_loop3A_334 = vector.shape_cast %parallel_loop3A_328 : vector<16xf32> to vector<1x1x16xf32>
        tpu.vector_store %arg8[%parallel_loop3A_329, %parallel_loop3A_330, %parallel_loop3A_331], %parallel_loop3A_334 {add = true, strides = array<i32>} : memref<3x32x1024xf32, #tpu.memory_space<vmem>>, vector<1x1x16xf32>,
        %parallel_loop3A_335 = arith.constant 16 : i32
        %parallel_loop3A_336 = arith.addi %parallel_loop3A_335, %parallel_loop3A_198 : i32
        %parallel_loop3A_337 = arith.index_cast %rem3A_111 : i32 to index
        %parallel_loop3A_338 = arith.index_cast %parallel_loop3A_336 : i32 to index
        %parallel_loop3A_339 = arith.constant 112 : index
        %parallel_loop3A_340 = tpu.vector_load %arg8[%parallel_loop3A_337, %parallel_loop3A_338, %parallel_loop3A_339] {strides = array<i32>} : memref<3x32x1024xf32, #tpu.memory_space<vmem>>, vector<1x1x16xf32>,
        %parallel_loop3A_341 = vector.shape_cast %parallel_loop3A_340 : vector<1x1x16xf32> to vector<16xf32>
        %parallel_loop3A_342 = vector.shape_cast %parallel_loop3A_328 : vector<16xf32> to vector<1x1x16xf32>
        tpu.vector_store %arg8[%parallel_loop3A_337, %parallel_loop3A_338, %parallel_loop3A_339], %parallel_loop3A_342 {add = true, strides = array<i32>} : memref<3x32x1024xf32, #tpu.memory_space<vmem>>, vector<1x1x16xf32>,
        %parallel_loop3A_343 = arith.index_cast %parallel_loop3A_198 : i32 to index
        %parallel_loop3A_344 = arith.constant 128 : index
        %parallel_loop3A_345 = tpu.vector_load %arg7[%parallel_loop3A_343, %parallel_loop3A_344] {strides = array<i32>} : memref<16x1024xf32, #tpu.memory_space<vmem>>, vector<1x16xf32>,
        %parallel_loop3A_346 = vector.shape_cast %parallel_loop3A_345 : vector<1x16xf32> to vector<16xf32>
        %parallel_loop3A_347 = arith.index_cast %rem3A_111 : i32 to index
        %parallel_loop3A_348 = arith.index_cast %parallel_loop3A_198 : i32 to index
        %parallel_loop3A_349 = arith.constant 128 : index
        %parallel_loop3A_350 = tpu.vector_load %arg8[%parallel_loop3A_347, %parallel_loop3A_348, %parallel_loop3A_349] {strides = array<i32>} : memref<3x32x1024xf32, #tpu.memory_space<vmem>>, vector<1x1x16xf32>,
        %parallel_loop3A_351 = vector.shape_cast %parallel_loop3A_350 : vector<1x1x16xf32> to vector<16xf32>
        %parallel_loop3A_352 = vector.shape_cast %parallel_loop3A_346 : vector<16xf32> to vector<1x1x16xf32>
        tpu.vector_store %arg8[%parallel_loop3A_347, %parallel_loop3A_348, %parallel_loop3A_349], %parallel_loop3A_352 {add = true, strides = array<i32>} : memref<3x32x1024xf32, #tpu.memory_space<vmem>>, vector<1x1x16xf32>,
        %parallel_loop3A_353 = arith.constant 16 : i32
        %parallel_loop3A_354 = arith.addi %parallel_loop3A_353, %parallel_loop3A_198 : i32
        %parallel_loop3A_355 = arith.index_cast %rem3A_111 : i32 to index
        %parallel_loop3A_356 = arith.index_cast %parallel_loop3A_354 : i32 to index
        %parallel_loop3A_357 = arith.constant 128 : index
        %parallel_loop3A_358 = tpu.vector_load %arg8[%parallel_loop3A_355, %parallel_loop3A_356, %parallel_loop3A_357] {strides = array<i32>} : memref<3x32x1024xf32, #tpu.memory_space<vmem>>, vector<1x1x16xf32>,
        %parallel_loop3A_359 = vector.shape_cast %parallel_loop3A_358 : vector<1x1x16xf32> to vector<16xf32>
        %parallel_loop3A_360 = vector.shape_cast %parallel_loop3A_346 : vector<16xf32> to vector<1x1x16xf32>
        tpu.vector_store %arg8[%parallel_loop3A_355, %parallel_loop3A_356, %parallel_loop3A_357], %parallel_loop3A_360 {add = true, strides = array<i32>} : memref<3x32x1024xf32, #tpu.memory_space<vmem>>, vector<1x1x16xf32>,
        %parallel_loop3A_361 = arith.index_cast %parallel_loop3A_198 : i32 to index
        %parallel_loop3A_362 = arith.constant 144 : index
        %parallel_loop3A_363 = tpu.vector_load %arg7[%parallel_loop3A_361, %parallel_loop3A_362] {strides = array<i32>} : memref<16x1024xf32, #tpu.memory_space<vmem>>, vector<1x16xf32>,
        %parallel_loop3A_364 = vector.shape_cast %parallel_loop3A_363 : vector<1x16xf32> to vector<16xf32>
        %parallel_loop3A_365 = arith.index_cast %rem3A_111 : i32 to index
        %parallel_loop3A_366 = arith.index_cast %parallel_loop3A_198 : i32 to index
        %parallel_loop3A_367 = arith.constant 144 : index
        %parallel_loop3A_368 = tpu.vector_load %arg8[%parallel_loop3A_365, %parallel_loop3A_366, %parallel_loop3A_367] {strides = array<i32>} : memref<3x32x1024xf32, #tpu.memory_space<vmem>>, vector<1x1x16xf32>,
        %parallel_loop3A_369 = vector.shape_cast %parallel_loop3A_368 : vector<1x1x16xf32> to vector<16xf32>
        %parallel_loop3A_370 = vector.shape_cast %parallel_loop3A_364 : vector<16xf32> to vector<1x1x16xf32>
        tpu.vector_store %arg8[%parallel_loop3A_365, %parallel_loop3A_366, %parallel_loop3A_367], %parallel_loop3A_370 {add = true, strides = array<i32>} : memref<3x32x1024xf32, #tpu.memory_space<vmem>>, vector<1x1x16xf32>,
        %parallel_loop3A_371 = arith.constant 16 : i32
        %parallel_loop3A_372 = arith.addi %parallel_loop3A_371, %parallel_loop3A_198 : i32
        %parallel_loop3A_373 = arith.index_cast %rem3A_111 : i32 to index
        %parallel_loop3A_374 = arith.index_cast %parallel_loop3A_372 : i32 to index
        %parallel_loop3A_375 = arith.constant 144 : index
        %parallel_loop3A_376 = tpu.vector_load %arg8[%parallel_loop3A_373, %parallel_loop3A_374, %parallel_loop3A_375] {strides = array<i32>} : memref<3x32x1024xf32, #tpu.memory_space<vmem>>, vector<1x1x16xf32>,
        %parallel_loop3A_377 = vector.shape_cast %parallel_loop3A_376 : vector<1x1x16xf32> to vector<16xf32>
        %parallel_loop3A_378 = vector.shape_cast %parallel_loop3A_364 : vector<16xf32> to vector<1x1x16xf32>
        tpu.vector_store %arg8[%parallel_loop3A_373, %parallel_loop3A_374, %parallel_loop3A_375], %parallel_loop3A_378 {add = true, strides = array<i32>} : memref<3x32x1024xf32, #tpu.memory_space<vmem>>, vector<1x1x16xf32>,
        %parallel_loop3A_379 = arith.index_cast %parallel_loop3A_198 : i32 to index
        %parallel_loop3A_380 = arith.constant 160 : index
        %parallel_loop3A_381 = tpu.vector_load %arg7[%parallel_loop3A_379, %parallel_loop3A_380] {strides = array<i32>} : memref<16x1024xf32, #tpu.memory_space<vmem>>, vector<1x16xf32>,
        %parallel_loop3A_382 = vector.shape_cast %parallel_loop3A_381 : vector<1x16xf32> to vector<16xf32>
        %parallel_loop3A_383 = arith.index_cast %rem3A_111 : i32 to index
        %parallel_loop3A_384 = arith.index_cast %parallel_loop3A_198 : i32 to index
        %parallel_loop3A_385 = arith.constant 160 : index
        %parallel_loop3A_386 = tpu.vector_load %arg8[%parallel_loop3A_383, %parallel_loop3A_384, %parallel_loop3A_385] {strides = array<i32>} : memref<3x32x1024xf32, #tpu.memory_space<vmem>>, vector<1x1x16xf32>,
        %parallel_loop3A_387 = vector.shape_cast %parallel_loop3A_386 : vector<1x1x16xf32> to vector<16xf32>
        %parallel_loop3A_388 = vector.shape_cast %parallel_loop3A_382 : vector<16xf32> to vector<1x1x16xf32>
        tpu.vector_store %arg8[%parallel_loop3A_383, %parallel_loop3A_384, %parallel_loop3A_385], %parallel_loop3A_388 {add = true, strides = array<i32>} : memref<3x32x1024xf32, #tpu.memory_space<vmem>>, vector<1x1x16xf32>,
        %parallel_loop3A_389 = arith.constant 16 : i32
        %parallel_loop3A_390 = arith.addi %parallel_loop3A_389, %parallel_loop3A_198 : i32
        %parallel_loop3A_391 = arith.index_cast %rem3A_111 : i32 to index
        %parallel_loop3A_392 = arith.index_cast %parallel_loop3A_390 : i32 to index
        %parallel_loop3A_393 = arith.constant 160 : index
        %parallel_loop3A_394 = tpu.vector_load %arg8[%parallel_loop3A_391, %parallel_loop3A_392, %parallel_loop3A_393] {strides = array<i32>} : memref<3x32x1024xf32, #tpu.memory_space<vmem>>, vector<1x1x16xf32>,
        %parallel_loop3A_395 = vector.shape_cast %parallel_loop3A_394 : vector<1x1x16xf32> to vector<16xf32>
        %parallel_loop3A_396 = vector.shape_cast %parallel_loop3A_382 : vector<16xf32> to vector<1x1x16xf32>
        tpu.vector_store %arg8[%parallel_loop3A_391, %parallel_loop3A_392, %parallel_loop3A_393], %parallel_loop3A_396 {add = true, strides = array<i32>} : memref<3x32x1024xf32, #tpu.memory_space<vmem>>, vector<1x1x16xf32>,
        %parallel_loop3A_397 = arith.index_cast %parallel_loop3A_198 : i32 to index
        %parallel_loop3A_398 = arith.constant 176 : index
        %parallel_loop3A_399 = tpu.vector_load %arg7[%parallel_loop3A_397, %parallel_loop3A_398] {strides = array<i32>} : memref<16x1024xf32, #tpu.memory_space<vmem>>, vector<1x16xf32>,
        %parallel_loop3A_400 = vector.shape_cast %parallel_loop3A_399 : vector<1x16xf32> to vector<16xf32>
        %parallel_loop3A_401 = arith.index_cast %rem3A_111 : i32 to index
        %parallel_loop3A_402 = arith.index_cast %parallel_loop3A_198 : i32 to index
        %parallel_loop3A_403 = arith.constant 176 : index
        %parallel_loop3A_404 = tpu.vector_load %arg8[%parallel_loop3A_401, %parallel_loop3A_402, %parallel_loop3A_403] {strides = array<i32>} : memref<3x32x1024xf32, #tpu.memory_space<vmem>>, vector<1x1x16xf32>,
        %parallel_loop3A_405 = vector.shape_cast %parallel_loop3A_404 : vector<1x1x16xf32> to vector<16xf32>
        %parallel_loop3A_406 = vector.shape_cast %parallel_loop3A_400 : vector<16xf32> to vector<1x1x16xf32>
        tpu.vector_store %arg8[%parallel_loop3A_401, %parallel_loop3A_402, %parallel_loop3A_403], %parallel_loop3A_406 {add = true, strides = array<i32>} : memref<3x32x1024xf32, #tpu.memory_space<vmem>>, vector<1x1x16xf32>,
        %parallel_loop3A_407 = arith.constant 16 : i32
        %parallel_loop3A_408 = arith.addi %parallel_loop3A_407, %parallel_loop3A_198 : i32
        %parallel_loop3A_409 = arith.index_cast %rem3A_111 : i32 to index
        %parallel_loop3A_410 = arith.index_cast %parallel_loop3A_408 : i32 to index
        %parallel_loop3A_411 = arith.constant 176 : index
        %parallel_loop3A_412 = tpu.vector_load %arg8[%parallel_loop3A_409, %parallel_loop3A_410, %parallel_loop3A_411] {strides = array<i32>} : memref<3x32x1024xf32, #tpu.memory_space<vmem>>, vector<1x1x16xf32>,
        %parallel_loop3A_413 = vector.shape_cast %parallel_loop3A_412 : vector<1x1x16xf32> to vector<16xf32>
        %parallel_loop3A_414 = vector.shape_cast %parallel_loop3A_400 : vector<16xf32> to vector<1x1x16xf32>
        tpu.vector_store %arg8[%parallel_loop3A_409, %parallel_loop3A_410, %parallel_loop3A_411], %parallel_loop3A_414 {add = true, strides = array<i32>} : memref<3x32x1024xf32, #tpu.memory_space<vmem>>, vector<1x1x16xf32>,
        %parallel_loop3A_415 = arith.index_cast %parallel_loop3A_198 : i32 to index
        %parallel_loop3A_416 = arith.constant 192 : index
        %parallel_loop3A_417 = tpu.vector_load %arg7[%parallel_loop3A_415, %parallel_loop3A_416] {strides = array<i32>} : memref<16x1024xf32, #tpu.memory_space<vmem>>, vector<1x16xf32>,
        %parallel_loop3A_418 = vector.shape_cast %parallel_loop3A_417 : vector<1x16xf32> to vector<16xf32>
        %parallel_loop3A_419 = arith.index_cast %rem3A_111 : i32 to index
        %parallel_loop3A_420 = arith.index_cast %parallel_loop3A_198 : i32 to index
        %parallel_loop3A_421 = arith.constant 192 : index
        %parallel_loop3A_422 = tpu.vector_load %arg8[%parallel_loop3A_419, %parallel_loop3A_420, %parallel_loop3A_421] {strides = array<i32>} : memref<3x32x1024xf32, #tpu.memory_space<vmem>>, vector<1x1x16xf32>,
        %parallel_loop3A_423 = vector.shape_cast %parallel_loop3A_422 : vector<1x1x16xf32> to vector<16xf32>
        %parallel_loop3A_424 = vector.shape_cast %parallel_loop3A_418 : vector<16xf32> to vector<1x1x16xf32>
        tpu.vector_store %arg8[%parallel_loop3A_419, %parallel_loop3A_420, %parallel_loop3A_421], %parallel_loop3A_424 {add = true, strides = array<i32>} : memref<3x32x1024xf32, #tpu.memory_space<vmem>>, vector<1x1x16xf32>,
        %parallel_loop3A_425 = arith.constant 16 : i32
        %parallel_loop3A_426 = arith.addi %parallel_loop3A_425, %parallel_loop3A_198 : i32
        %parallel_loop3A_427 = arith.index_cast %rem3A_111 : i32 to index
        %parallel_loop3A_428 = arith.index_cast %parallel_loop3A_426 : i32 to index
        %parallel_loop3A_429 = arith.constant 192 : index
        %parallel_loop3A_430 = tpu.vector_load %arg8[%parallel_loop3A_427, %parallel_loop3A_428, %parallel_loop3A_429] {strides = array<i32>} : memref<3x32x1024xf32, #tpu.memory_space<vmem>>, vector<1x1x16xf32>,
        %parallel_loop3A_431 = vector.shape_cast %parallel_loop3A_430 : vector<1x1x16xf32> to vector<16xf32>
        %parallel_loop3A_432 = vector.shape_cast %parallel_loop3A_418 : vector<16xf32> to vector<1x1x16xf32>
        tpu.vector_store %arg8[%parallel_loop3A_427, %parallel_loop3A_428, %parallel_loop3A_429], %parallel_loop3A_432 {add = true, strides = array<i32>} : memref<3x32x1024xf32, #tpu.memory_space<vmem>>, vector<1x1x16xf32>,
        %parallel_loop3A_433 = arith.index_cast %parallel_loop3A_198 : i32 to index
        %parallel_loop3A_434 = arith.constant 208 : index
        %parallel_loop3A_435 = tpu.vector_load %arg7[%parallel_loop3A_433, %parallel_loop3A_434] {strides = array<i32>} : memref<16x1024xf32, #tpu.memory_space<vmem>>, vector<1x16xf32>,
        %parallel_loop3A_436 = vector.shape_cast %parallel_loop3A_435 : vector<1x16xf32> to vector<16xf32>
        %parallel_loop3A_437 = arith.index_cast %rem3A_111 : i32 to index
        %parallel_loop3A_438 = arith.index_cast %parallel_loop3A_198 : i32 to index
        %parallel_loop3A_439 = arith.constant 208 : index
        %parallel_loop3A_440 = tpu.vector_load %arg8[%parallel_loop3A_437, %parallel_loop3A_438, %parallel_loop3A_439] {strides = array<i32>} : memref<3x32x1024xf32, #tpu.memory_space<vmem>>, vector<1x1x16xf32>,
        %parallel_loop3A_441 = vector.shape_cast %parallel_loop3A_440 : vector<1x1x16xf32> to vector<16xf32>
        %parallel_loop3A_442 = vector.shape_cast %parallel_loop3A_436 : vector<16xf32> to vector<1x1x16xf32>
        tpu.vector_store %arg8[%parallel_loop3A_437, %parallel_loop3A_438, %parallel_loop3A_439], %parallel_loop3A_442 {add = true, strides = array<i32>} : memref<3x32x1024xf32, #tpu.memory_space<vmem>>, vector<1x1x16xf32>,
        %parallel_loop3A_443 = arith.constant 16 : i32
        %parallel_loop3A_444 = arith.addi %parallel_loop3A_443, %parallel_loop3A_198 : i32
        %parallel_loop3A_445 = arith.index_cast %rem3A_111 : i32 to index
        %parallel_loop3A_446 = arith.index_cast %parallel_loop3A_444 : i32 to index
        %parallel_loop3A_447 = arith.constant 208 : index
        %parallel_loop3A_448 = tpu.vector_load %arg8[%parallel_loop3A_445, %parallel_loop3A_446, %parallel_loop3A_447] {strides = array<i32>} : memref<3x32x1024xf32, #tpu.memory_space<vmem>>, vector<1x1x16xf32>,
        %parallel_loop3A_449 = vector.shape_cast %parallel_loop3A_448 : vector<1x1x16xf32> to vector<16xf32>
        %parallel_loop3A_450 = vector.shape_cast %parallel_loop3A_436 : vector<16xf32> to vector<1x1x16xf32>
        tpu.vector_store %arg8[%parallel_loop3A_445, %parallel_loop3A_446, %parallel_loop3A_447], %parallel_loop3A_450 {add = true, strides = array<i32>} : memref<3x32x1024xf32, #tpu.memory_space<vmem>>, vector<1x1x16xf32>,
        %parallel_loop3A_451 = arith.index_cast %parallel_loop3A_198 : i32 to index
        %parallel_loop3A_452 = arith.constant 224 : index
        %parallel_loop3A_453 = tpu.vector_load %arg7[%parallel_loop3A_451, %parallel_loop3A_452] {strides = array<i32>} : memref<16x1024xf32, #tpu.memory_space<vmem>>, vector<1x16xf32>,
        %parallel_loop3A_454 = vector.shape_cast %parallel_loop3A_453 : vector<1x16xf32> to vector<16xf32>
        %parallel_loop3A_455 = arith.index_cast %rem3A_111 : i32 to index
        %parallel_loop3A_456 = arith.index_cast %parallel_loop3A_198 : i32 to index
        %parallel_loop3A_457 = arith.constant 224 : index
        %parallel_loop3A_458 = tpu.vector_load %arg8[%parallel_loop3A_455, %parallel_loop3A_456, %parallel_loop3A_457] {strides = array<i32>} : memref<3x32x1024xf32, #tpu.memory_space<vmem>>, vector<1x1x16xf32>,
        %parallel_loop3A_459 = vector.shape_cast %parallel_loop3A_458 : vector<1x1x16xf32> to vector<16xf32>
        %parallel_loop3A_460 = vector.shape_cast %parallel_loop3A_454 : vector<16xf32> to vector<1x1x16xf32>
        tpu.vector_store %arg8[%parallel_loop3A_455, %parallel_loop3A_456, %parallel_loop3A_457], %parallel_loop3A_460 {add = true, strides = array<i32>} : memref<3x32x1024xf32, #tpu.memory_space<vmem>>, vector<1x1x16xf32>,
        %parallel_loop3A_461 = arith.constant 16 : i32
        %parallel_loop3A_462 = arith.addi %parallel_loop3A_461, %parallel_loop3A_198 : i32
        %parallel_loop3A_463 = arith.index_cast %rem3A_111 : i32 to index
        %parallel_loop3A_464 = arith.index_cast %parallel_loop3A_462 : i32 to index
        %parallel_loop3A_465 = arith.constant 224 : index
        %parallel_loop3A_466 = tpu.vector_load %arg8[%parallel_loop3A_463, %parallel_loop3A_464, %parallel_loop3A_465] {strides = array<i32>} : memref<3x32x1024xf32, #tpu.memory_space<vmem>>, vector<1x1x16xf32>,
        %parallel_loop3A_467 = vector.shape_cast %parallel_loop3A_466 : vector<1x1x16xf32> to vector<16xf32>
        %parallel_loop3A_468 = vector.shape_cast %parallel_loop3A_454 : vector<16xf32> to vector<1x1x16xf32>
        tpu.vector_store %arg8[%parallel_loop3A_463, %parallel_loop3A_464, %parallel_loop3A_465], %parallel_loop3A_468 {add = true, strides = array<i32>} : memref<3x32x1024xf32, #tpu.memory_space<vmem>>, vector<1x1x16xf32>,
        %parallel_loop3A_469 = arith.index_cast %parallel_loop3A_198 : i32 to index
        %parallel_loop3A_470 = arith.constant 240 : index
        %parallel_loop3A_471 = tpu.vector_load %arg7[%parallel_loop3A_469, %parallel_loop3A_470] {strides = array<i32>} : memref<16x1024xf32, #tpu.memory_space<vmem>>, vector<1x16xf32>,
        %parallel_loop3A_472 = vector.shape_cast %parallel_loop3A_471 : vector<1x16xf32> to vector<16xf32>
        %parallel_loop3A_473 = arith.index_cast %rem3A_111 : i32 to index
        %parallel_loop3A_474 = arith.index_cast %parallel_loop3A_198 : i32 to index
        %parallel_loop3A_475 = arith.constant 240 : index
        %parallel_loop3A_476 = tpu.vector_load %arg8[%parallel_loop3A_473, %parallel_loop3A_474, %parallel_loop3A_475] {strides = array<i32>} : memref<3x32x1024xf32, #tpu.memory_space<vmem>>, vector<1x1x16xf32>,
        %parallel_loop3A_477 = vector.shape_cast %parallel_loop3A_476 : vector<1x1x16xf32> to vector<16xf32>
        %parallel_loop3A_478 = vector.shape_cast %parallel_loop3A_472 : vector<16xf32> to vector<1x1x16xf32>
        tpu.vector_store %arg8[%parallel_loop3A_473, %parallel_loop3A_474, %parallel_loop3A_475], %parallel_loop3A_478 {add = true, strides = array<i32>} : memref<3x32x1024xf32, #tpu.memory_space<vmem>>, vector<1x1x16xf32>,
        %parallel_loop3A_479 = arith.constant 16 : i32
        %parallel_loop3A_480 = arith.addi %parallel_loop3A_479, %parallel_loop3A_198 : i32
        %parallel_loop3A_481 = arith.index_cast %rem3A_111 : i32 to index
        %parallel_loop3A_482 = arith.index_cast %parallel_loop3A_480 : i32 to index
        %parallel_loop3A_483 = arith.constant 240 : index
        %parallel_loop3A_484 = tpu.vector_load %arg8[%parallel_loop3A_481, %parallel_loop3A_482, %parallel_loop3A_483] {strides = array<i32>} : memref<3x32x1024xf32, #tpu.memory_space<vmem>>, vector<1x1x16xf32>,
        %parallel_loop3A_485 = vector.shape_cast %parallel_loop3A_484 : vector<1x1x16xf32> to vector<16xf32>
        %parallel_loop3A_486 = vector.shape_cast %parallel_loop3A_472 : vector<16xf32> to vector<1x1x16xf32>
        tpu.vector_store %arg8[%parallel_loop3A_481, %parallel_loop3A_482, %parallel_loop3A_483], %parallel_loop3A_486 {add = true, strides = array<i32>} : memref<3x32x1024xf32, #tpu.memory_space<vmem>>, vector<1x1x16xf32>,
        %parallel_loop3A_487 = arith.index_cast %parallel_loop3A_198 : i32 to index
        %parallel_loop3A_488 = arith.constant 256 : index
        %parallel_loop3A_489 = tpu.vector_load %arg7[%parallel_loop3A_487, %parallel_loop3A_488] {strides = array<i32>} : memref<16x1024xf32, #tpu.memory_space<vmem>>, vector<1x16xf32>,
        %parallel_loop3A_490 = vector.shape_cast %parallel_loop3A_489 : vector<1x16xf32> to vector<16xf32>
        %parallel_loop3A_491 = arith.index_cast %rem3A_111 : i32 to index
        %parallel_loop3A_492 = arith.index_cast %parallel_loop3A_198 : i32 to index
        %parallel_loop3A_493 = arith.constant 256 : index
        %parallel_loop3A_494 = tpu.vector_load %arg8[%parallel_loop3A_491, %parallel_loop3A_492, %parallel_loop3A_493] {strides = array<i32>} : memref<3x32x1024xf32, #tpu.memory_space<vmem>>, vector<1x1x16xf32>,
        %parallel_loop3A_495 = vector.shape_cast %parallel_loop3A_494 : vector<1x1x16xf32> to vector<16xf32>
        %parallel_loop3A_496 = vector.shape_cast %parallel_loop3A_490 : vector<16xf32> to vector<1x1x16xf32>
        tpu.vector_store %arg8[%parallel_loop3A_491, %parallel_loop3A_492, %parallel_loop3A_493], %parallel_loop3A_496 {add = true, strides = array<i32>} : memref<3x32x1024xf32, #tpu.memory_space<vmem>>, vector<1x1x16xf32>,
        %parallel_loop3A_497 = arith.constant 16 : i32
        %parallel_loop3A_498 = arith.addi %parallel_loop3A_497, %parallel_loop3A_198 : i32
        %parallel_loop3A_499 = arith.index_cast %rem3A_111 : i32 to index
        %parallel_loop3A_500 = arith.index_cast %parallel_loop3A_498 : i32 to index
        %parallel_loop3A_501 = arith.constant 256 : index
        %parallel_loop3A_502 = tpu.vector_load %arg8[%parallel_loop3A_499, %parallel_loop3A_500, %parallel_loop3A_501] {strides = array<i32>} : memref<3x32x1024xf32, #tpu.memory_space<vmem>>, vector<1x1x16xf32>,
        %parallel_loop3A_503 = vector.shape_cast %parallel_loop3A_502 : vector<1x1x16xf32> to vector<16xf32>
        %parallel_loop3A_504 = vector.shape_cast %parallel_loop3A_490 : vector<16xf32> to vector<1x1x16xf32>
        tpu.vector_store %arg8[%parallel_loop3A_499, %parallel_loop3A_500, %parallel_loop3A_501], %parallel_loop3A_504 {add = true, strides = array<i32>} : memref<3x32x1024xf32, #tpu.memory_space<vmem>>, vector<1x1x16xf32>,
        %parallel_loop3A_505 = arith.index_cast %parallel_loop3A_198 : i32 to index
        %parallel_loop3A_506 = arith.constant 272 : index
        %parallel_loop3A_507 = tpu.vector_load %arg7[%parallel_loop3A_505, %parallel_loop3A_506] {strides = array<i32>} : memref<16x1024xf32, #tpu.memory_space<vmem>>, vector<1x16xf32>,
        %parallel_loop3A_508 = vector.shape_cast %parallel_loop3A_507 : vector<1x16xf32> to vector<16xf32>
        %parallel_loop3A_509 = arith.index_cast %rem3A_111 : i32 to index
        %parallel_loop3A_510 = arith.index_cast %parallel_loop3A_198 : i32 to index
        %parallel_loop3A_511 = arith.constant 272 : index
        %parallel_loop3A_512 = tpu.vector_load %arg8[%parallel_loop3A_509, %parallel_loop3A_510, %parallel_loop3A_511] {strides = array<i32>} : memref<3x32x1024xf32, #tpu.memory_space<vmem>>, vector<1x1x16xf32>,
        %parallel_loop3A_513 = vector.shape_cast %parallel_loop3A_512 : vector<1x1x16xf32> to vector<16xf32>
        %parallel_loop3A_514 = vector.shape_cast %parallel_loop3A_508 : vector<16xf32> to vector<1x1x16xf32>
        tpu.vector_store %arg8[%parallel_loop3A_509, %parallel_loop3A_510, %parallel_loop3A_511], %parallel_loop3A_514 {add = true, strides = array<i32>} : memref<3x32x1024xf32, #tpu.memory_space<vmem>>, vector<1x1x16xf32>,
        %parallel_loop3A_515 = arith.constant 16 : i32
        %parallel_loop3A_516 = arith.addi %parallel_loop3A_515, %parallel_loop3A_198 : i32
        %parallel_loop3A_517 = arith.index_cast %rem3A_111 : i32 to index
        %parallel_loop3A_518 = arith.index_cast %parallel_loop3A_516 : i32 to index
        %parallel_loop3A_519 = arith.constant 272 : index
        %parallel_loop3A_520 = tpu.vector_load %arg8[%parallel_loop3A_517, %parallel_loop3A_518, %parallel_loop3A_519] {strides = array<i32>} : memref<3x32x1024xf32, #tpu.memory_space<vmem>>, vector<1x1x16xf32>,
        %parallel_loop3A_521 = vector.shape_cast %parallel_loop3A_520 : vector<1x1x16xf32> to vector<16xf32>
        %parallel_loop3A_522 = vector.shape_cast %parallel_loop3A_508 : vector<16xf32> to vector<1x1x16xf32>
        tpu.vector_store %arg8[%parallel_loop3A_517, %parallel_loop3A_518, %parallel_loop3A_519], %parallel_loop3A_522 {add = true, strides = array<i32>} : memref<3x32x1024xf32, #tpu.memory_space<vmem>>, vector<1x1x16xf32>,
        %parallel_loop3A_523 = arith.index_cast %parallel_loop3A_198 : i32 to index
        %parallel_loop3A_524 = arith.constant 288 : index
        %parallel_loop3A_525 = tpu.vector_load %arg7[%parallel_loop3A_523, %parallel_loop3A_524] {strides = array<i32>} : memref<16x1024xf32, #tpu.memory_space<vmem>>, vector<1x16xf32>,
        %parallel_loop3A_526 = vector.shape_cast %parallel_loop3A_525 : vector<1x16xf32> to vector<16xf32>
        %parallel_loop3A_527 = arith.index_cast %rem3A_111 : i32 to index
        %parallel_loop3A_528 = arith.index_cast %parallel_loop3A_198 : i32 to index
        %parallel_loop3A_529 = arith.constant 288 : index
        %parallel_loop3A_530 = tpu.vector_load %arg8[%parallel_loop3A_527, %parallel_loop3A_528, %parallel_loop3A_529] {strides = array<i32>} : memref<3x32x1024xf32, #tpu.memory_space<vmem>>, vector<1x1x16xf32>,
        %parallel_loop3A_531 = vector.shape_cast %parallel_loop3A_530 : vector<1x1x16xf32> to vector<16xf32>
        %parallel_loop3A_532 = vector.shape_cast %parallel_loop3A_526 : vector<16xf32> to vector<1x1x16xf32>
        tpu.vector_store %arg8[%parallel_loop3A_527, %parallel_loop3A_528, %parallel_loop3A_529], %parallel_loop3A_532 {add = true, strides = array<i32>} : memref<3x32x1024xf32, #tpu.memory_space<vmem>>, vector<1x1x16xf32>,
        %parallel_loop3A_533 = arith.constant 16 : i32
        %parallel_loop3A_534 = arith.addi %parallel_loop3A_533, %parallel_loop3A_198 : i32
        %parallel_loop3A_535 = arith.index_cast %rem3A_111 : i32 to index
        %parallel_loop3A_536 = arith.index_cast %parallel_loop3A_534 : i32 to index
        %parallel_loop3A_537 = arith.constant 288 : index
        %parallel_loop3A_538 = tpu.vector_load %arg8[%parallel_loop3A_535, %parallel_loop3A_536, %parallel_loop3A_537] {strides = array<i32>} : memref<3x32x1024xf32, #tpu.memory_space<vmem>>, vector<1x1x16xf32>,
        %parallel_loop3A_539 = vector.shape_cast %parallel_loop3A_538 : vector<1x1x16xf32> to vector<16xf32>
        %parallel_loop3A_540 = vector.shape_cast %parallel_loop3A_526 : vector<16xf32> to vector<1x1x16xf32>
        tpu.vector_store %arg8[%parallel_loop3A_535, %parallel_loop3A_536, %parallel_loop3A_537], %parallel_loop3A_540 {add = true, strides = array<i32>} : memref<3x32x1024xf32, #tpu.memory_space<vmem>>, vector<1x1x16xf32>,
        %parallel_loop3A_541 = arith.index_cast %parallel_loop3A_198 : i32 to index
        %parallel_loop3A_542 = arith.constant 304 : index
        %parallel_loop3A_543 = tpu.vector_load %arg7[%parallel_loop3A_541, %parallel_loop3A_542] {strides = array<i32>} : memref<16x1024xf32, #tpu.memory_space<vmem>>, vector<1x16xf32>,
        %parallel_loop3A_544 = vector.shape_cast %parallel_loop3A_543 : vector<1x16xf32> to vector<16xf32>
        %parallel_loop3A_545 = arith.index_cast %rem3A_111 : i32 to index
        %parallel_loop3A_546 = arith.index_cast %parallel_loop3A_198 : i32 to index
        %parallel_loop3A_547 = arith.constant 304 : index
        %parallel_loop3A_548 = tpu.vector_load %arg8[%parallel_loop3A_545, %parallel_loop3A_546, %parallel_loop3A_547] {strides = array<i32>} : memref<3x32x1024xf32, #tpu.memory_space<vmem>>, vector<1x1x16xf32>,
        %parallel_loop3A_549 = vector.shape_cast %parallel_loop3A_548 : vector<1x1x16xf32> to vector<16xf32>
        %parallel_loop3A_550 = vector.shape_cast %parallel_loop3A_544 : vector<16xf32> to vector<1x1x16xf32>
        tpu.vector_store %arg8[%parallel_loop3A_545, %parallel_loop3A_546, %parallel_loop3A_547], %parallel_loop3A_550 {add = true, strides = array<i32>} : memref<3x32x1024xf32, #tpu.memory_space<vmem>>, vector<1x1x16xf32>,
        %parallel_loop3A_551 = arith.constant 16 : i32
        %parallel_loop3A_552 = arith.addi %parallel_loop3A_551, %parallel_loop3A_198 : i32
        %parallel_loop3A_553 = arith.index_cast %rem3A_111 : i32 to index
        %parallel_loop3A_554 = arith.index_cast %parallel_loop3A_552 : i32 to index
        %parallel_loop3A_555 = arith.constant 304 : index
        %parallel_loop3A_556 = tpu.vector_load %arg8[%parallel_loop3A_553, %parallel_loop3A_554, %parallel_loop3A_555] {strides = array<i32>} : memref<3x32x1024xf32, #tpu.memory_space<vmem>>, vector<1x1x16xf32>,
        %parallel_loop3A_557 = vector.shape_cast %parallel_loop3A_556 : vector<1x1x16xf32> to vector<16xf32>
        %parallel_loop3A_558 = vector.shape_cast %parallel_loop3A_544 : vector<16xf32> to vector<1x1x16xf32>
        tpu.vector_store %arg8[%parallel_loop3A_553, %parallel_loop3A_554, %parallel_loop3A_555], %parallel_loop3A_558 {add = true, strides = array<i32>} : memref<3x32x1024xf32, #tpu.memory_space<vmem>>, vector<1x1x16xf32>,
        %parallel_loop3A_559 = arith.index_cast %parallel_loop3A_198 : i32 to index
        %parallel_loop3A_560 = arith.constant 320 : index
        %parallel_loop3A_561 = tpu.vector_load %arg7[%parallel_loop3A_559, %parallel_loop3A_560] {strides = array<i32>} : memref<16x1024xf32, #tpu.memory_space<vmem>>, vector<1x16xf32>,
        %parallel_loop3A_562 = vector.shape_cast %parallel_loop3A_561 : vector<1x16xf32> to vector<16xf32>
        %parallel_loop3A_563 = arith.index_cast %rem3A_111 : i32 to index
        %parallel_loop3A_564 = arith.index_cast %parallel_loop3A_198 : i32 to index
        %parallel_loop3A_565 = arith.constant 320 : index
        %parallel_loop3A_566 = tpu.vector_load %arg8[%parallel_loop3A_563, %parallel_loop3A_564, %parallel_loop3A_565] {strides = array<i32>} : memref<3x32x1024xf32, #tpu.memory_space<vmem>>, vector<1x1x16xf32>,
        %parallel_loop3A_567 = vector.shape_cast %parallel_loop3A_566 : vector<1x1x16xf32> to vector<16xf32>
        %parallel_loop3A_568 = vector.shape_cast %parallel_loop3A_562 : vector<16xf32> to vector<1x1x16xf32>
        tpu.vector_store %arg8[%parallel_loop3A_563, %parallel_loop3A_564, %parallel_loop3A_565], %parallel_loop3A_568 {add = true, strides = array<i32>} : memref<3x32x1024xf32, #tpu.memory_space<vmem>>, vector<1x1x16xf32>,
        %parallel_loop3A_569 = arith.constant 16 : i32
        %parallel_loop3A_570 = arith.addi %parallel_loop3A_569, %parallel_loop3A_198 : i32
        %parallel_loop3A_571 = arith.index_cast %rem3A_111 : i32 to index
        %parallel_loop3A_572 = arith.index_cast %parallel_loop3A_570 : i32 to index
        %parallel_loop3A_573 = arith.constant 320 : index
        %parallel_loop3A_574 = tpu.vector_load %arg8[%parallel_loop3A_571, %parallel_loop3A_572, %parallel_loop3A_573] {strides = array<i32>} : memref<3x32x1024xf32, #tpu.memory_space<vmem>>, vector<1x1x16xf32>,
        %parallel_loop3A_575 = vector.shape_cast %parallel_loop3A_574 : vector<1x1x16xf32> to vector<16xf32>
        %parallel_loop3A_576 = vector.shape_cast %parallel_loop3A_562 : vector<16xf32> to vector<1x1x16xf32>
        tpu.vector_store %arg8[%parallel_loop3A_571, %parallel_loop3A_572, %parallel_loop3A_573], %parallel_loop3A_576 {add = true, strides = array<i32>} : memref<3x32x1024xf32, #tpu.memory_space<vmem>>, vector<1x1x16xf32>,
        %parallel_loop3A_577 = arith.index_cast %parallel_loop3A_198 : i32 to index
        %parallel_loop3A_578 = arith.constant 336 : index
        %parallel_loop3A_579 = tpu.vector_load %arg7[%parallel_loop3A_577, %parallel_loop3A_578] {strides = array<i32>} : memref<16x1024xf32, #tpu.memory_space<vmem>>, vector<1x16xf32>,
        %parallel_loop3A_580 = vector.shape_cast %parallel_loop3A_579 : vector<1x16xf32> to vector<16xf32>
        %parallel_loop3A_581 = arith.index_cast %rem3A_111 : i32 to index
        %parallel_loop3A_582 = arith.index_cast %parallel_loop3A_198 : i32 to index
        %parallel_loop3A_583 = arith.constant 336 : index
        %parallel_loop3A_584 = tpu.vector_load %arg8[%parallel_loop3A_581, %parallel_loop3A_582, %parallel_loop3A_583] {strides = array<i32>} : memref<3x32x1024xf32, #tpu.memory_space<vmem>>, vector<1x1x16xf32>,
        %parallel_loop3A_585 = vector.shape_cast %parallel_loop3A_584 : vector<1x1x16xf32> to vector<16xf32>
        %parallel_loop3A_586 = vector.shape_cast %parallel_loop3A_580 : vector<16xf32> to vector<1x1x16xf32>
        tpu.vector_store %arg8[%parallel_loop3A_581, %parallel_loop3A_582, %parallel_loop3A_583], %parallel_loop3A_586 {add = true, strides = array<i32>} : memref<3x32x1024xf32, #tpu.memory_space<vmem>>, vector<1x1x16xf32>,
        %parallel_loop3A_587 = arith.constant 16 : i32
        %parallel_loop3A_588 = arith.addi %parallel_loop3A_587, %parallel_loop3A_198 : i32
        %parallel_loop3A_589 = arith.index_cast %rem3A_111 : i32 to index
        %parallel_loop3A_590 = arith.index_cast %parallel_loop3A_588 : i32 to index
        %parallel_loop3A_591 = arith.constant 336 : index
        %parallel_loop3A_592 = tpu.vector_load %arg8[%parallel_loop3A_589, %parallel_loop3A_590, %parallel_loop3A_591] {strides = array<i32>} : memref<3x32x1024xf32, #tpu.memory_space<vmem>>, vector<1x1x16xf32>,
        %parallel_loop3A_593 = vector.shape_cast %parallel_loop3A_592 : vector<1x1x16xf32> to vector<16xf32>
        %parallel_loop3A_594 = vector.shape_cast %parallel_loop3A_580 : vector<16xf32> to vector<1x1x16xf32>
        tpu.vector_store %arg8[%parallel_loop3A_589, %parallel_loop3A_590, %parallel_loop3A_591], %parallel_loop3A_594 {add = true, strides = array<i32>} : memref<3x32x1024xf32, #tpu.memory_space<vmem>>, vector<1x1x16xf32>,
        %parallel_loop3A_595 = arith.index_cast %parallel_loop3A_198 : i32 to index
        %parallel_loop3A_596 = arith.constant 352 : index
        %parallel_loop3A_597 = tpu.vector_load %arg7[%parallel_loop3A_595, %parallel_loop3A_596] {strides = array<i32>} : memref<16x1024xf32, #tpu.memory_space<vmem>>, vector<1x16xf32>,
        %parallel_loop3A_598 = vector.shape_cast %parallel_loop3A_597 : vector<1x16xf32> to vector<16xf32>
        %parallel_loop3A_599 = arith.index_cast %rem3A_111 : i32 to index
        %parallel_loop3A_600 = arith.index_cast %parallel_loop3A_198 : i32 to index
        %parallel_loop3A_601 = arith.constant 352 : index
        %parallel_loop3A_602 = tpu.vector_load %arg8[%parallel_loop3A_599, %parallel_loop3A_600, %parallel_loop3A_601] {strides = array<i32>} : memref<3x32x1024xf32, #tpu.memory_space<vmem>>, vector<1x1x16xf32>,
        %parallel_loop3A_603 = vector.shape_cast %parallel_loop3A_602 : vector<1x1x16xf32> to vector<16xf32>
        %parallel_loop3A_604 = vector.shape_cast %parallel_loop3A_598 : vector<16xf32> to vector<1x1x16xf32>
        tpu.vector_store %arg8[%parallel_loop3A_599, %parallel_loop3A_600, %parallel_loop3A_601], %parallel_loop3A_604 {add = true, strides = array<i32>} : memref<3x32x1024xf32, #tpu.memory_space<vmem>>, vector<1x1x16xf32>,
        %parallel_loop3A_605 = arith.constant 16 : i32
        %parallel_loop3A_606 = arith.addi %parallel_loop3A_605, %parallel_loop3A_198 : i32
        %parallel_loop3A_607 = arith.index_cast %rem3A_111 : i32 to index
        %parallel_loop3A_608 = arith.index_cast %parallel_loop3A_606 : i32 to index
        %parallel_loop3A_609 = arith.constant 352 : index
        %parallel_loop3A_610 = tpu.vector_load %arg8[%parallel_loop3A_607, %parallel_loop3A_608, %parallel_loop3A_609] {strides = array<i32>} : memref<3x32x1024xf32, #tpu.memory_space<vmem>>, vector<1x1x16xf32>,
        %parallel_loop3A_611 = vector.shape_cast %parallel_loop3A_610 : vector<1x1x16xf32> to vector<16xf32>
        %parallel_loop3A_612 = vector.shape_cast %parallel_loop3A_598 : vector<16xf32> to vector<1x1x16xf32>
        tpu.vector_store %arg8[%parallel_loop3A_607, %parallel_loop3A_608, %parallel_loop3A_609], %parallel_loop3A_612 {add = true, strides = array<i32>} : memref<3x32x1024xf32, #tpu.memory_space<vmem>>, vector<1x1x16xf32>,
        %parallel_loop3A_613 = arith.index_cast %parallel_loop3A_198 : i32 to index
        %parallel_loop3A_614 = arith.constant 368 : index
        %parallel_loop3A_615 = tpu.vector_load %arg7[%parallel_loop3A_613, %parallel_loop3A_614] {strides = array<i32>} : memref<16x1024xf32, #tpu.memory_space<vmem>>, vector<1x16xf32>,
        %parallel_loop3A_616 = vector.shape_cast %parallel_loop3A_615 : vector<1x16xf32> to vector<16xf32>
        %parallel_loop3A_617 = arith.index_cast %rem3A_111 : i32 to index
        %parallel_loop3A_618 = arith.index_cast %parallel_loop3A_198 : i32 to index
        %parallel_loop3A_619 = arith.constant 368 : index
        %parallel_loop3A_620 = tpu.vector_load %arg8[%parallel_loop3A_617, %parallel_loop3A_618, %parallel_loop3A_619] {strides = array<i32>} : memref<3x32x1024xf32, #tpu.memory_space<vmem>>, vector<1x1x16xf32>,
        %parallel_loop3A_621 = vector.shape_cast %parallel_loop3A_620 : vector<1x1x16xf32> to vector<16xf32>
        %parallel_loop3A_622 = vector.shape_cast %parallel_loop3A_616 : vector<16xf32> to vector<1x1x16xf32>
        tpu.vector_store %arg8[%parallel_loop3A_617, %parallel_loop3A_618, %parallel_loop3A_619], %parallel_loop3A_622 {add = true, strides = array<i32>} : memref<3x32x1024xf32, #tpu.memory_space<vmem>>, vector<1x1x16xf32>,
        %parallel_loop3A_623 = arith.constant 16 : i32
        %parallel_loop3A_624 = arith.addi %parallel_loop3A_623, %parallel_loop3A_198 : i32
        %parallel_loop3A_625 = arith.index_cast %rem3A_111 : i32 to index
        %parallel_loop3A_626 = arith.index_cast %parallel_loop3A_624 : i32 to index
        %parallel_loop3A_627 = arith.constant 368 : index
        %parallel_loop3A_628 = tpu.vector_load %arg8[%parallel_loop3A_625, %parallel_loop3A_626, %parallel_loop3A_627] {strides = array<i32>} : memref<3x32x1024xf32, #tpu.memory_space<vmem>>, vector<1x1x16xf32>,
        %parallel_loop3A_629 = vector.shape_cast %parallel_loop3A_628 : vector<1x1x16xf32> to vector<16xf32>
        %parallel_loop3A_630 = vector.shape_cast %parallel_loop3A_616 : vector<16xf32> to vector<1x1x16xf32>
        tpu.vector_store %arg8[%parallel_loop3A_625, %parallel_loop3A_626, %parallel_loop3A_627], %parallel_loop3A_630 {add = true, strides = array<i32>} : memref<3x32x1024xf32, #tpu.memory_space<vmem>>, vector<1x1x16xf32>,
        %parallel_loop3A_631 = arith.index_cast %parallel_loop3A_198 : i32 to index
        %parallel_loop3A_632 = arith.constant 384 : index
        %parallel_loop3A_633 = tpu.vector_load %arg7[%parallel_loop3A_631, %parallel_loop3A_632] {strides = array<i32>} : memref<16x1024xf32, #tpu.memory_space<vmem>>, vector<1x16xf32>,
        %parallel_loop3A_634 = vector.shape_cast %parallel_loop3A_633 : vector<1x16xf32> to vector<16xf32>
        %parallel_loop3A_635 = arith.index_cast %rem3A_111 : i32 to index
        %parallel_loop3A_636 = arith.index_cast %parallel_loop3A_198 : i32 to index
        %parallel_loop3A_637 = arith.constant 384 : index
        %parallel_loop3A_638 = tpu.vector_load %arg8[%parallel_loop3A_635, %parallel_loop3A_636, %parallel_loop3A_637] {strides = array<i32>} : memref<3x32x1024xf32, #tpu.memory_space<vmem>>, vector<1x1x16xf32>,
        %parallel_loop3A_639 = vector.shape_cast %parallel_loop3A_638 : vector<1x1x16xf32> to vector<16xf32>
        %parallel_loop3A_640 = vector.shape_cast %parallel_loop3A_634 : vector<16xf32> to vector<1x1x16xf32>
        tpu.vector_store %arg8[%parallel_loop3A_635, %parallel_loop3A_636, %parallel_loop3A_637], %parallel_loop3A_640 {add = true, strides = array<i32>} : memref<3x32x1024xf32, #tpu.memory_space<vmem>>, vector<1x1x16xf32>,
        %parallel_loop3A_641 = arith.constant 16 : i32
        %parallel_loop3A_642 = arith.addi %parallel_loop3A_641, %parallel_loop3A_198 : i32
        %parallel_loop3A_643 = arith.index_cast %rem3A_111 : i32 to index
        %parallel_loop3A_644 = arith.index_cast %parallel_loop3A_642 : i32 to index
        %parallel_loop3A_645 = arith.constant 384 : index
        %parallel_loop3A_646 = tpu.vector_load %arg8[%parallel_loop3A_643, %parallel_loop3A_644, %parallel_loop3A_645] {strides = array<i32>} : memref<3x32x1024xf32, #tpu.memory_space<vmem>>, vector<1x1x16xf32>,
        %parallel_loop3A_647 = vector.shape_cast %parallel_loop3A_646 : vector<1x1x16xf32> to vector<16xf32>
        %parallel_loop3A_648 = vector.shape_cast %parallel_loop3A_634 : vector<16xf32> to vector<1x1x16xf32>
        tpu.vector_store %arg8[%parallel_loop3A_643, %parallel_loop3A_644, %parallel_loop3A_645], %parallel_loop3A_648 {add = true, strides = array<i32>} : memref<3x32x1024xf32, #tpu.memory_space<vmem>>, vector<1x1x16xf32>,
        %parallel_loop3A_649 = arith.index_cast %parallel_loop3A_198 : i32 to index
        %parallel_loop3A_650 = arith.constant 400 : index
        %parallel_loop3A_651 = tpu.vector_load %arg7[%parallel_loop3A_649, %parallel_loop3A_650] {strides = array<i32>} : memref<16x1024xf32, #tpu.memory_space<vmem>>, vector<1x16xf32>,
        %parallel_loop3A_652 = vector.shape_cast %parallel_loop3A_651 : vector<1x16xf32> to vector<16xf32>
        %parallel_loop3A_653 = arith.index_cast %rem3A_111 : i32 to index
        %parallel_loop3A_654 = arith.index_cast %parallel_loop3A_198 : i32 to index
        %parallel_loop3A_655 = arith.constant 400 : index
        %parallel_loop3A_656 = tpu.vector_load %arg8[%parallel_loop3A_653, %parallel_loop3A_654, %parallel_loop3A_655] {strides = array<i32>} : memref<3x32x1024xf32, #tpu.memory_space<vmem>>, vector<1x1x16xf32>,
        %parallel_loop3A_657 = vector.shape_cast %parallel_loop3A_656 : vector<1x1x16xf32> to vector<16xf32>
        %parallel_loop3A_658 = vector.shape_cast %parallel_loop3A_652 : vector<16xf32> to vector<1x1x16xf32>
        tpu.vector_store %arg8[%parallel_loop3A_653, %parallel_loop3A_654, %parallel_loop3A_655], %parallel_loop3A_658 {add = true, strides = array<i32>} : memref<3x32x1024xf32, #tpu.memory_space<vmem>>, vector<1x1x16xf32>,
        %parallel_loop3A_659 = arith.constant 16 : i32
        %parallel_loop3A_660 = arith.addi %parallel_loop3A_659, %parallel_loop3A_198 : i32
        %parallel_loop3A_661 = arith.index_cast %rem3A_111 : i32 to index
        %parallel_loop3A_662 = arith.index_cast %parallel_loop3A_660 : i32 to index
        %parallel_loop3A_663 = arith.constant 400 : index
        %parallel_loop3A_664 = tpu.vector_load %arg8[%parallel_loop3A_661, %parallel_loop3A_662, %parallel_loop3A_663] {strides = array<i32>} : memref<3x32x1024xf32, #tpu.memory_space<vmem>>, vector<1x1x16xf32>,
        %parallel_loop3A_665 = vector.shape_cast %parallel_loop3A_664 : vector<1x1x16xf32> to vector<16xf32>
        %parallel_loop3A_666 = vector.shape_cast %parallel_loop3A_652 : vector<16xf32> to vector<1x1x16xf32>
        tpu.vector_store %arg8[%parallel_loop3A_661, %parallel_loop3A_662, %parallel_loop3A_663], %parallel_loop3A_666 {add = true, strides = array<i32>} : memref<3x32x1024xf32, #tpu.memory_space<vmem>>, vector<1x1x16xf32>,
        %parallel_loop3A_667 = arith.index_cast %parallel_loop3A_198 : i32 to index
        %parallel_loop3A_668 = arith.constant 416 : index
        %parallel_loop3A_669 = tpu.vector_load %arg7[%parallel_loop3A_667, %parallel_loop3A_668] {strides = array<i32>} : memref<16x1024xf32, #tpu.memory_space<vmem>>, vector<1x16xf32>,
        %parallel_loop3A_670 = vector.shape_cast %parallel_loop3A_669 : vector<1x16xf32> to vector<16xf32>
        %parallel_loop3A_671 = arith.index_cast %rem3A_111 : i32 to index
        %parallel_loop3A_672 = arith.index_cast %parallel_loop3A_198 : i32 to index
        %parallel_loop3A_673 = arith.constant 416 : index
        %parallel_loop3A_674 = tpu.vector_load %arg8[%parallel_loop3A_671, %parallel_loop3A_672, %parallel_loop3A_673] {strides = array<i32>} : memref<3x32x1024xf32, #tpu.memory_space<vmem>>, vector<1x1x16xf32>,
        %parallel_loop3A_675 = vector.shape_cast %parallel_loop3A_674 : vector<1x1x16xf32> to vector<16xf32>
        %parallel_loop3A_676 = vector.shape_cast %parallel_loop3A_670 : vector<16xf32> to vector<1x1x16xf32>
        tpu.vector_store %arg8[%parallel_loop3A_671, %parallel_loop3A_672, %parallel_loop3A_673], %parallel_loop3A_676 {add = true, strides = array<i32>} : memref<3x32x1024xf32, #tpu.memory_space<vmem>>, vector<1x1x16xf32>,
        %parallel_loop3A_677 = arith.constant 16 : i32
        %parallel_loop3A_678 = arith.addi %parallel_loop3A_677, %parallel_loop3A_198 : i32
        %parallel_loop3A_679 = arith.index_cast %rem3A_111 : i32 to index
        %parallel_loop3A_680 = arith.index_cast %parallel_loop3A_678 : i32 to index
        %parallel_loop3A_681 = arith.constant 416 : index
        %parallel_loop3A_682 = tpu.vector_load %arg8[%parallel_loop3A_679, %parallel_loop3A_680, %parallel_loop3A_681] {strides = array<i32>} : memref<3x32x1024xf32, #tpu.memory_space<vmem>>, vector<1x1x16xf32>,
        %parallel_loop3A_683 = vector.shape_cast %parallel_loop3A_682 : vector<1x1x16xf32> to vector<16xf32>
        %parallel_loop3A_684 = vector.shape_cast %parallel_loop3A_670 : vector<16xf32> to vector<1x1x16xf32>
        tpu.vector_store %arg8[%parallel_loop3A_679, %parallel_loop3A_680, %parallel_loop3A_681], %parallel_loop3A_684 {add = true, strides = array<i32>} : memref<3x32x1024xf32, #tpu.memory_space<vmem>>, vector<1x1x16xf32>,
        %parallel_loop3A_685 = arith.index_cast %parallel_loop3A_198 : i32 to index
        %parallel_loop3A_686 = arith.constant 432 : index
        %parallel_loop3A_687 = tpu.vector_load %arg7[%parallel_loop3A_685, %parallel_loop3A_686] {strides = array<i32>} : memref<16x1024xf32, #tpu.memory_space<vmem>>, vector<1x16xf32>,
        %parallel_loop3A_688 = vector.shape_cast %parallel_loop3A_687 : vector<1x16xf32> to vector<16xf32>
        %parallel_loop3A_689 = arith.index_cast %rem3A_111 : i32 to index
        %parallel_loop3A_690 = arith.index_cast %parallel_loop3A_198 : i32 to index
        %parallel_loop3A_691 = arith.constant 432 : index
        %parallel_loop3A_692 = tpu.vector_load %arg8[%parallel_loop3A_689, %parallel_loop3A_690, %parallel_loop3A_691] {strides = array<i32>} : memref<3x32x1024xf32, #tpu.memory_space<vmem>>, vector<1x1x16xf32>,
        %parallel_loop3A_693 = vector.shape_cast %parallel_loop3A_692 : vector<1x1x16xf32> to vector<16xf32>
        %parallel_loop3A_694 = vector.shape_cast %parallel_loop3A_688 : vector<16xf32> to vector<1x1x16xf32>
        tpu.vector_store %arg8[%parallel_loop3A_689, %parallel_loop3A_690, %parallel_loop3A_691], %parallel_loop3A_694 {add = true, strides = array<i32>} : memref<3x32x1024xf32, #tpu.memory_space<vmem>>, vector<1x1x16xf32>,
        %parallel_loop3A_695 = arith.constant 16 : i32
        %parallel_loop3A_696 = arith.addi %parallel_loop3A_695, %parallel_loop3A_198 : i32
        %parallel_loop3A_697 = arith.index_cast %rem3A_111 : i32 to index
        %parallel_loop3A_698 = arith.index_cast %parallel_loop3A_696 : i32 to index
        %parallel_loop3A_699 = arith.constant 432 : index
        %parallel_loop3A_700 = tpu.vector_load %arg8[%parallel_loop3A_697, %parallel_loop3A_698, %parallel_loop3A_699] {strides = array<i32>} : memref<3x32x1024xf32, #tpu.memory_space<vmem>>, vector<1x1x16xf32>,
        %parallel_loop3A_701 = vector.shape_cast %parallel_loop3A_700 : vector<1x1x16xf32> to vector<16xf32>
        %parallel_loop3A_702 = vector.shape_cast %parallel_loop3A_688 : vector<16xf32> to vector<1x1x16xf32>
        tpu.vector_store %arg8[%parallel_loop3A_697, %parallel_loop3A_698, %parallel_loop3A_699], %parallel_loop3A_702 {add = true, strides = array<i32>} : memref<3x32x1024xf32, #tpu.memory_space<vmem>>, vector<1x1x16xf32>,
        %parallel_loop3A_703 = arith.index_cast %parallel_loop3A_198 : i32 to index
        %parallel_loop3A_704 = arith.constant 448 : index
        %parallel_loop3A_705 = tpu.vector_load %arg7[%parallel_loop3A_703, %parallel_loop3A_704] {strides = array<i32>} : memref<16x1024xf32, #tpu.memory_space<vmem>>, vector<1x16xf32>,
        %parallel_loop3A_706 = vector.shape_cast %parallel_loop3A_705 : vector<1x16xf32> to vector<16xf32>
        %parallel_loop3A_707 = arith.index_cast %rem3A_111 : i32 to index
        %parallel_loop3A_708 = arith.index_cast %parallel_loop3A_198 : i32 to index
        %parallel_loop3A_709 = arith.constant 448 : index
        %parallel_loop3A_710 = tpu.vector_load %arg8[%parallel_loop3A_707, %parallel_loop3A_708, %parallel_loop3A_709] {strides = array<i32>} : memref<3x32x1024xf32, #tpu.memory_space<vmem>>, vector<1x1x16xf32>,
        %parallel_loop3A_711 = vector.shape_cast %parallel_loop3A_710 : vector<1x1x16xf32> to vector<16xf32>
        %parallel_loop3A_712 = vector.shape_cast %parallel_loop3A_706 : vector<16xf32> to vector<1x1x16xf32>
        tpu.vector_store %arg8[%parallel_loop3A_707, %parallel_loop3A_708, %parallel_loop3A_709], %parallel_loop3A_712 {add = true, strides = array<i32>} : memref<3x32x1024xf32, #tpu.memory_space<vmem>>, vector<1x1x16xf32>,
        %parallel_loop3A_713 = arith.constant 16 : i32
        %parallel_loop3A_714 = arith.addi %parallel_loop3A_713, %parallel_loop3A_198 : i32
        %parallel_loop3A_715 = arith.index_cast %rem3A_111 : i32 to index
        %parallel_loop3A_716 = arith.index_cast %parallel_loop3A_714 : i32 to index
        %parallel_loop3A_717 = arith.constant 448 : index
        %parallel_loop3A_718 = tpu.vector_load %arg8[%parallel_loop3A_715, %parallel_loop3A_716, %parallel_loop3A_717] {strides = array<i32>} : memref<3x32x1024xf32, #tpu.memory_space<vmem>>, vector<1x1x16xf32>,
        %parallel_loop3A_719 = vector.shape_cast %parallel_loop3A_718 : vector<1x1x16xf32> to vector<16xf32>
        %parallel_loop3A_720 = vector.shape_cast %parallel_loop3A_706 : vector<16xf32> to vector<1x1x16xf32>
        tpu.vector_store %arg8[%parallel_loop3A_715, %parallel_loop3A_716, %parallel_loop3A_717], %parallel_loop3A_720 {add = true, strides = array<i32>} : memref<3x32x1024xf32, #tpu.memory_space<vmem>>, vector<1x1x16xf32>,
        %parallel_loop3A_721 = arith.index_cast %parallel_loop3A_198 : i32 to index
        %parallel_loop3A_722 = arith.constant 464 : index
        %parallel_loop3A_723 = tpu.vector_load %arg7[%parallel_loop3A_721, %parallel_loop3A_722] {strides = array<i32>} : memref<16x1024xf32, #tpu.memory_space<vmem>>, vector<1x16xf32>,
        %parallel_loop3A_724 = vector.shape_cast %parallel_loop3A_723 : vector<1x16xf32> to vector<16xf32>
        %parallel_loop3A_725 = arith.index_cast %rem3A_111 : i32 to index
        %parallel_loop3A_726 = arith.index_cast %parallel_loop3A_198 : i32 to index
        %parallel_loop3A_727 = arith.constant 464 : index
        %parallel_loop3A_728 = tpu.vector_load %arg8[%parallel_loop3A_725, %parallel_loop3A_726, %parallel_loop3A_727] {strides = array<i32>} : memref<3x32x1024xf32, #tpu.memory_space<vmem>>, vector<1x1x16xf32>,
        %parallel_loop3A_729 = vector.shape_cast %parallel_loop3A_728 : vector<1x1x16xf32> to vector<16xf32>
        %parallel_loop3A_730 = vector.shape_cast %parallel_loop3A_724 : vector<16xf32> to vector<1x1x16xf32>
        tpu.vector_store %arg8[%parallel_loop3A_725, %parallel_loop3A_726, %parallel_loop3A_727], %parallel_loop3A_730 {add = true, strides = array<i32>} : memref<3x32x1024xf32, #tpu.memory_space<vmem>>, vector<1x1x16xf32>,
        %parallel_loop3A_731 = arith.constant 16 : i32
        %parallel_loop3A_732 = arith.addi %parallel_loop3A_731, %parallel_loop3A_198 : i32
        %parallel_loop3A_733 = arith.index_cast %rem3A_111 : i32 to index
        %parallel_loop3A_734 = arith.index_cast %parallel_loop3A_732 : i32 to index
        %parallel_loop3A_735 = arith.constant 464 : index
        %parallel_loop3A_736 = tpu.vector_load %arg8[%parallel_loop3A_733, %parallel_loop3A_734, %parallel_loop3A_735] {strides = array<i32>} : memref<3x32x1024xf32, #tpu.memory_space<vmem>>, vector<1x1x16xf32>,
        %parallel_loop3A_737 = vector.shape_cast %parallel_loop3A_736 : vector<1x1x16xf32> to vector<16xf32>
        %parallel_loop3A_738 = vector.shape_cast %parallel_loop3A_724 : vector<16xf32> to vector<1x1x16xf32>
        tpu.vector_store %arg8[%parallel_loop3A_733, %parallel_loop3A_734, %parallel_loop3A_735], %parallel_loop3A_738 {add = true, strides = array<i32>} : memref<3x32x1024xf32, #tpu.memory_space<vmem>>, vector<1x1x16xf32>,
        %parallel_loop3A_739 = arith.index_cast %parallel_loop3A_198 : i32 to index
        %parallel_loop3A_740 = arith.constant 480 : index
        %parallel_loop3A_741 = tpu.vector_load %arg7[%parallel_loop3A_739, %parallel_loop3A_740] {strides = array<i32>} : memref<16x1024xf32, #tpu.memory_space<vmem>>, vector<1x16xf32>,
        %parallel_loop3A_742 = vector.shape_cast %parallel_loop3A_741 : vector<1x16xf32> to vector<16xf32>
        %parallel_loop3A_743 = arith.index_cast %rem3A_111 : i32 to index
        %parallel_loop3A_744 = arith.index_cast %parallel_loop3A_198 : i32 to index
        %parallel_loop3A_745 = arith.constant 480 : index
        %parallel_loop3A_746 = tpu.vector_load %arg8[%parallel_loop3A_743, %parallel_loop3A_744, %parallel_loop3A_745] {strides = array<i32>} : memref<3x32x1024xf32, #tpu.memory_space<vmem>>, vector<1x1x16xf32>,
        %parallel_loop3A_747 = vector.shape_cast %parallel_loop3A_746 : vector<1x1x16xf32> to vector<16xf32>
        %parallel_loop3A_748 = vector.shape_cast %parallel_loop3A_742 : vector<16xf32> to vector<1x1x16xf32>
        tpu.vector_store %arg8[%parallel_loop3A_743, %parallel_loop3A_744, %parallel_loop3A_745], %parallel_loop3A_748 {add = true, strides = array<i32>} : memref<3x32x1024xf32, #tpu.memory_space<vmem>>, vector<1x1x16xf32>,
        %parallel_loop3A_749 = arith.constant 16 : i32
        %parallel_loop3A_750 = arith.addi %parallel_loop3A_749, %parallel_loop3A_198 : i32
        %parallel_loop3A_751 = arith.index_cast %rem3A_111 : i32 to index
        %parallel_loop3A_752 = arith.index_cast %parallel_loop3A_750 : i32 to index
        %parallel_loop3A_753 = arith.constant 480 : index
        %parallel_loop3A_754 = tpu.vector_load %arg8[%parallel_loop3A_751, %parallel_loop3A_752, %parallel_loop3A_753] {strides = array<i32>} : memref<3x32x1024xf32, #tpu.memory_space<vmem>>, vector<1x1x16xf32>,
        %parallel_loop3A_755 = vector.shape_cast %parallel_loop3A_754 : vector<1x1x16xf32> to vector<16xf32>
        %parallel_loop3A_756 = vector.shape_cast %parallel_loop3A_742 : vector<16xf32> to vector<1x1x16xf32>
        tpu.vector_store %arg8[%parallel_loop3A_751, %parallel_loop3A_752, %parallel_loop3A_753], %parallel_loop3A_756 {add = true, strides = array<i32>} : memref<3x32x1024xf32, #tpu.memory_space<vmem>>, vector<1x1x16xf32>,
        %parallel_loop3A_757 = arith.index_cast %parallel_loop3A_198 : i32 to index
        %parallel_loop3A_758 = arith.constant 496 : index
        %parallel_loop3A_759 = tpu.vector_load %arg7[%parallel_loop3A_757, %parallel_loop3A_758] {strides = array<i32>} : memref<16x1024xf32, #tpu.memory_space<vmem>>, vector<1x16xf32>,
        %parallel_loop3A_760 = vector.shape_cast %parallel_loop3A_759 : vector<1x16xf32> to vector<16xf32>
        %parallel_loop3A_761 = arith.index_cast %rem3A_111 : i32 to index
        %parallel_loop3A_762 = arith.index_cast %parallel_loop3A_198 : i32 to index
        %parallel_loop3A_763 = arith.constant 496 : index
        %parallel_loop3A_764 = tpu.vector_load %arg8[%parallel_loop3A_761, %parallel_loop3A_762, %parallel_loop3A_763] {strides = array<i32>} : memref<3x32x1024xf32, #tpu.memory_space<vmem>>, vector<1x1x16xf32>,
        %parallel_loop3A_765 = vector.shape_cast %parallel_loop3A_764 : vector<1x1x16xf32> to vector<16xf32>
        %parallel_loop3A_766 = vector.shape_cast %parallel_loop3A_760 : vector<16xf32> to vector<1x1x16xf32>
        tpu.vector_store %arg8[%parallel_loop3A_761, %parallel_loop3A_762, %parallel_loop3A_763], %parallel_loop3A_766 {add = true, strides = array<i32>} : memref<3x32x1024xf32, #tpu.memory_space<vmem>>, vector<1x1x16xf32>,
        %parallel_loop3A_767 = arith.constant 16 : i32
        %parallel_loop3A_768 = arith.addi %parallel_loop3A_767, %parallel_loop3A_198 : i32
        %parallel_loop3A_769 = arith.index_cast %rem3A_111 : i32 to index
        %parallel_loop3A_770 = arith.index_cast %parallel_loop3A_768 : i32 to index
        %parallel_loop3A_771 = arith.constant 496 : index
        %parallel_loop3A_772 = tpu.vector_load %arg8[%parallel_loop3A_769, %parallel_loop3A_770, %parallel_loop3A_771] {strides = array<i32>} : memref<3x32x1024xf32, #tpu.memory_space<vmem>>, vector<1x1x16xf32>,
        %parallel_loop3A_773 = vector.shape_cast %parallel_loop3A_772 : vector<1x1x16xf32> to vector<16xf32>
        %parallel_loop3A_774 = vector.shape_cast %parallel_loop3A_760 : vector<16xf32> to vector<1x1x16xf32>
        tpu.vector_store %arg8[%parallel_loop3A_769, %parallel_loop3A_770, %parallel_loop3A_771], %parallel_loop3A_774 {add = true, strides = array<i32>} : memref<3x32x1024xf32, #tpu.memory_space<vmem>>, vector<1x1x16xf32>,
        %parallel_loop3A_775 = arith.index_cast %parallel_loop3A_198 : i32 to index
        %parallel_loop3A_776 = arith.constant 512 : index
        %parallel_loop3A_777 = tpu.vector_load %arg7[%parallel_loop3A_775, %parallel_loop3A_776] {strides = array<i32>} : memref<16x1024xf32, #tpu.memory_space<vmem>>, vector<1x16xf32>,
        %parallel_loop3A_778 = vector.shape_cast %parallel_loop3A_777 : vector<1x16xf32> to vector<16xf32>
        %parallel_loop3A_779 = arith.index_cast %rem3A_111 : i32 to index
        %parallel_loop3A_780 = arith.index_cast %parallel_loop3A_198 : i32 to index
        %parallel_loop3A_781 = arith.constant 512 : index
        %parallel_loop3A_782 = tpu.vector_load %arg8[%parallel_loop3A_779, %parallel_loop3A_780, %parallel_loop3A_781] {strides = array<i32>} : memref<3x32x1024xf32, #tpu.memory_space<vmem>>, vector<1x1x16xf32>,
        %parallel_loop3A_783 = vector.shape_cast %parallel_loop3A_782 : vector<1x1x16xf32> to vector<16xf32>
        %parallel_loop3A_784 = vector.shape_cast %parallel_loop3A_778 : vector<16xf32> to vector<1x1x16xf32>
        tpu.vector_store %arg8[%parallel_loop3A_779, %parallel_loop3A_780, %parallel_loop3A_781], %parallel_loop3A_784 {add = true, strides = array<i32>} : memref<3x32x1024xf32, #tpu.memory_space<vmem>>, vector<1x1x16xf32>,
        %parallel_loop3A_785 = arith.constant 16 : i32
        %parallel_loop3A_786 = arith.addi %parallel_loop3A_785, %parallel_loop3A_198 : i32
        %parallel_loop3A_787 = arith.index_cast %rem3A_111 : i32 to index
        %parallel_loop3A_788 = arith.index_cast %parallel_loop3A_786 : i32 to index
        %parallel_loop3A_789 = arith.constant 512 : index
        %parallel_loop3A_790 = tpu.vector_load %arg8[%parallel_loop3A_787, %parallel_loop3A_788, %parallel_loop3A_789] {strides = array<i32>} : memref<3x32x1024xf32, #tpu.memory_space<vmem>>, vector<1x1x16xf32>,
        %parallel_loop3A_791 = vector.shape_cast %parallel_loop3A_790 : vector<1x1x16xf32> to vector<16xf32>
        %parallel_loop3A_792 = vector.shape_cast %parallel_loop3A_778 : vector<16xf32> to vector<1x1x16xf32>
        tpu.vector_store %arg8[%parallel_loop3A_787, %parallel_loop3A_788, %parallel_loop3A_789], %parallel_loop3A_792 {add = true, strides = array<i32>} : memref<3x32x1024xf32, #tpu.memory_space<vmem>>, vector<1x1x16xf32>,
        %parallel_loop3A_793 = arith.index_cast %parallel_loop3A_198 : i32 to index
        %parallel_loop3A_794 = arith.constant 528 : index
        %parallel_loop3A_795 = tpu.vector_load %arg7[%parallel_loop3A_793, %parallel_loop3A_794] {strides = array<i32>} : memref<16x1024xf32, #tpu.memory_space<vmem>>, vector<1x16xf32>,
        %parallel_loop3A_796 = vector.shape_cast %parallel_loop3A_795 : vector<1x16xf32> to vector<16xf32>
        %parallel_loop3A_797 = arith.index_cast %rem3A_111 : i32 to index
        %parallel_loop3A_798 = arith.index_cast %parallel_loop3A_198 : i32 to index
        %parallel_loop3A_799 = arith.constant 528 : index
        %parallel_loop3A_800 = tpu.vector_load %arg8[%parallel_loop3A_797, %parallel_loop3A_798, %parallel_loop3A_799] {strides = array<i32>} : memref<3x32x1024xf32, #tpu.memory_space<vmem>>, vector<1x1x16xf32>,
        %parallel_loop3A_801 = vector.shape_cast %parallel_loop3A_800 : vector<1x1x16xf32> to vector<16xf32>
        %parallel_loop3A_802 = vector.shape_cast %parallel_loop3A_796 : vector<16xf32> to vector<1x1x16xf32>
        tpu.vector_store %arg8[%parallel_loop3A_797, %parallel_loop3A_798, %parallel_loop3A_799], %parallel_loop3A_802 {add = true, strides = array<i32>} : memref<3x32x1024xf32, #tpu.memory_space<vmem>>, vector<1x1x16xf32>,
        %parallel_loop3A_803 = arith.constant 16 : i32
        %parallel_loop3A_804 = arith.addi %parallel_loop3A_803, %parallel_loop3A_198 : i32
        %parallel_loop3A_805 = arith.index_cast %rem3A_111 : i32 to index
        %parallel_loop3A_806 = arith.index_cast %parallel_loop3A_804 : i32 to index
        %parallel_loop3A_807 = arith.constant 528 : index
        %parallel_loop3A_808 = tpu.vector_load %arg8[%parallel_loop3A_805, %parallel_loop3A_806, %parallel_loop3A_807] {strides = array<i32>} : memref<3x32x1024xf32, #tpu.memory_space<vmem>>, vector<1x1x16xf32>,
        %parallel_loop3A_809 = vector.shape_cast %parallel_loop3A_808 : vector<1x1x16xf32> to vector<16xf32>
        %parallel_loop3A_810 = vector.shape_cast %parallel_loop3A_796 : vector<16xf32> to vector<1x1x16xf32>
        tpu.vector_store %arg8[%parallel_loop3A_805, %parallel_loop3A_806, %parallel_loop3A_807], %parallel_loop3A_810 {add = true, strides = array<i32>} : memref<3x32x1024xf32, #tpu.memory_space<vmem>>, vector<1x1x16xf32>,
        %parallel_loop3A_811 = arith.index_cast %parallel_loop3A_198 : i32 to index
        %parallel_loop3A_812 = arith.constant 544 : index
        %parallel_loop3A_813 = tpu.vector_load %arg7[%parallel_loop3A_811, %parallel_loop3A_812] {strides = array<i32>} : memref<16x1024xf32, #tpu.memory_space<vmem>>, vector<1x16xf32>,
        %parallel_loop3A_814 = vector.shape_cast %parallel_loop3A_813 : vector<1x16xf32> to vector<16xf32>
        %parallel_loop3A_815 = arith.index_cast %rem3A_111 : i32 to index
        %parallel_loop3A_816 = arith.index_cast %parallel_loop3A_198 : i32 to index
        %parallel_loop3A_817 = arith.constant 544 : index
        %parallel_loop3A_818 = tpu.vector_load %arg8[%parallel_loop3A_815, %parallel_loop3A_816, %parallel_loop3A_817] {strides = array<i32>} : memref<3x32x1024xf32, #tpu.memory_space<vmem>>, vector<1x1x16xf32>,
        %parallel_loop3A_819 = vector.shape_cast %parallel_loop3A_818 : vector<1x1x16xf32> to vector<16xf32>
        %parallel_loop3A_820 = vector.shape_cast %parallel_loop3A_814 : vector<16xf32> to vector<1x1x16xf32>
        tpu.vector_store %arg8[%parallel_loop3A_815, %parallel_loop3A_816, %parallel_loop3A_817], %parallel_loop3A_820 {add = true, strides = array<i32>} : memref<3x32x1024xf32, #tpu.memory_space<vmem>>, vector<1x1x16xf32>,
        %parallel_loop3A_821 = arith.constant 16 : i32
        %parallel_loop3A_822 = arith.addi %parallel_loop3A_821, %parallel_loop3A_198 : i32
        %parallel_loop3A_823 = arith.index_cast %rem3A_111 : i32 to index
        %parallel_loop3A_824 = arith.index_cast %parallel_loop3A_822 : i32 to index
        %parallel_loop3A_825 = arith.constant 544 : index
        %parallel_loop3A_826 = tpu.vector_load %arg8[%parallel_loop3A_823, %parallel_loop3A_824, %parallel_loop3A_825] {strides = array<i32>} : memref<3x32x1024xf32, #tpu.memory_space<vmem>>, vector<1x1x16xf32>,
        %parallel_loop3A_827 = vector.shape_cast %parallel_loop3A_826 : vector<1x1x16xf32> to vector<16xf32>
        %parallel_loop3A_828 = vector.shape_cast %parallel_loop3A_814 : vector<16xf32> to vector<1x1x16xf32>
        tpu.vector_store %arg8[%parallel_loop3A_823, %parallel_loop3A_824, %parallel_loop3A_825], %parallel_loop3A_828 {add = true, strides = array<i32>} : memref<3x32x1024xf32, #tpu.memory_space<vmem>>, vector<1x1x16xf32>,
        %parallel_loop3A_829 = arith.index_cast %parallel_loop3A_198 : i32 to index
        %parallel_loop3A_830 = arith.constant 560 : index
        %parallel_loop3A_831 = tpu.vector_load %arg7[%parallel_loop3A_829, %parallel_loop3A_830] {strides = array<i32>} : memref<16x1024xf32, #tpu.memory_space<vmem>>, vector<1x16xf32>,
        %parallel_loop3A_832 = vector.shape_cast %parallel_loop3A_831 : vector<1x16xf32> to vector<16xf32>
        %parallel_loop3A_833 = arith.index_cast %rem3A_111 : i32 to index
        %parallel_loop3A_834 = arith.index_cast %parallel_loop3A_198 : i32 to index
        %parallel_loop3A_835 = arith.constant 560 : index
        %parallel_loop3A_836 = tpu.vector_load %arg8[%parallel_loop3A_833, %parallel_loop3A_834, %parallel_loop3A_835] {strides = array<i32>} : memref<3x32x1024xf32, #tpu.memory_space<vmem>>, vector<1x1x16xf32>,
        %parallel_loop3A_837 = vector.shape_cast %parallel_loop3A_836 : vector<1x1x16xf32> to vector<16xf32>
        %parallel_loop3A_838 = vector.shape_cast %parallel_loop3A_832 : vector<16xf32> to vector<1x1x16xf32>
        tpu.vector_store %arg8[%parallel_loop3A_833, %parallel_loop3A_834, %parallel_loop3A_835], %parallel_loop3A_838 {add = true, strides = array<i32>} : memref<3x32x1024xf32, #tpu.memory_space<vmem>>, vector<1x1x16xf32>,
        %parallel_loop3A_839 = arith.constant 16 : i32
        %parallel_loop3A_840 = arith.addi %parallel_loop3A_839, %parallel_loop3A_198 : i32
        %parallel_loop3A_841 = arith.index_cast %rem3A_111 : i32 to index
        %parallel_loop3A_842 = arith.index_cast %parallel_loop3A_840 : i32 to index
        %parallel_loop3A_843 = arith.constant 560 : index
        %parallel_loop3A_844 = tpu.vector_load %arg8[%parallel_loop3A_841, %parallel_loop3A_842, %parallel_loop3A_843] {strides = array<i32>} : memref<3x32x1024xf32, #tpu.memory_space<vmem>>, vector<1x1x16xf32>,
        %parallel_loop3A_845 = vector.shape_cast %parallel_loop3A_844 : vector<1x1x16xf32> to vector<16xf32>
        %parallel_loop3A_846 = vector.shape_cast %parallel_loop3A_832 : vector<16xf32> to vector<1x1x16xf32>
        tpu.vector_store %arg8[%parallel_loop3A_841, %parallel_loop3A_842, %parallel_loop3A_843], %parallel_loop3A_846 {add = true, strides = array<i32>} : memref<3x32x1024xf32, #tpu.memory_space<vmem>>, vector<1x1x16xf32>,
        %parallel_loop3A_847 = arith.index_cast %parallel_loop3A_198 : i32 to index
        %parallel_loop3A_848 = arith.constant 576 : index
        %parallel_loop3A_849 = tpu.vector_load %arg7[%parallel_loop3A_847, %parallel_loop3A_848] {strides = array<i32>} : memref<16x1024xf32, #tpu.memory_space<vmem>>, vector<1x16xf32>,
        %parallel_loop3A_850 = vector.shape_cast %parallel_loop3A_849 : vector<1x16xf32> to vector<16xf32>
        %parallel_loop3A_851 = arith.index_cast %rem3A_111 : i32 to index
        %parallel_loop3A_852 = arith.index_cast %parallel_loop3A_198 : i32 to index
        %parallel_loop3A_853 = arith.constant 576 : index
        %parallel_loop3A_854 = tpu.vector_load %arg8[%parallel_loop3A_851, %parallel_loop3A_852, %parallel_loop3A_853] {strides = array<i32>} : memref<3x32x1024xf32, #tpu.memory_space<vmem>>, vector<1x1x16xf32>,
        %parallel_loop3A_855 = vector.shape_cast %parallel_loop3A_854 : vector<1x1x16xf32> to vector<16xf32>
        %parallel_loop3A_856 = vector.shape_cast %parallel_loop3A_850 : vector<16xf32> to vector<1x1x16xf32>
        tpu.vector_store %arg8[%parallel_loop3A_851, %parallel_loop3A_852, %parallel_loop3A_853], %parallel_loop3A_856 {add = true, strides = array<i32>} : memref<3x32x1024xf32, #tpu.memory_space<vmem>>, vector<1x1x16xf32>,
        %parallel_loop3A_857 = arith.constant 16 : i32
        %parallel_loop3A_858 = arith.addi %parallel_loop3A_857, %parallel_loop3A_198 : i32
        %parallel_loop3A_859 = arith.index_cast %rem3A_111 : i32 to index
        %parallel_loop3A_860 = arith.index_cast %parallel_loop3A_858 : i32 to index
        %parallel_loop3A_861 = arith.constant 576 : index
        %parallel_loop3A_862 = tpu.vector_load %arg8[%parallel_loop3A_859, %parallel_loop3A_860, %parallel_loop3A_861] {strides = array<i32>} : memref<3x32x1024xf32, #tpu.memory_space<vmem>>, vector<1x1x16xf32>,
        %parallel_loop3A_863 = vector.shape_cast %parallel_loop3A_862 : vector<1x1x16xf32> to vector<16xf32>
        %parallel_loop3A_864 = vector.shape_cast %parallel_loop3A_850 : vector<16xf32> to vector<1x1x16xf32>
        tpu.vector_store %arg8[%parallel_loop3A_859, %parallel_loop3A_860, %parallel_loop3A_861], %parallel_loop3A_864 {add = true, strides = array<i32>} : memref<3x32x1024xf32, #tpu.memory_space<vmem>>, vector<1x1x16xf32>,
        %parallel_loop3A_865 = arith.index_cast %parallel_loop3A_198 : i32 to index
        %parallel_loop3A_866 = arith.constant 592 : index
        %parallel_loop3A_867 = tpu.vector_load %arg7[%parallel_loop3A_865, %parallel_loop3A_866] {strides = array<i32>} : memref<16x1024xf32, #tpu.memory_space<vmem>>, vector<1x16xf32>,
        %parallel_loop3A_868 = vector.shape_cast %parallel_loop3A_867 : vector<1x16xf32> to vector<16xf32>
        %parallel_loop3A_869 = arith.index_cast %rem3A_111 : i32 to index
        %parallel_loop3A_870 = arith.index_cast %parallel_loop3A_198 : i32 to index
        %parallel_loop3A_871 = arith.constant 592 : index
        %parallel_loop3A_872 = tpu.vector_load %arg8[%parallel_loop3A_869, %parallel_loop3A_870, %parallel_loop3A_871] {strides = array<i32>} : memref<3x32x1024xf32, #tpu.memory_space<vmem>>, vector<1x1x16xf32>,
        %parallel_loop3A_873 = vector.shape_cast %parallel_loop3A_872 : vector<1x1x16xf32> to vector<16xf32>
        %parallel_loop3A_874 = vector.shape_cast %parallel_loop3A_868 : vector<16xf32> to vector<1x1x16xf32>
        tpu.vector_store %arg8[%parallel_loop3A_869, %parallel_loop3A_870, %parallel_loop3A_871], %parallel_loop3A_874 {add = true, strides = array<i32>} : memref<3x32x1024xf32, #tpu.memory_space<vmem>>, vector<1x1x16xf32>,
        %parallel_loop3A_875 = arith.constant 16 : i32
        %parallel_loop3A_876 = arith.addi %parallel_loop3A_875, %parallel_loop3A_198 : i32
        %parallel_loop3A_877 = arith.index_cast %rem3A_111 : i32 to index
        %parallel_loop3A_878 = arith.index_cast %parallel_loop3A_876 : i32 to index
        %parallel_loop3A_879 = arith.constant 592 : index
        %parallel_loop3A_880 = tpu.vector_load %arg8[%parallel_loop3A_877, %parallel_loop3A_878, %parallel_loop3A_879] {strides = array<i32>} : memref<3x32x1024xf32, #tpu.memory_space<vmem>>, vector<1x1x16xf32>,
        %parallel_loop3A_881 = vector.shape_cast %parallel_loop3A_880 : vector<1x1x16xf32> to vector<16xf32>
        %parallel_loop3A_882 = vector.shape_cast %parallel_loop3A_868 : vector<16xf32> to vector<1x1x16xf32>
        tpu.vector_store %arg8[%parallel_loop3A_877, %parallel_loop3A_878, %parallel_loop3A_879], %parallel_loop3A_882 {add = true, strides = array<i32>} : memref<3x32x1024xf32, #tpu.memory_space<vmem>>, vector<1x1x16xf32>,
        %parallel_loop3A_883 = arith.index_cast %parallel_loop3A_198 : i32 to index
        %parallel_loop3A_884 = arith.constant 608 : index
        %parallel_loop3A_885 = tpu.vector_load %arg7[%parallel_loop3A_883, %parallel_loop3A_884] {strides = array<i32>} : memref<16x1024xf32, #tpu.memory_space<vmem>>, vector<1x16xf32>,
        %parallel_loop3A_886 = vector.shape_cast %parallel_loop3A_885 : vector<1x16xf32> to vector<16xf32>
        %parallel_loop3A_887 = arith.index_cast %rem3A_111 : i32 to index
        %parallel_loop3A_888 = arith.index_cast %parallel_loop3A_198 : i32 to index
        %parallel_loop3A_889 = arith.constant 608 : index
        %parallel_loop3A_890 = tpu.vector_load %arg8[%parallel_loop3A_887, %parallel_loop3A_888, %parallel_loop3A_889] {strides = array<i32>} : memref<3x32x1024xf32, #tpu.memory_space<vmem>>, vector<1x1x16xf32>,
        %parallel_loop3A_891 = vector.shape_cast %parallel_loop3A_890 : vector<1x1x16xf32> to vector<16xf32>
        %parallel_loop3A_892 = vector.shape_cast %parallel_loop3A_886 : vector<16xf32> to vector<1x1x16xf32>
        tpu.vector_store %arg8[%parallel_loop3A_887, %parallel_loop3A_888, %parallel_loop3A_889], %parallel_loop3A_892 {add = true, strides = array<i32>} : memref<3x32x1024xf32, #tpu.memory_space<vmem>>, vector<1x1x16xf32>,
        %parallel_loop3A_893 = arith.constant 16 : i32
        %parallel_loop3A_894 = arith.addi %parallel_loop3A_893, %parallel_loop3A_198 : i32
        %parallel_loop3A_895 = arith.index_cast %rem3A_111 : i32 to index
        %parallel_loop3A_896 = arith.index_cast %parallel_loop3A_894 : i32 to index
        %parallel_loop3A_897 = arith.constant 608 : index
        %parallel_loop3A_898 = tpu.vector_load %arg8[%parallel_loop3A_895, %parallel_loop3A_896, %parallel_loop3A_897] {strides = array<i32>} : memref<3x32x1024xf32, #tpu.memory_space<vmem>>, vector<1x1x16xf32>,
        %parallel_loop3A_899 = vector.shape_cast %parallel_loop3A_898 : vector<1x1x16xf32> to vector<16xf32>
        %parallel_loop3A_900 = vector.shape_cast %parallel_loop3A_886 : vector<16xf32> to vector<1x1x16xf32>
        tpu.vector_store %arg8[%parallel_loop3A_895, %parallel_loop3A_896, %parallel_loop3A_897], %parallel_loop3A_900 {add = true, strides = array<i32>} : memref<3x32x1024xf32, #tpu.memory_space<vmem>>, vector<1x1x16xf32>,
        %parallel_loop3A_901 = arith.index_cast %parallel_loop3A_198 : i32 to index
        %parallel_loop3A_902 = arith.constant 624 : index
        %parallel_loop3A_903 = tpu.vector_load %arg7[%parallel_loop3A_901, %parallel_loop3A_902] {strides = array<i32>} : memref<16x1024xf32, #tpu.memory_space<vmem>>, vector<1x16xf32>,
        %parallel_loop3A_904 = vector.shape_cast %parallel_loop3A_903 : vector<1x16xf32> to vector<16xf32>
        %parallel_loop3A_905 = arith.index_cast %rem3A_111 : i32 to index
        %parallel_loop3A_906 = arith.index_cast %parallel_loop3A_198 : i32 to index
        %parallel_loop3A_907 = arith.constant 624 : index
        %parallel_loop3A_908 = tpu.vector_load %arg8[%parallel_loop3A_905, %parallel_loop3A_906, %parallel_loop3A_907] {strides = array<i32>} : memref<3x32x1024xf32, #tpu.memory_space<vmem>>, vector<1x1x16xf32>,
        %parallel_loop3A_909 = vector.shape_cast %parallel_loop3A_908 : vector<1x1x16xf32> to vector<16xf32>
        %parallel_loop3A_910 = vector.shape_cast %parallel_loop3A_904 : vector<16xf32> to vector<1x1x16xf32>
        tpu.vector_store %arg8[%parallel_loop3A_905, %parallel_loop3A_906, %parallel_loop3A_907], %parallel_loop3A_910 {add = true, strides = array<i32>} : memref<3x32x1024xf32, #tpu.memory_space<vmem>>, vector<1x1x16xf32>,
        %parallel_loop3A_911 = arith.constant 16 : i32
        %parallel_loop3A_912 = arith.addi %parallel_loop3A_911, %parallel_loop3A_198 : i32
        %parallel_loop3A_913 = arith.index_cast %rem3A_111 : i32 to index
        %parallel_loop3A_914 = arith.index_cast %parallel_loop3A_912 : i32 to index
        %parallel_loop3A_915 = arith.constant 624 : index
        %parallel_loop3A_916 = tpu.vector_load %arg8[%parallel_loop3A_913, %parallel_loop3A_914, %parallel_loop3A_915] {strides = array<i32>} : memref<3x32x1024xf32, #tpu.memory_space<vmem>>, vector<1x1x16xf32>,
        %parallel_loop3A_917 = vector.shape_cast %parallel_loop3A_916 : vector<1x1x16xf32> to vector<16xf32>
        %parallel_loop3A_918 = vector.shape_cast %parallel_loop3A_904 : vector<16xf32> to vector<1x1x16xf32>
        tpu.vector_store %arg8[%parallel_loop3A_913, %parallel_loop3A_914, %parallel_loop3A_915], %parallel_loop3A_918 {add = true, strides = array<i32>} : memref<3x32x1024xf32, #tpu.memory_space<vmem>>, vector<1x1x16xf32>,
        %parallel_loop3A_919 = arith.index_cast %parallel_loop3A_198 : i32 to index
        %parallel_loop3A_920 = arith.constant 640 : index
        %parallel_loop3A_921 = tpu.vector_load %arg7[%parallel_loop3A_919, %parallel_loop3A_920] {strides = array<i32>} : memref<16x1024xf32, #tpu.memory_space<vmem>>, vector<1x16xf32>,
        %parallel_loop3A_922 = vector.shape_cast %parallel_loop3A_921 : vector<1x16xf32> to vector<16xf32>
        %parallel_loop3A_923 = arith.index_cast %rem3A_111 : i32 to index
        %parallel_loop3A_924 = arith.index_cast %parallel_loop3A_198 : i32 to index
        %parallel_loop3A_925 = arith.constant 640 : index
        %parallel_loop3A_926 = tpu.vector_load %arg8[%parallel_loop3A_923, %parallel_loop3A_924, %parallel_loop3A_925] {strides = array<i32>} : memref<3x32x1024xf32, #tpu.memory_space<vmem>>, vector<1x1x16xf32>,
        %parallel_loop3A_927 = vector.shape_cast %parallel_loop3A_926 : vector<1x1x16xf32> to vector<16xf32>
        %parallel_loop3A_928 = vector.shape_cast %parallel_loop3A_922 : vector<16xf32> to vector<1x1x16xf32>
        tpu.vector_store %arg8[%parallel_loop3A_923, %parallel_loop3A_924, %parallel_loop3A_925], %parallel_loop3A_928 {add = true, strides = array<i32>} : memref<3x32x1024xf32, #tpu.memory_space<vmem>>, vector<1x1x16xf32>,
        %parallel_loop3A_929 = arith.constant 16 : i32
        %parallel_loop3A_930 = arith.addi %parallel_loop3A_929, %parallel_loop3A_198 : i32
        %parallel_loop3A_931 = arith.index_cast %rem3A_111 : i32 to index
        %parallel_loop3A_932 = arith.index_cast %parallel_loop3A_930 : i32 to index
        %parallel_loop3A_933 = arith.constant 640 : index
        %parallel_loop3A_934 = tpu.vector_load %arg8[%parallel_loop3A_931, %parallel_loop3A_932, %parallel_loop3A_933] {strides = array<i32>} : memref<3x32x1024xf32, #tpu.memory_space<vmem>>, vector<1x1x16xf32>,
        %parallel_loop3A_935 = vector.shape_cast %parallel_loop3A_934 : vector<1x1x16xf32> to vector<16xf32>
        %parallel_loop3A_936 = vector.shape_cast %parallel_loop3A_922 : vector<16xf32> to vector<1x1x16xf32>
        tpu.vector_store %arg8[%parallel_loop3A_931, %parallel_loop3A_932, %parallel_loop3A_933], %parallel_loop3A_936 {add = true, strides = array<i32>} : memref<3x32x1024xf32, #tpu.memory_space<vmem>>, vector<1x1x16xf32>,
        %parallel_loop3A_937 = arith.index_cast %parallel_loop3A_198 : i32 to index
        %parallel_loop3A_938 = arith.constant 656 : index
        %parallel_loop3A_939 = tpu.vector_load %arg7[%parallel_loop3A_937, %parallel_loop3A_938] {strides = array<i32>} : memref<16x1024xf32, #tpu.memory_space<vmem>>, vector<1x16xf32>,
        %parallel_loop3A_940 = vector.shape_cast %parallel_loop3A_939 : vector<1x16xf32> to vector<16xf32>
        %parallel_loop3A_941 = arith.index_cast %rem3A_111 : i32 to index
        %parallel_loop3A_942 = arith.index_cast %parallel_loop3A_198 : i32 to index
        %parallel_loop3A_943 = arith.constant 656 : index
        %parallel_loop3A_944 = tpu.vector_load %arg8[%parallel_loop3A_941, %parallel_loop3A_942, %parallel_loop3A_943] {strides = array<i32>} : memref<3x32x1024xf32, #tpu.memory_space<vmem>>, vector<1x1x16xf32>,
        %parallel_loop3A_945 = vector.shape_cast %parallel_loop3A_944 : vector<1x1x16xf32> to vector<16xf32>
        %parallel_loop3A_946 = vector.shape_cast %parallel_loop3A_940 : vector<16xf32> to vector<1x1x16xf32>
        tpu.vector_store %arg8[%parallel_loop3A_941, %parallel_loop3A_942, %parallel_loop3A_943], %parallel_loop3A_946 {add = true, strides = array<i32>} : memref<3x32x1024xf32, #tpu.memory_space<vmem>>, vector<1x1x16xf32>,
        %parallel_loop3A_947 = arith.constant 16 : i32
        %parallel_loop3A_948 = arith.addi %parallel_loop3A_947, %parallel_loop3A_198 : i32
        %parallel_loop3A_949 = arith.index_cast %rem3A_111 : i32 to index
        %parallel_loop3A_950 = arith.index_cast %parallel_loop3A_948 : i32 to index
        %parallel_loop3A_951 = arith.constant 656 : index
        %parallel_loop3A_952 = tpu.vector_load %arg8[%parallel_loop3A_949, %parallel_loop3A_950, %parallel_loop3A_951] {strides = array<i32>} : memref<3x32x1024xf32, #tpu.memory_space<vmem>>, vector<1x1x16xf32>,
        %parallel_loop3A_953 = vector.shape_cast %parallel_loop3A_952 : vector<1x1x16xf32> to vector<16xf32>
        %parallel_loop3A_954 = vector.shape_cast %parallel_loop3A_940 : vector<16xf32> to vector<1x1x16xf32>
        tpu.vector_store %arg8[%parallel_loop3A_949, %parallel_loop3A_950, %parallel_loop3A_951], %parallel_loop3A_954 {add = true, strides = array<i32>} : memref<3x32x1024xf32, #tpu.memory_space<vmem>>, vector<1x1x16xf32>,
        %parallel_loop3A_955 = arith.index_cast %parallel_loop3A_198 : i32 to index
        %parallel_loop3A_956 = arith.constant 672 : index
        %parallel_loop3A_957 = tpu.vector_load %arg7[%parallel_loop3A_955, %parallel_loop3A_956] {strides = array<i32>} : memref<16x1024xf32, #tpu.memory_space<vmem>>, vector<1x16xf32>,
        %parallel_loop3A_958 = vector.shape_cast %parallel_loop3A_957 : vector<1x16xf32> to vector<16xf32>
        %parallel_loop3A_959 = arith.index_cast %rem3A_111 : i32 to index
        %parallel_loop3A_960 = arith.index_cast %parallel_loop3A_198 : i32 to index
        %parallel_loop3A_961 = arith.constant 672 : index
        %parallel_loop3A_962 = tpu.vector_load %arg8[%parallel_loop3A_959, %parallel_loop3A_960, %parallel_loop3A_961] {strides = array<i32>} : memref<3x32x1024xf32, #tpu.memory_space<vmem>>, vector<1x1x16xf32>,
        %parallel_loop3A_963 = vector.shape_cast %parallel_loop3A_962 : vector<1x1x16xf32> to vector<16xf32>
        %parallel_loop3A_964 = vector.shape_cast %parallel_loop3A_958 : vector<16xf32> to vector<1x1x16xf32>
        tpu.vector_store %arg8[%parallel_loop3A_959, %parallel_loop3A_960, %parallel_loop3A_961], %parallel_loop3A_964 {add = true, strides = array<i32>} : memref<3x32x1024xf32, #tpu.memory_space<vmem>>, vector<1x1x16xf32>,
        %parallel_loop3A_965 = arith.constant 16 : i32
        %parallel_loop3A_966 = arith.addi %parallel_loop3A_965, %parallel_loop3A_198 : i32
        %parallel_loop3A_967 = arith.index_cast %rem3A_111 : i32 to index
        %parallel_loop3A_968 = arith.index_cast %parallel_loop3A_966 : i32 to index
        %parallel_loop3A_969 = arith.constant 672 : index
        %parallel_loop3A_970 = tpu.vector_load %arg8[%parallel_loop3A_967, %parallel_loop3A_968, %parallel_loop3A_969] {strides = array<i32>} : memref<3x32x1024xf32, #tpu.memory_space<vmem>>, vector<1x1x16xf32>,
        %parallel_loop3A_971 = vector.shape_cast %parallel_loop3A_970 : vector<1x1x16xf32> to vector<16xf32>
        %parallel_loop3A_972 = vector.shape_cast %parallel_loop3A_958 : vector<16xf32> to vector<1x1x16xf32>
        tpu.vector_store %arg8[%parallel_loop3A_967, %parallel_loop3A_968, %parallel_loop3A_969], %parallel_loop3A_972 {add = true, strides = array<i32>} : memref<3x32x1024xf32, #tpu.memory_space<vmem>>, vector<1x1x16xf32>,
        %parallel_loop3A_973 = arith.index_cast %parallel_loop3A_198 : i32 to index
        %parallel_loop3A_974 = arith.constant 688 : index
        %parallel_loop3A_975 = tpu.vector_load %arg7[%parallel_loop3A_973, %parallel_loop3A_974] {strides = array<i32>} : memref<16x1024xf32, #tpu.memory_space<vmem>>, vector<1x16xf32>,
        %parallel_loop3A_976 = vector.shape_cast %parallel_loop3A_975 : vector<1x16xf32> to vector<16xf32>
        %parallel_loop3A_977 = arith.index_cast %rem3A_111 : i32 to index
        %parallel_loop3A_978 = arith.index_cast %parallel_loop3A_198 : i32 to index
        %parallel_loop3A_979 = arith.constant 688 : index
        %parallel_loop3A_980 = tpu.vector_load %arg8[%parallel_loop3A_977, %parallel_loop3A_978, %parallel_loop3A_979] {strides = array<i32>} : memref<3x32x1024xf32, #tpu.memory_space<vmem>>, vector<1x1x16xf32>,
        %parallel_loop3A_981 = vector.shape_cast %parallel_loop3A_980 : vector<1x1x16xf32> to vector<16xf32>
        %parallel_loop3A_982 = vector.shape_cast %parallel_loop3A_976 : vector<16xf32> to vector<1x1x16xf32>
        tpu.vector_store %arg8[%parallel_loop3A_977, %parallel_loop3A_978, %parallel_loop3A_979], %parallel_loop3A_982 {add = true, strides = array<i32>} : memref<3x32x1024xf32, #tpu.memory_space<vmem>>, vector<1x1x16xf32>,
        %parallel_loop3A_983 = arith.constant 16 : i32
        %parallel_loop3A_984 = arith.addi %parallel_loop3A_983, %parallel_loop3A_198 : i32
        %parallel_loop3A_985 = arith.index_cast %rem3A_111 : i32 to index
        %parallel_loop3A_986 = arith.index_cast %parallel_loop3A_984 : i32 to index
        %parallel_loop3A_987 = arith.constant 688 : index
        %parallel_loop3A_988 = tpu.vector_load %arg8[%parallel_loop3A_985, %parallel_loop3A_986, %parallel_loop3A_987] {strides = array<i32>} : memref<3x32x1024xf32, #tpu.memory_space<vmem>>, vector<1x1x16xf32>,
        %parallel_loop3A_989 = vector.shape_cast %parallel_loop3A_988 : vector<1x1x16xf32> to vector<16xf32>
        %parallel_loop3A_990 = vector.shape_cast %parallel_loop3A_976 : vector<16xf32> to vector<1x1x16xf32>
        tpu.vector_store %arg8[%parallel_loop3A_985, %parallel_loop3A_986, %parallel_loop3A_987], %parallel_loop3A_990 {add = true, strides = array<i32>} : memref<3x32x1024xf32, #tpu.memory_space<vmem>>, vector<1x1x16xf32>,
        %parallel_loop3A_991 = arith.index_cast %parallel_loop3A_198 : i32 to index
        %parallel_loop3A_992 = arith.constant 704 : index
        %parallel_loop3A_993 = tpu.vector_load %arg7[%parallel_loop3A_991, %parallel_loop3A_992] {strides = array<i32>} : memref<16x1024xf32, #tpu.memory_space<vmem>>, vector<1x16xf32>,
        %parallel_loop3A_994 = vector.shape_cast %parallel_loop3A_993 : vector<1x16xf32> to vector<16xf32>
        %parallel_loop3A_995 = arith.index_cast %rem3A_111 : i32 to index
        %parallel_loop3A_996 = arith.index_cast %parallel_loop3A_198 : i32 to index
        %parallel_loop3A_997 = arith.constant 704 : index
        %parallel_loop3A_998 = tpu.vector_load %arg8[%parallel_loop3A_995, %parallel_loop3A_996, %parallel_loop3A_997] {strides = array<i32>} : memref<3x32x1024xf32, #tpu.memory_space<vmem>>, vector<1x1x16xf32>,
        %parallel_loop3A_999 = vector.shape_cast %parallel_loop3A_998 : vector<1x1x16xf32> to vector<16xf32>
        %parallel_loop3A_1000 = vector.shape_cast %parallel_loop3A_994 : vector<16xf32> to vector<1x1x16xf32>
        tpu.vector_store %arg8[%parallel_loop3A_995, %parallel_loop3A_996, %parallel_loop3A_997], %parallel_loop3A_1000 {add = true, strides = array<i32>} : memref<3x32x1024xf32, #tpu.memory_space<vmem>>, vector<1x1x16xf32>,
        %parallel_loop3A_1001 = arith.constant 16 : i32
        %parallel_loop3A_1002 = arith.addi %parallel_loop3A_1001, %parallel_loop3A_198 : i32
        %parallel_loop3A_1003 = arith.index_cast %rem3A_111 : i32 to index
        %parallel_loop3A_1004 = arith.index_cast %parallel_loop3A_1002 : i32 to index
        %parallel_loop3A_1005 = arith.constant 704 : index
        %parallel_loop3A_1006 = tpu.vector_load %arg8[%parallel_loop3A_1003, %parallel_loop3A_1004, %parallel_loop3A_1005] {strides = array<i32>} : memref<3x32x1024xf32, #tpu.memory_space<vmem>>, vector<1x1x16xf32>,
        %parallel_loop3A_1007 = vector.shape_cast %parallel_loop3A_1006 : vector<1x1x16xf32> to vector<16xf32>
        %parallel_loop3A_1008 = vector.shape_cast %parallel_loop3A_994 : vector<16xf32> to vector<1x1x16xf32>
        tpu.vector_store %arg8[%parallel_loop3A_1003, %parallel_loop3A_1004, %parallel_loop3A_1005], %parallel_loop3A_1008 {add = true, strides = array<i32>} : memref<3x32x1024xf32, #tpu.memory_space<vmem>>, vector<1x1x16xf32>,
        %parallel_loop3A_1009 = arith.index_cast %parallel_loop3A_198 : i32 to index
        %parallel_loop3A_1010 = arith.constant 720 : index
        %parallel_loop3A_1011 = tpu.vector_load %arg7[%parallel_loop3A_1009, %parallel_loop3A_1010] {strides = array<i32>} : memref<16x1024xf32, #tpu.memory_space<vmem>>, vector<1x16xf32>,
        %parallel_loop3A_1012 = vector.shape_cast %parallel_loop3A_1011 : vector<1x16xf32> to vector<16xf32>
        %parallel_loop3A_1013 = arith.index_cast %rem3A_111 : i32 to index
        %parallel_loop3A_1014 = arith.index_cast %parallel_loop3A_198 : i32 to index
        %parallel_loop3A_1015 = arith.constant 720 : index
        %parallel_loop3A_1016 = tpu.vector_load %arg8[%parallel_loop3A_1013, %parallel_loop3A_1014, %parallel_loop3A_1015] {strides = array<i32>} : memref<3x32x1024xf32, #tpu.memory_space<vmem>>, vector<1x1x16xf32>,
        %parallel_loop3A_1017 = vector.shape_cast %parallel_loop3A_1016 : vector<1x1x16xf32> to vector<16xf32>
        %parallel_loop3A_1018 = vector.shape_cast %parallel_loop3A_1012 : vector<16xf32> to vector<1x1x16xf32>
        tpu.vector_store %arg8[%parallel_loop3A_1013, %parallel_loop3A_1014, %parallel_loop3A_1015], %parallel_loop3A_1018 {add = true, strides = array<i32>} : memref<3x32x1024xf32, #tpu.memory_space<vmem>>, vector<1x1x16xf32>,
        %parallel_loop3A_1019 = arith.constant 16 : i32
        %parallel_loop3A_1020 = arith.addi %parallel_loop3A_1019, %parallel_loop3A_198 : i32
        %parallel_loop3A_1021 = arith.index_cast %rem3A_111 : i32 to index
        %parallel_loop3A_1022 = arith.index_cast %parallel_loop3A_1020 : i32 to index
        %parallel_loop3A_1023 = arith.constant 720 : index
        %parallel_loop3A_1024 = tpu.vector_load %arg8[%parallel_loop3A_1021, %parallel_loop3A_1022, %parallel_loop3A_1023] {strides = array<i32>} : memref<3x32x1024xf32, #tpu.memory_space<vmem>>, vector<1x1x16xf32>,
        %parallel_loop3A_1025 = vector.shape_cast %parallel_loop3A_1024 : vector<1x1x16xf32> to vector<16xf32>
        %parallel_loop3A_1026 = vector.shape_cast %parallel_loop3A_1012 : vector<16xf32> to vector<1x1x16xf32>
        tpu.vector_store %arg8[%parallel_loop3A_1021, %parallel_loop3A_1022, %parallel_loop3A_1023], %parallel_loop3A_1026 {add = true, strides = array<i32>} : memref<3x32x1024xf32, #tpu.memory_space<vmem>>, vector<1x1x16xf32>,
        %parallel_loop3A_1027 = arith.index_cast %parallel_loop3A_198 : i32 to index
        %parallel_loop3A_1028 = arith.constant 736 : index
        %parallel_loop3A_1029 = tpu.vector_load %arg7[%parallel_loop3A_1027, %parallel_loop3A_1028] {strides = array<i32>} : memref<16x1024xf32, #tpu.memory_space<vmem>>, vector<1x16xf32>,
        %parallel_loop3A_1030 = vector.shape_cast %parallel_loop3A_1029 : vector<1x16xf32> to vector<16xf32>
        %parallel_loop3A_1031 = arith.index_cast %rem3A_111 : i32 to index
        %parallel_loop3A_1032 = arith.index_cast %parallel_loop3A_198 : i32 to index
        %parallel_loop3A_1033 = arith.constant 736 : index
        %parallel_loop3A_1034 = tpu.vector_load %arg8[%parallel_loop3A_1031, %parallel_loop3A_1032, %parallel_loop3A_1033] {strides = array<i32>} : memref<3x32x1024xf32, #tpu.memory_space<vmem>>, vector<1x1x16xf32>,
        %parallel_loop3A_1035 = vector.shape_cast %parallel_loop3A_1034 : vector<1x1x16xf32> to vector<16xf32>
        %parallel_loop3A_1036 = vector.shape_cast %parallel_loop3A_1030 : vector<16xf32> to vector<1x1x16xf32>
        tpu.vector_store %arg8[%parallel_loop3A_1031, %parallel_loop3A_1032, %parallel_loop3A_1033], %parallel_loop3A_1036 {add = true, strides = array<i32>} : memref<3x32x1024xf32, #tpu.memory_space<vmem>>, vector<1x1x16xf32>,
        %parallel_loop3A_1037 = arith.constant 16 : i32
        %parallel_loop3A_1038 = arith.addi %parallel_loop3A_1037, %parallel_loop3A_198 : i32
        %parallel_loop3A_1039 = arith.index_cast %rem3A_111 : i32 to index
        %parallel_loop3A_1040 = arith.index_cast %parallel_loop3A_1038 : i32 to index
        %parallel_loop3A_1041 = arith.constant 736 : index
        %parallel_loop3A_1042 = tpu.vector_load %arg8[%parallel_loop3A_1039, %parallel_loop3A_1040, %parallel_loop3A_1041] {strides = array<i32>} : memref<3x32x1024xf32, #tpu.memory_space<vmem>>, vector<1x1x16xf32>,
        %parallel_loop3A_1043 = vector.shape_cast %parallel_loop3A_1042 : vector<1x1x16xf32> to vector<16xf32>
        %parallel_loop3A_1044 = vector.shape_cast %parallel_loop3A_1030 : vector<16xf32> to vector<1x1x16xf32>
        tpu.vector_store %arg8[%parallel_loop3A_1039, %parallel_loop3A_1040, %parallel_loop3A_1041], %parallel_loop3A_1044 {add = true, strides = array<i32>} : memref<3x32x1024xf32, #tpu.memory_space<vmem>>, vector<1x1x16xf32>,
        %parallel_loop3A_1045 = arith.index_cast %parallel_loop3A_198 : i32 to index
        %parallel_loop3A_1046 = arith.constant 752 : index
        %parallel_loop3A_1047 = tpu.vector_load %arg7[%parallel_loop3A_1045, %parallel_loop3A_1046] {strides = array<i32>} : memref<16x1024xf32, #tpu.memory_space<vmem>>, vector<1x16xf32>,
        %parallel_loop3A_1048 = vector.shape_cast %parallel_loop3A_1047 : vector<1x16xf32> to vector<16xf32>
        %parallel_loop3A_1049 = arith.index_cast %rem3A_111 : i32 to index
        %parallel_loop3A_1050 = arith.index_cast %parallel_loop3A_198 : i32 to index
        %parallel_loop3A_1051 = arith.constant 752 : index
        %parallel_loop3A_1052 = tpu.vector_load %arg8[%parallel_loop3A_1049, %parallel_loop3A_1050, %parallel_loop3A_1051] {strides = array<i32>} : memref<3x32x1024xf32, #tpu.memory_space<vmem>>, vector<1x1x16xf32>,
        %parallel_loop3A_1053 = vector.shape_cast %parallel_loop3A_1052 : vector<1x1x16xf32> to vector<16xf32>
        %parallel_loop3A_1054 = vector.shape_cast %parallel_loop3A_1048 : vector<16xf32> to vector<1x1x16xf32>
        tpu.vector_store %arg8[%parallel_loop3A_1049, %parallel_loop3A_1050, %parallel_loop3A_1051], %parallel_loop3A_1054 {add = true, strides = array<i32>} : memref<3x32x1024xf32, #tpu.memory_space<vmem>>, vector<1x1x16xf32>,
        %parallel_loop3A_1055 = arith.constant 16 : i32
        %parallel_loop3A_1056 = arith.addi %parallel_loop3A_1055, %parallel_loop3A_198 : i32
        %parallel_loop3A_1057 = arith.index_cast %rem3A_111 : i32 to index
        %parallel_loop3A_1058 = arith.index_cast %parallel_loop3A_1056 : i32 to index
        %parallel_loop3A_1059 = arith.constant 752 : index
        %parallel_loop3A_1060 = tpu.vector_load %arg8[%parallel_loop3A_1057, %parallel_loop3A_1058, %parallel_loop3A_1059] {strides = array<i32>} : memref<3x32x1024xf32, #tpu.memory_space<vmem>>, vector<1x1x16xf32>,
        %parallel_loop3A_1061 = vector.shape_cast %parallel_loop3A_1060 : vector<1x1x16xf32> to vector<16xf32>
        %parallel_loop3A_1062 = vector.shape_cast %parallel_loop3A_1048 : vector<16xf32> to vector<1x1x16xf32>
        tpu.vector_store %arg8[%parallel_loop3A_1057, %parallel_loop3A_1058, %parallel_loop3A_1059], %parallel_loop3A_1062 {add = true, strides = array<i32>} : memref<3x32x1024xf32, #tpu.memory_space<vmem>>, vector<1x1x16xf32>,
        %parallel_loop3A_1063 = arith.index_cast %parallel_loop3A_198 : i32 to index
        %parallel_loop3A_1064 = arith.constant 768 : index
        %parallel_loop3A_1065 = tpu.vector_load %arg7[%parallel_loop3A_1063, %parallel_loop3A_1064] {strides = array<i32>} : memref<16x1024xf32, #tpu.memory_space<vmem>>, vector<1x16xf32>,
        %parallel_loop3A_1066 = vector.shape_cast %parallel_loop3A_1065 : vector<1x16xf32> to vector<16xf32>
        %parallel_loop3A_1067 = arith.index_cast %rem3A_111 : i32 to index
        %parallel_loop3A_1068 = arith.index_cast %parallel_loop3A_198 : i32 to index
        %parallel_loop3A_1069 = arith.constant 768 : index
        %parallel_loop3A_1070 = tpu.vector_load %arg8[%parallel_loop3A_1067, %parallel_loop3A_1068, %parallel_loop3A_1069] {strides = array<i32>} : memref<3x32x1024xf32, #tpu.memory_space<vmem>>, vector<1x1x16xf32>,
        %parallel_loop3A_1071 = vector.shape_cast %parallel_loop3A_1070 : vector<1x1x16xf32> to vector<16xf32>
        %parallel_loop3A_1072 = vector.shape_cast %parallel_loop3A_1066 : vector<16xf32> to vector<1x1x16xf32>
        tpu.vector_store %arg8[%parallel_loop3A_1067, %parallel_loop3A_1068, %parallel_loop3A_1069], %parallel_loop3A_1072 {add = true, strides = array<i32>} : memref<3x32x1024xf32, #tpu.memory_space<vmem>>, vector<1x1x16xf32>,
        %parallel_loop3A_1073 = arith.constant 16 : i32
        %parallel_loop3A_1074 = arith.addi %parallel_loop3A_1073, %parallel_loop3A_198 : i32
        %parallel_loop3A_1075 = arith.index_cast %rem3A_111 : i32 to index
        %parallel_loop3A_1076 = arith.index_cast %parallel_loop3A_1074 : i32 to index
        %parallel_loop3A_1077 = arith.constant 768 : index
        %parallel_loop3A_1078 = tpu.vector_load %arg8[%parallel_loop3A_1075, %parallel_loop3A_1076, %parallel_loop3A_1077] {strides = array<i32>} : memref<3x32x1024xf32, #tpu.memory_space<vmem>>, vector<1x1x16xf32>,
        %parallel_loop3A_1079 = vector.shape_cast %parallel_loop3A_1078 : vector<1x1x16xf32> to vector<16xf32>
        %parallel_loop3A_1080 = vector.shape_cast %parallel_loop3A_1066 : vector<16xf32> to vector<1x1x16xf32>
        tpu.vector_store %arg8[%parallel_loop3A_1075, %parallel_loop3A_1076, %parallel_loop3A_1077], %parallel_loop3A_1080 {add = true, strides = array<i32>} : memref<3x32x1024xf32, #tpu.memory_space<vmem>>, vector<1x1x16xf32>,
        %parallel_loop3A_1081 = arith.index_cast %parallel_loop3A_198 : i32 to index
        %parallel_loop3A_1082 = arith.constant 784 : index
        %parallel_loop3A_1083 = tpu.vector_load %arg7[%parallel_loop3A_1081, %parallel_loop3A_1082] {strides = array<i32>} : memref<16x1024xf32, #tpu.memory_space<vmem>>, vector<1x16xf32>,
        %parallel_loop3A_1084 = vector.shape_cast %parallel_loop3A_1083 : vector<1x16xf32> to vector<16xf32>
        %parallel_loop3A_1085 = arith.index_cast %rem3A_111 : i32 to index
        %parallel_loop3A_1086 = arith.index_cast %parallel_loop3A_198 : i32 to index
        %parallel_loop3A_1087 = arith.constant 784 : index
        %parallel_loop3A_1088 = tpu.vector_load %arg8[%parallel_loop3A_1085, %parallel_loop3A_1086, %parallel_loop3A_1087] {strides = array<i32>} : memref<3x32x1024xf32, #tpu.memory_space<vmem>>, vector<1x1x16xf32>,
        %parallel_loop3A_1089 = vector.shape_cast %parallel_loop3A_1088 : vector<1x1x16xf32> to vector<16xf32>
        %parallel_loop3A_1090 = vector.shape_cast %parallel_loop3A_1084 : vector<16xf32> to vector<1x1x16xf32>
        tpu.vector_store %arg8[%parallel_loop3A_1085, %parallel_loop3A_1086, %parallel_loop3A_1087], %parallel_loop3A_1090 {add = true, strides = array<i32>} : memref<3x32x1024xf32, #tpu.memory_space<vmem>>, vector<1x1x16xf32>,
        %parallel_loop3A_1091 = arith.constant 16 : i32
        %parallel_loop3A_1092 = arith.addi %parallel_loop3A_1091, %parallel_loop3A_198 : i32
        %parallel_loop3A_1093 = arith.index_cast %rem3A_111 : i32 to index
        %parallel_loop3A_1094 = arith.index_cast %parallel_loop3A_1092 : i32 to index
        %parallel_loop3A_1095 = arith.constant 784 : index
        %parallel_loop3A_1096 = tpu.vector_load %arg8[%parallel_loop3A_1093, %parallel_loop3A_1094, %parallel_loop3A_1095] {strides = array<i32>} : memref<3x32x1024xf32, #tpu.memory_space<vmem>>, vector<1x1x16xf32>,
        %parallel_loop3A_1097 = vector.shape_cast %parallel_loop3A_1096 : vector<1x1x16xf32> to vector<16xf32>
        %parallel_loop3A_1098 = vector.shape_cast %parallel_loop3A_1084 : vector<16xf32> to vector<1x1x16xf32>
        tpu.vector_store %arg8[%parallel_loop3A_1093, %parallel_loop3A_1094, %parallel_loop3A_1095], %parallel_loop3A_1098 {add = true, strides = array<i32>} : memref<3x32x1024xf32, #tpu.memory_space<vmem>>, vector<1x1x16xf32>,
        %parallel_loop3A_1099 = arith.index_cast %parallel_loop3A_198 : i32 to index
        %parallel_loop3A_1100 = arith.constant 800 : index
        %parallel_loop3A_1101 = tpu.vector_load %arg7[%parallel_loop3A_1099, %parallel_loop3A_1100] {strides = array<i32>} : memref<16x1024xf32, #tpu.memory_space<vmem>>, vector<1x16xf32>,
        %parallel_loop3A_1102 = vector.shape_cast %parallel_loop3A_1101 : vector<1x16xf32> to vector<16xf32>
        %parallel_loop3A_1103 = arith.index_cast %rem3A_111 : i32 to index
        %parallel_loop3A_1104 = arith.index_cast %parallel_loop3A_198 : i32 to index
        %parallel_loop3A_1105 = arith.constant 800 : index
        %parallel_loop3A_1106 = tpu.vector_load %arg8[%parallel_loop3A_1103, %parallel_loop3A_1104, %parallel_loop3A_1105] {strides = array<i32>} : memref<3x32x1024xf32, #tpu.memory_space<vmem>>, vector<1x1x16xf32>,
        %parallel_loop3A_1107 = vector.shape_cast %parallel_loop3A_1106 : vector<1x1x16xf32> to vector<16xf32>
        %parallel_loop3A_1108 = vector.shape_cast %parallel_loop3A_1102 : vector<16xf32> to vector<1x1x16xf32>
        tpu.vector_store %arg8[%parallel_loop3A_1103, %parallel_loop3A_1104, %parallel_loop3A_1105], %parallel_loop3A_1108 {add = true, strides = array<i32>} : memref<3x32x1024xf32, #tpu.memory_space<vmem>>, vector<1x1x16xf32>,
        %parallel_loop3A_1109 = arith.constant 16 : i32
        %parallel_loop3A_1110 = arith.addi %parallel_loop3A_1109, %parallel_loop3A_198 : i32
        %parallel_loop3A_1111 = arith.index_cast %rem3A_111 : i32 to index
        %parallel_loop3A_1112 = arith.index_cast %parallel_loop3A_1110 : i32 to index
        %parallel_loop3A_1113 = arith.constant 800 : index
        %parallel_loop3A_1114 = tpu.vector_load %arg8[%parallel_loop3A_1111, %parallel_loop3A_1112, %parallel_loop3A_1113] {strides = array<i32>} : memref<3x32x1024xf32, #tpu.memory_space<vmem>>, vector<1x1x16xf32>,
        %parallel_loop3A_1115 = vector.shape_cast %parallel_loop3A_1114 : vector<1x1x16xf32> to vector<16xf32>
        %parallel_loop3A_1116 = vector.shape_cast %parallel_loop3A_1102 : vector<16xf32> to vector<1x1x16xf32>
        tpu.vector_store %arg8[%parallel_loop3A_1111, %parallel_loop3A_1112, %parallel_loop3A_1113], %parallel_loop3A_1116 {add = true, strides = array<i32>} : memref<3x32x1024xf32, #tpu.memory_space<vmem>>, vector<1x1x16xf32>,
        %parallel_loop3A_1117 = arith.index_cast %parallel_loop3A_198 : i32 to index
        %parallel_loop3A_1118 = arith.constant 816 : index
        %parallel_loop3A_1119 = tpu.vector_load %arg7[%parallel_loop3A_1117, %parallel_loop3A_1118] {strides = array<i32>} : memref<16x1024xf32, #tpu.memory_space<vmem>>, vector<1x16xf32>,
        %parallel_loop3A_1120 = vector.shape_cast %parallel_loop3A_1119 : vector<1x16xf32> to vector<16xf32>
        %parallel_loop3A_1121 = arith.index_cast %rem3A_111 : i32 to index
        %parallel_loop3A_1122 = arith.index_cast %parallel_loop3A_198 : i32 to index
        %parallel_loop3A_1123 = arith.constant 816 : index
        %parallel_loop3A_1124 = tpu.vector_load %arg8[%parallel_loop3A_1121, %parallel_loop3A_1122, %parallel_loop3A_1123] {strides = array<i32>} : memref<3x32x1024xf32, #tpu.memory_space<vmem>>, vector<1x1x16xf32>,
        %parallel_loop3A_1125 = vector.shape_cast %parallel_loop3A_1124 : vector<1x1x16xf32> to vector<16xf32>
        %parallel_loop3A_1126 = vector.shape_cast %parallel_loop3A_1120 : vector<16xf32> to vector<1x1x16xf32>
        tpu.vector_store %arg8[%parallel_loop3A_1121, %parallel_loop3A_1122, %parallel_loop3A_1123], %parallel_loop3A_1126 {add = true, strides = array<i32>} : memref<3x32x1024xf32, #tpu.memory_space<vmem>>, vector<1x1x16xf32>,
        %parallel_loop3A_1127 = arith.constant 16 : i32
        %parallel_loop3A_1128 = arith.addi %parallel_loop3A_1127, %parallel_loop3A_198 : i32
        %parallel_loop3A_1129 = arith.index_cast %rem3A_111 : i32 to index
        %parallel_loop3A_1130 = arith.index_cast %parallel_loop3A_1128 : i32 to index
        %parallel_loop3A_1131 = arith.constant 816 : index
        %parallel_loop3A_1132 = tpu.vector_load %arg8[%parallel_loop3A_1129, %parallel_loop3A_1130, %parallel_loop3A_1131] {strides = array<i32>} : memref<3x32x1024xf32, #tpu.memory_space<vmem>>, vector<1x1x16xf32>,
        %parallel_loop3A_1133 = vector.shape_cast %parallel_loop3A_1132 : vector<1x1x16xf32> to vector<16xf32>
        %parallel_loop3A_1134 = vector.shape_cast %parallel_loop3A_1120 : vector<16xf32> to vector<1x1x16xf32>
        tpu.vector_store %arg8[%parallel_loop3A_1129, %parallel_loop3A_1130, %parallel_loop3A_1131], %parallel_loop3A_1134 {add = true, strides = array<i32>} : memref<3x32x1024xf32, #tpu.memory_space<vmem>>, vector<1x1x16xf32>,
        %parallel_loop3A_1135 = arith.index_cast %parallel_loop3A_198 : i32 to index
        %parallel_loop3A_1136 = arith.constant 832 : index
        %parallel_loop3A_1137 = tpu.vector_load %arg7[%parallel_loop3A_1135, %parallel_loop3A_1136] {strides = array<i32>} : memref<16x1024xf32, #tpu.memory_space<vmem>>, vector<1x16xf32>,
        %parallel_loop3A_1138 = vector.shape_cast %parallel_loop3A_1137 : vector<1x16xf32> to vector<16xf32>
        %parallel_loop3A_1139 = arith.index_cast %rem3A_111 : i32 to index
        %parallel_loop3A_1140 = arith.index_cast %parallel_loop3A_198 : i32 to index
        %parallel_loop3A_1141 = arith.constant 832 : index
        %parallel_loop3A_1142 = tpu.vector_load %arg8[%parallel_loop3A_1139, %parallel_loop3A_1140, %parallel_loop3A_1141] {strides = array<i32>} : memref<3x32x1024xf32, #tpu.memory_space<vmem>>, vector<1x1x16xf32>,
        %parallel_loop3A_1143 = vector.shape_cast %parallel_loop3A_1142 : vector<1x1x16xf32> to vector<16xf32>
        %parallel_loop3A_1144 = vector.shape_cast %parallel_loop3A_1138 : vector<16xf32> to vector<1x1x16xf32>
        tpu.vector_store %arg8[%parallel_loop3A_1139, %parallel_loop3A_1140, %parallel_loop3A_1141], %parallel_loop3A_1144 {add = true, strides = array<i32>} : memref<3x32x1024xf32, #tpu.memory_space<vmem>>, vector<1x1x16xf32>,
        %parallel_loop3A_1145 = arith.constant 16 : i32
        %parallel_loop3A_1146 = arith.addi %parallel_loop3A_1145, %parallel_loop3A_198 : i32
        %parallel_loop3A_1147 = arith.index_cast %rem3A_111 : i32 to index
        %parallel_loop3A_1148 = arith.index_cast %parallel_loop3A_1146 : i32 to index
        %parallel_loop3A_1149 = arith.constant 832 : index
        %parallel_loop3A_1150 = tpu.vector_load %arg8[%parallel_loop3A_1147, %parallel_loop3A_1148, %parallel_loop3A_1149] {strides = array<i32>} : memref<3x32x1024xf32, #tpu.memory_space<vmem>>, vector<1x1x16xf32>,
        %parallel_loop3A_1151 = vector.shape_cast %parallel_loop3A_1150 : vector<1x1x16xf32> to vector<16xf32>
        %parallel_loop3A_1152 = vector.shape_cast %parallel_loop3A_1138 : vector<16xf32> to vector<1x1x16xf32>
        tpu.vector_store %arg8[%parallel_loop3A_1147, %parallel_loop3A_1148, %parallel_loop3A_1149], %parallel_loop3A_1152 {add = true, strides = array<i32>} : memref<3x32x1024xf32, #tpu.memory_space<vmem>>, vector<1x1x16xf32>,
        %parallel_loop3A_1153 = arith.index_cast %parallel_loop3A_198 : i32 to index
        %parallel_loop3A_1154 = arith.constant 848 : index
        %parallel_loop3A_1155 = tpu.vector_load %arg7[%parallel_loop3A_1153, %parallel_loop3A_1154] {strides = array<i32>} : memref<16x1024xf32, #tpu.memory_space<vmem>>, vector<1x16xf32>,
        %parallel_loop3A_1156 = vector.shape_cast %parallel_loop3A_1155 : vector<1x16xf32> to vector<16xf32>
        %parallel_loop3A_1157 = arith.index_cast %rem3A_111 : i32 to index
        %parallel_loop3A_1158 = arith.index_cast %parallel_loop3A_198 : i32 to index
        %parallel_loop3A_1159 = arith.constant 848 : index
        %parallel_loop3A_1160 = tpu.vector_load %arg8[%parallel_loop3A_1157, %parallel_loop3A_1158, %parallel_loop3A_1159] {strides = array<i32>} : memref<3x32x1024xf32, #tpu.memory_space<vmem>>, vector<1x1x16xf32>,
        %parallel_loop3A_1161 = vector.shape_cast %parallel_loop3A_1160 : vector<1x1x16xf32> to vector<16xf32>
        %parallel_loop3A_1162 = vector.shape_cast %parallel_loop3A_1156 : vector<16xf32> to vector<1x1x16xf32>
        tpu.vector_store %arg8[%parallel_loop3A_1157, %parallel_loop3A_1158, %parallel_loop3A_1159], %parallel_loop3A_1162 {add = true, strides = array<i32>} : memref<3x32x1024xf32, #tpu.memory_space<vmem>>, vector<1x1x16xf32>,
        %parallel_loop3A_1163 = arith.constant 16 : i32
        %parallel_loop3A_1164 = arith.addi %parallel_loop3A_1163, %parallel_loop3A_198 : i32
        %parallel_loop3A_1165 = arith.index_cast %rem3A_111 : i32 to index
        %parallel_loop3A_1166 = arith.index_cast %parallel_loop3A_1164 : i32 to index
        %parallel_loop3A_1167 = arith.constant 848 : index
        %parallel_loop3A_1168 = tpu.vector_load %arg8[%parallel_loop3A_1165, %parallel_loop3A_1166, %parallel_loop3A_1167] {strides = array<i32>} : memref<3x32x1024xf32, #tpu.memory_space<vmem>>, vector<1x1x16xf32>,
        %parallel_loop3A_1169 = vector.shape_cast %parallel_loop3A_1168 : vector<1x1x16xf32> to vector<16xf32>
        %parallel_loop3A_1170 = vector.shape_cast %parallel_loop3A_1156 : vector<16xf32> to vector<1x1x16xf32>
        tpu.vector_store %arg8[%parallel_loop3A_1165, %parallel_loop3A_1166, %parallel_loop3A_1167], %parallel_loop3A_1170 {add = true, strides = array<i32>} : memref<3x32x1024xf32, #tpu.memory_space<vmem>>, vector<1x1x16xf32>,
        %parallel_loop3A_1171 = arith.index_cast %parallel_loop3A_198 : i32 to index
        %parallel_loop3A_1172 = arith.constant 864 : index
        %parallel_loop3A_1173 = tpu.vector_load %arg7[%parallel_loop3A_1171, %parallel_loop3A_1172] {strides = array<i32>} : memref<16x1024xf32, #tpu.memory_space<vmem>>, vector<1x16xf32>,
        %parallel_loop3A_1174 = vector.shape_cast %parallel_loop3A_1173 : vector<1x16xf32> to vector<16xf32>
        %parallel_loop3A_1175 = arith.index_cast %rem3A_111 : i32 to index
        %parallel_loop3A_1176 = arith.index_cast %parallel_loop3A_198 : i32 to index
        %parallel_loop3A_1177 = arith.constant 864 : index
        %parallel_loop3A_1178 = tpu.vector_load %arg8[%parallel_loop3A_1175, %parallel_loop3A_1176, %parallel_loop3A_1177] {strides = array<i32>} : memref<3x32x1024xf32, #tpu.memory_space<vmem>>, vector<1x1x16xf32>,
        %parallel_loop3A_1179 = vector.shape_cast %parallel_loop3A_1178 : vector<1x1x16xf32> to vector<16xf32>
        %parallel_loop3A_1180 = vector.shape_cast %parallel_loop3A_1174 : vector<16xf32> to vector<1x1x16xf32>
        tpu.vector_store %arg8[%parallel_loop3A_1175, %parallel_loop3A_1176, %parallel_loop3A_1177], %parallel_loop3A_1180 {add = true, strides = array<i32>} : memref<3x32x1024xf32, #tpu.memory_space<vmem>>, vector<1x1x16xf32>,
        %parallel_loop3A_1181 = arith.constant 16 : i32
        %parallel_loop3A_1182 = arith.addi %parallel_loop3A_1181, %parallel_loop3A_198 : i32
        %parallel_loop3A_1183 = arith.index_cast %rem3A_111 : i32 to index
        %parallel_loop3A_1184 = arith.index_cast %parallel_loop3A_1182 : i32 to index
        %parallel_loop3A_1185 = arith.constant 864 : index
        %parallel_loop3A_1186 = tpu.vector_load %arg8[%parallel_loop3A_1183, %parallel_loop3A_1184, %parallel_loop3A_1185] {strides = array<i32>} : memref<3x32x1024xf32, #tpu.memory_space<vmem>>, vector<1x1x16xf32>,
        %parallel_loop3A_1187 = vector.shape_cast %parallel_loop3A_1186 : vector<1x1x16xf32> to vector<16xf32>
        %parallel_loop3A_1188 = vector.shape_cast %parallel_loop3A_1174 : vector<16xf32> to vector<1x1x16xf32>
        tpu.vector_store %arg8[%parallel_loop3A_1183, %parallel_loop3A_1184, %parallel_loop3A_1185], %parallel_loop3A_1188 {add = true, strides = array<i32>} : memref<3x32x1024xf32, #tpu.memory_space<vmem>>, vector<1x1x16xf32>,
        %parallel_loop3A_1189 = arith.index_cast %parallel_loop3A_198 : i32 to index
        %parallel_loop3A_1190 = arith.constant 880 : index
        %parallel_loop3A_1191 = tpu.vector_load %arg7[%parallel_loop3A_1189, %parallel_loop3A_1190] {strides = array<i32>} : memref<16x1024xf32, #tpu.memory_space<vmem>>, vector<1x16xf32>,
        %parallel_loop3A_1192 = vector.shape_cast %parallel_loop3A_1191 : vector<1x16xf32> to vector<16xf32>
        %parallel_loop3A_1193 = arith.index_cast %rem3A_111 : i32 to index
        %parallel_loop3A_1194 = arith.index_cast %parallel_loop3A_198 : i32 to index
        %parallel_loop3A_1195 = arith.constant 880 : index
        %parallel_loop3A_1196 = tpu.vector_load %arg8[%parallel_loop3A_1193, %parallel_loop3A_1194, %parallel_loop3A_1195] {strides = array<i32>} : memref<3x32x1024xf32, #tpu.memory_space<vmem>>, vector<1x1x16xf32>,
        %parallel_loop3A_1197 = vector.shape_cast %parallel_loop3A_1196 : vector<1x1x16xf32> to vector<16xf32>
        %parallel_loop3A_1198 = vector.shape_cast %parallel_loop3A_1192 : vector<16xf32> to vector<1x1x16xf32>
        tpu.vector_store %arg8[%parallel_loop3A_1193, %parallel_loop3A_1194, %parallel_loop3A_1195], %parallel_loop3A_1198 {add = true, strides = array<i32>} : memref<3x32x1024xf32, #tpu.memory_space<vmem>>, vector<1x1x16xf32>,
        %parallel_loop3A_1199 = arith.constant 16 : i32
        %parallel_loop3A_1200 = arith.addi %parallel_loop3A_1199, %parallel_loop3A_198 : i32
        %parallel_loop3A_1201 = arith.index_cast %rem3A_111 : i32 to index
        %parallel_loop3A_1202 = arith.index_cast %parallel_loop3A_1200 : i32 to index
        %parallel_loop3A_1203 = arith.constant 880 : index
        %parallel_loop3A_1204 = tpu.vector_load %arg8[%parallel_loop3A_1201, %parallel_loop3A_1202, %parallel_loop3A_1203] {strides = array<i32>} : memref<3x32x1024xf32, #tpu.memory_space<vmem>>, vector<1x1x16xf32>,
        %parallel_loop3A_1205 = vector.shape_cast %parallel_loop3A_1204 : vector<1x1x16xf32> to vector<16xf32>
        %parallel_loop3A_1206 = vector.shape_cast %parallel_loop3A_1192 : vector<16xf32> to vector<1x1x16xf32>
        tpu.vector_store %arg8[%parallel_loop3A_1201, %parallel_loop3A_1202, %parallel_loop3A_1203], %parallel_loop3A_1206 {add = true, strides = array<i32>} : memref<3x32x1024xf32, #tpu.memory_space<vmem>>, vector<1x1x16xf32>,
        %parallel_loop3A_1207 = arith.index_cast %parallel_loop3A_198 : i32 to index
        %parallel_loop3A_1208 = arith.constant 896 : index
        %parallel_loop3A_1209 = tpu.vector_load %arg7[%parallel_loop3A_1207, %parallel_loop3A_1208] {strides = array<i32>} : memref<16x1024xf32, #tpu.memory_space<vmem>>, vector<1x16xf32>,
        %parallel_loop3A_1210 = vector.shape_cast %parallel_loop3A_1209 : vector<1x16xf32> to vector<16xf32>
        %parallel_loop3A_1211 = arith.index_cast %rem3A_111 : i32 to index
        %parallel_loop3A_1212 = arith.index_cast %parallel_loop3A_198 : i32 to index
        %parallel_loop3A_1213 = arith.constant 896 : index
        %parallel_loop3A_1214 = tpu.vector_load %arg8[%parallel_loop3A_1211, %parallel_loop3A_1212, %parallel_loop3A_1213] {strides = array<i32>} : memref<3x32x1024xf32, #tpu.memory_space<vmem>>, vector<1x1x16xf32>,
        %parallel_loop3A_1215 = vector.shape_cast %parallel_loop3A_1214 : vector<1x1x16xf32> to vector<16xf32>
        %parallel_loop3A_1216 = vector.shape_cast %parallel_loop3A_1210 : vector<16xf32> to vector<1x1x16xf32>
        tpu.vector_store %arg8[%parallel_loop3A_1211, %parallel_loop3A_1212, %parallel_loop3A_1213], %parallel_loop3A_1216 {add = true, strides = array<i32>} : memref<3x32x1024xf32, #tpu.memory_space<vmem>>, vector<1x1x16xf32>,
        %parallel_loop3A_1217 = arith.constant 16 : i32
        %parallel_loop3A_1218 = arith.addi %parallel_loop3A_1217, %parallel_loop3A_198 : i32
        %parallel_loop3A_1219 = arith.index_cast %rem3A_111 : i32 to index
        %parallel_loop3A_1220 = arith.index_cast %parallel_loop3A_1218 : i32 to index
        %parallel_loop3A_1221 = arith.constant 896 : index
        %parallel_loop3A_1222 = tpu.vector_load %arg8[%parallel_loop3A_1219, %parallel_loop3A_1220, %parallel_loop3A_1221] {strides = array<i32>} : memref<3x32x1024xf32, #tpu.memory_space<vmem>>, vector<1x1x16xf32>,
        %parallel_loop3A_1223 = vector.shape_cast %parallel_loop3A_1222 : vector<1x1x16xf32> to vector<16xf32>
        %parallel_loop3A_1224 = vector.shape_cast %parallel_loop3A_1210 : vector<16xf32> to vector<1x1x16xf32>
        tpu.vector_store %arg8[%parallel_loop3A_1219, %parallel_loop3A_1220, %parallel_loop3A_1221], %parallel_loop3A_1224 {add = true, strides = array<i32>} : memref<3x32x1024xf32, #tpu.memory_space<vmem>>, vector<1x1x16xf32>,
        %parallel_loop3A_1225 = arith.index_cast %parallel_loop3A_198 : i32 to index
        %parallel_loop3A_1226 = arith.constant 912 : index
        %parallel_loop3A_1227 = tpu.vector_load %arg7[%parallel_loop3A_1225, %parallel_loop3A_1226] {strides = array<i32>} : memref<16x1024xf32, #tpu.memory_space<vmem>>, vector<1x16xf32>,
        %parallel_loop3A_1228 = vector.shape_cast %parallel_loop3A_1227 : vector<1x16xf32> to vector<16xf32>
        %parallel_loop3A_1229 = arith.index_cast %rem3A_111 : i32 to index
        %parallel_loop3A_1230 = arith.index_cast %parallel_loop3A_198 : i32 to index
        %parallel_loop3A_1231 = arith.constant 912 : index
        %parallel_loop3A_1232 = tpu.vector_load %arg8[%parallel_loop3A_1229, %parallel_loop3A_1230, %parallel_loop3A_1231] {strides = array<i32>} : memref<3x32x1024xf32, #tpu.memory_space<vmem>>, vector<1x1x16xf32>,
        %parallel_loop3A_1233 = vector.shape_cast %parallel_loop3A_1232 : vector<1x1x16xf32> to vector<16xf32>
        %parallel_loop3A_1234 = vector.shape_cast %parallel_loop3A_1228 : vector<16xf32> to vector<1x1x16xf32>
        tpu.vector_store %arg8[%parallel_loop3A_1229, %parallel_loop3A_1230, %parallel_loop3A_1231], %parallel_loop3A_1234 {add = true, strides = array<i32>} : memref<3x32x1024xf32, #tpu.memory_space<vmem>>, vector<1x1x16xf32>,
        %parallel_loop3A_1235 = arith.constant 16 : i32
        %parallel_loop3A_1236 = arith.addi %parallel_loop3A_1235, %parallel_loop3A_198 : i32
        %parallel_loop3A_1237 = arith.index_cast %rem3A_111 : i32 to index
        %parallel_loop3A_1238 = arith.index_cast %parallel_loop3A_1236 : i32 to index
        %parallel_loop3A_1239 = arith.constant 912 : index
        %parallel_loop3A_1240 = tpu.vector_load %arg8[%parallel_loop3A_1237, %parallel_loop3A_1238, %parallel_loop3A_1239] {strides = array<i32>} : memref<3x32x1024xf32, #tpu.memory_space<vmem>>, vector<1x1x16xf32>,
        %parallel_loop3A_1241 = vector.shape_cast %parallel_loop3A_1240 : vector<1x1x16xf32> to vector<16xf32>
        %parallel_loop3A_1242 = vector.shape_cast %parallel_loop3A_1228 : vector<16xf32> to vector<1x1x16xf32>
        tpu.vector_store %arg8[%parallel_loop3A_1237, %parallel_loop3A_1238, %parallel_loop3A_1239], %parallel_loop3A_1242 {add = true, strides = array<i32>} : memref<3x32x1024xf32, #tpu.memory_space<vmem>>, vector<1x1x16xf32>,
        %parallel_loop3A_1243 = arith.index_cast %parallel_loop3A_198 : i32 to index
        %parallel_loop3A_1244 = arith.constant 928 : index
        %parallel_loop3A_1245 = tpu.vector_load %arg7[%parallel_loop3A_1243, %parallel_loop3A_1244] {strides = array<i32>} : memref<16x1024xf32, #tpu.memory_space<vmem>>, vector<1x16xf32>,
        %parallel_loop3A_1246 = vector.shape_cast %parallel_loop3A_1245 : vector<1x16xf32> to vector<16xf32>
        %parallel_loop3A_1247 = arith.index_cast %rem3A_111 : i32 to index
        %parallel_loop3A_1248 = arith.index_cast %parallel_loop3A_198 : i32 to index
        %parallel_loop3A_1249 = arith.constant 928 : index
        %parallel_loop3A_1250 = tpu.vector_load %arg8[%parallel_loop3A_1247, %parallel_loop3A_1248, %parallel_loop3A_1249] {strides = array<i32>} : memref<3x32x1024xf32, #tpu.memory_space<vmem>>, vector<1x1x16xf32>,
        %parallel_loop3A_1251 = vector.shape_cast %parallel_loop3A_1250 : vector<1x1x16xf32> to vector<16xf32>
        %parallel_loop3A_1252 = vector.shape_cast %parallel_loop3A_1246 : vector<16xf32> to vector<1x1x16xf32>
        tpu.vector_store %arg8[%parallel_loop3A_1247, %parallel_loop3A_1248, %parallel_loop3A_1249], %parallel_loop3A_1252 {add = true, strides = array<i32>} : memref<3x32x1024xf32, #tpu.memory_space<vmem>>, vector<1x1x16xf32>,
        %parallel_loop3A_1253 = arith.constant 16 : i32
        %parallel_loop3A_1254 = arith.addi %parallel_loop3A_1253, %parallel_loop3A_198 : i32
        %parallel_loop3A_1255 = arith.index_cast %rem3A_111 : i32 to index
        %parallel_loop3A_1256 = arith.index_cast %parallel_loop3A_1254 : i32 to index
        %parallel_loop3A_1257 = arith.constant 928 : index
        %parallel_loop3A_1258 = tpu.vector_load %arg8[%parallel_loop3A_1255, %parallel_loop3A_1256, %parallel_loop3A_1257] {strides = array<i32>} : memref<3x32x1024xf32, #tpu.memory_space<vmem>>, vector<1x1x16xf32>,
        %parallel_loop3A_1259 = vector.shape_cast %parallel_loop3A_1258 : vector<1x1x16xf32> to vector<16xf32>
        %parallel_loop3A_1260 = vector.shape_cast %parallel_loop3A_1246 : vector<16xf32> to vector<1x1x16xf32>
        tpu.vector_store %arg8[%parallel_loop3A_1255, %parallel_loop3A_1256, %parallel_loop3A_1257], %parallel_loop3A_1260 {add = true, strides = array<i32>} : memref<3x32x1024xf32, #tpu.memory_space<vmem>>, vector<1x1x16xf32>,
        %parallel_loop3A_1261 = arith.index_cast %parallel_loop3A_198 : i32 to index
        %parallel_loop3A_1262 = arith.constant 944 : index
        %parallel_loop3A_1263 = tpu.vector_load %arg7[%parallel_loop3A_1261, %parallel_loop3A_1262] {strides = array<i32>} : memref<16x1024xf32, #tpu.memory_space<vmem>>, vector<1x16xf32>,
        %parallel_loop3A_1264 = vector.shape_cast %parallel_loop3A_1263 : vector<1x16xf32> to vector<16xf32>
        %parallel_loop3A_1265 = arith.index_cast %rem3A_111 : i32 to index
        %parallel_loop3A_1266 = arith.index_cast %parallel_loop3A_198 : i32 to index
        %parallel_loop3A_1267 = arith.constant 944 : index
        %parallel_loop3A_1268 = tpu.vector_load %arg8[%parallel_loop3A_1265, %parallel_loop3A_1266, %parallel_loop3A_1267] {strides = array<i32>} : memref<3x32x1024xf32, #tpu.memory_space<vmem>>, vector<1x1x16xf32>,
        %parallel_loop3A_1269 = vector.shape_cast %parallel_loop3A_1268 : vector<1x1x16xf32> to vector<16xf32>
        %parallel_loop3A_1270 = vector.shape_cast %parallel_loop3A_1264 : vector<16xf32> to vector<1x1x16xf32>
        tpu.vector_store %arg8[%parallel_loop3A_1265, %parallel_loop3A_1266, %parallel_loop3A_1267], %parallel_loop3A_1270 {add = true, strides = array<i32>} : memref<3x32x1024xf32, #tpu.memory_space<vmem>>, vector<1x1x16xf32>,
        %parallel_loop3A_1271 = arith.constant 16 : i32
        %parallel_loop3A_1272 = arith.addi %parallel_loop3A_1271, %parallel_loop3A_198 : i32
        %parallel_loop3A_1273 = arith.index_cast %rem3A_111 : i32 to index
        %parallel_loop3A_1274 = arith.index_cast %parallel_loop3A_1272 : i32 to index
        %parallel_loop3A_1275 = arith.constant 944 : index
        %parallel_loop3A_1276 = tpu.vector_load %arg8[%parallel_loop3A_1273, %parallel_loop3A_1274, %parallel_loop3A_1275] {strides = array<i32>} : memref<3x32x1024xf32, #tpu.memory_space<vmem>>, vector<1x1x16xf32>,
        %parallel_loop3A_1277 = vector.shape_cast %parallel_loop3A_1276 : vector<1x1x16xf32> to vector<16xf32>
        %parallel_loop3A_1278 = vector.shape_cast %parallel_loop3A_1264 : vector<16xf32> to vector<1x1x16xf32>
        tpu.vector_store %arg8[%parallel_loop3A_1273, %parallel_loop3A_1274, %parallel_loop3A_1275], %parallel_loop3A_1278 {add = true, strides = array<i32>} : memref<3x32x1024xf32, #tpu.memory_space<vmem>>, vector<1x1x16xf32>,
        %parallel_loop3A_1279 = arith.index_cast %parallel_loop3A_198 : i32 to index
        %parallel_loop3A_1280 = arith.constant 960 : index
        %parallel_loop3A_1281 = tpu.vector_load %arg7[%parallel_loop3A_1279, %parallel_loop3A_1280] {strides = array<i32>} : memref<16x1024xf32, #tpu.memory_space<vmem>>, vector<1x16xf32>,
        %parallel_loop3A_1282 = vector.shape_cast %parallel_loop3A_1281 : vector<1x16xf32> to vector<16xf32>
        %parallel_loop3A_1283 = arith.index_cast %rem3A_111 : i32 to index
        %parallel_loop3A_1284 = arith.index_cast %parallel_loop3A_198 : i32 to index
        %parallel_loop3A_1285 = arith.constant 960 : index
        %parallel_loop3A_1286 = tpu.vector_load %arg8[%parallel_loop3A_1283, %parallel_loop3A_1284, %parallel_loop3A_1285] {strides = array<i32>} : memref<3x32x1024xf32, #tpu.memory_space<vmem>>, vector<1x1x16xf32>,
        %parallel_loop3A_1287 = vector.shape_cast %parallel_loop3A_1286 : vector<1x1x16xf32> to vector<16xf32>
        %parallel_loop3A_1288 = vector.shape_cast %parallel_loop3A_1282 : vector<16xf32> to vector<1x1x16xf32>
        tpu.vector_store %arg8[%parallel_loop3A_1283, %parallel_loop3A_1284, %parallel_loop3A_1285], %parallel_loop3A_1288 {add = true, strides = array<i32>} : memref<3x32x1024xf32, #tpu.memory_space<vmem>>, vector<1x1x16xf32>,
        %parallel_loop3A_1289 = arith.constant 16 : i32
        %parallel_loop3A_1290 = arith.addi %parallel_loop3A_1289, %parallel_loop3A_198 : i32
        %parallel_loop3A_1291 = arith.index_cast %rem3A_111 : i32 to index
        %parallel_loop3A_1292 = arith.index_cast %parallel_loop3A_1290 : i32 to index
        %parallel_loop3A_1293 = arith.constant 960 : index
        %parallel_loop3A_1294 = tpu.vector_load %arg8[%parallel_loop3A_1291, %parallel_loop3A_1292, %parallel_loop3A_1293] {strides = array<i32>} : memref<3x32x1024xf32, #tpu.memory_space<vmem>>, vector<1x1x16xf32>,
        %parallel_loop3A_1295 = vector.shape_cast %parallel_loop3A_1294 : vector<1x1x16xf32> to vector<16xf32>
        %parallel_loop3A_1296 = vector.shape_cast %parallel_loop3A_1282 : vector<16xf32> to vector<1x1x16xf32>
        tpu.vector_store %arg8[%parallel_loop3A_1291, %parallel_loop3A_1292, %parallel_loop3A_1293], %parallel_loop3A_1296 {add = true, strides = array<i32>} : memref<3x32x1024xf32, #tpu.memory_space<vmem>>, vector<1x1x16xf32>,
        %parallel_loop3A_1297 = arith.index_cast %parallel_loop3A_198 : i32 to index
        %parallel_loop3A_1298 = arith.constant 976 : index
        %parallel_loop3A_1299 = tpu.vector_load %arg7[%parallel_loop3A_1297, %parallel_loop3A_1298] {strides = array<i32>} : memref<16x1024xf32, #tpu.memory_space<vmem>>, vector<1x16xf32>,
        %parallel_loop3A_1300 = vector.shape_cast %parallel_loop3A_1299 : vector<1x16xf32> to vector<16xf32>
        %parallel_loop3A_1301 = arith.index_cast %rem3A_111 : i32 to index
        %parallel_loop3A_1302 = arith.index_cast %parallel_loop3A_198 : i32 to index
        %parallel_loop3A_1303 = arith.constant 976 : index
        %parallel_loop3A_1304 = tpu.vector_load %arg8[%parallel_loop3A_1301, %parallel_loop3A_1302, %parallel_loop3A_1303] {strides = array<i32>} : memref<3x32x1024xf32, #tpu.memory_space<vmem>>, vector<1x1x16xf32>,
        %parallel_loop3A_1305 = vector.shape_cast %parallel_loop3A_1304 : vector<1x1x16xf32> to vector<16xf32>
        %parallel_loop3A_1306 = vector.shape_cast %parallel_loop3A_1300 : vector<16xf32> to vector<1x1x16xf32>
        tpu.vector_store %arg8[%parallel_loop3A_1301, %parallel_loop3A_1302, %parallel_loop3A_1303], %parallel_loop3A_1306 {add = true, strides = array<i32>} : memref<3x32x1024xf32, #tpu.memory_space<vmem>>, vector<1x1x16xf32>,
        %parallel_loop3A_1307 = arith.constant 16 : i32
        %parallel_loop3A_1308 = arith.addi %parallel_loop3A_1307, %parallel_loop3A_198 : i32
        %parallel_loop3A_1309 = arith.index_cast %rem3A_111 : i32 to index
        %parallel_loop3A_1310 = arith.index_cast %parallel_loop3A_1308 : i32 to index
        %parallel_loop3A_1311 = arith.constant 976 : index
        %parallel_loop3A_1312 = tpu.vector_load %arg8[%parallel_loop3A_1309, %parallel_loop3A_1310, %parallel_loop3A_1311] {strides = array<i32>} : memref<3x32x1024xf32, #tpu.memory_space<vmem>>, vector<1x1x16xf32>,
        %parallel_loop3A_1313 = vector.shape_cast %parallel_loop3A_1312 : vector<1x1x16xf32> to vector<16xf32>
        %parallel_loop3A_1314 = vector.shape_cast %parallel_loop3A_1300 : vector<16xf32> to vector<1x1x16xf32>
        tpu.vector_store %arg8[%parallel_loop3A_1309, %parallel_loop3A_1310, %parallel_loop3A_1311], %parallel_loop3A_1314 {add = true, strides = array<i32>} : memref<3x32x1024xf32, #tpu.memory_space<vmem>>, vector<1x1x16xf32>,
        %parallel_loop3A_1315 = arith.index_cast %parallel_loop3A_198 : i32 to index
        %parallel_loop3A_1316 = arith.constant 992 : index
        %parallel_loop3A_1317 = tpu.vector_load %arg7[%parallel_loop3A_1315, %parallel_loop3A_1316] {strides = array<i32>} : memref<16x1024xf32, #tpu.memory_space<vmem>>, vector<1x16xf32>,
        %parallel_loop3A_1318 = vector.shape_cast %parallel_loop3A_1317 : vector<1x16xf32> to vector<16xf32>
        %parallel_loop3A_1319 = arith.index_cast %rem3A_111 : i32 to index
        %parallel_loop3A_1320 = arith.index_cast %parallel_loop3A_198 : i32 to index
        %parallel_loop3A_1321 = arith.constant 992 : index
        %parallel_loop3A_1322 = tpu.vector_load %arg8[%parallel_loop3A_1319, %parallel_loop3A_1320, %parallel_loop3A_1321] {strides = array<i32>} : memref<3x32x1024xf32, #tpu.memory_space<vmem>>, vector<1x1x16xf32>,
        %parallel_loop3A_1323 = vector.shape_cast %parallel_loop3A_1322 : vector<1x1x16xf32> to vector<16xf32>
        %parallel_loop3A_1324 = vector.shape_cast %parallel_loop3A_1318 : vector<16xf32> to vector<1x1x16xf32>
        tpu.vector_store %arg8[%parallel_loop3A_1319, %parallel_loop3A_1320, %parallel_loop3A_1321], %parallel_loop3A_1324 {add = true, strides = array<i32>} : memref<3x32x1024xf32, #tpu.memory_space<vmem>>, vector<1x1x16xf32>,
        %parallel_loop3A_1325 = arith.constant 16 : i32
        %parallel_loop3A_1326 = arith.addi %parallel_loop3A_1325, %parallel_loop3A_198 : i32
        %parallel_loop3A_1327 = arith.index_cast %rem3A_111 : i32 to index
        %parallel_loop3A_1328 = arith.index_cast %parallel_loop3A_1326 : i32 to index
        %parallel_loop3A_1329 = arith.constant 992 : index
        %parallel_loop3A_1330 = tpu.vector_load %arg8[%parallel_loop3A_1327, %parallel_loop3A_1328, %parallel_loop3A_1329] {strides = array<i32>} : memref<3x32x1024xf32, #tpu.memory_space<vmem>>, vector<1x1x16xf32>,
        %parallel_loop3A_1331 = vector.shape_cast %parallel_loop3A_1330 : vector<1x1x16xf32> to vector<16xf32>
        %parallel_loop3A_1332 = vector.shape_cast %parallel_loop3A_1318 : vector<16xf32> to vector<1x1x16xf32>
        tpu.vector_store %arg8[%parallel_loop3A_1327, %parallel_loop3A_1328, %parallel_loop3A_1329], %parallel_loop3A_1332 {add = true, strides = array<i32>} : memref<3x32x1024xf32, #tpu.memory_space<vmem>>, vector<1x1x16xf32>,
        %parallel_loop3A_1333 = arith.index_cast %parallel_loop3A_198 : i32 to index
        %parallel_loop3A_1334 = arith.constant 1008 : index
        %parallel_loop3A_1335 = tpu.vector_load %arg7[%parallel_loop3A_1333, %parallel_loop3A_1334] {strides = array<i32>} : memref<16x1024xf32, #tpu.memory_space<vmem>>, vector<1x16xf32>,
        %parallel_loop3A_1336 = vector.shape_cast %parallel_loop3A_1335 : vector<1x16xf32> to vector<16xf32>
        %parallel_loop3A_1337 = arith.index_cast %rem3A_111 : i32 to index
        %parallel_loop3A_1338 = arith.index_cast %parallel_loop3A_198 : i32 to index
        %parallel_loop3A_1339 = arith.constant 1008 : index
        %parallel_loop3A_1340 = tpu.vector_load %arg8[%parallel_loop3A_1337, %parallel_loop3A_1338, %parallel_loop3A_1339] {strides = array<i32>} : memref<3x32x1024xf32, #tpu.memory_space<vmem>>, vector<1x1x16xf32>,
        %parallel_loop3A_1341 = vector.shape_cast %parallel_loop3A_1340 : vector<1x1x16xf32> to vector<16xf32>
        %parallel_loop3A_1342 = vector.shape_cast %parallel_loop3A_1336 : vector<16xf32> to vector<1x1x16xf32>
        tpu.vector_store %arg8[%parallel_loop3A_1337, %parallel_loop3A_1338, %parallel_loop3A_1339], %parallel_loop3A_1342 {add = true, strides = array<i32>} : memref<3x32x1024xf32, #tpu.memory_space<vmem>>, vector<1x1x16xf32>,
        %parallel_loop3A_1343 = arith.constant 16 : i32
        %parallel_loop3A_1344 = arith.addi %parallel_loop3A_1343, %parallel_loop3A_198 : i32
        %parallel_loop3A_1345 = arith.index_cast %rem3A_111 : i32 to index
        %parallel_loop3A_1346 = arith.index_cast %parallel_loop3A_1344 : i32 to index
        %parallel_loop3A_1347 = arith.constant 1008 : index
        %parallel_loop3A_1348 = tpu.vector_load %arg8[%parallel_loop3A_1345, %parallel_loop3A_1346, %parallel_loop3A_1347] {strides = array<i32>} : memref<3x32x1024xf32, #tpu.memory_space<vmem>>, vector<1x1x16xf32>,
        %parallel_loop3A_1349 = vector.shape_cast %parallel_loop3A_1348 : vector<1x1x16xf32> to vector<16xf32>
        %parallel_loop3A_1350 = vector.shape_cast %parallel_loop3A_1336 : vector<16xf32> to vector<1x1x16xf32>
        tpu.vector_store %arg8[%parallel_loop3A_1345, %parallel_loop3A_1346, %parallel_loop3A_1347], %parallel_loop3A_1350 {add = true, strides = array<i32>} : memref<3x32x1024xf32, #tpu.memory_space<vmem>>, vector<1x1x16xf32>,
      } {sc.loop_unroll_factor = 2 : i64, sc.parallel_access}
      %eq3A_141 = arith.constant 1 : i32
      %eq3A_142 = arith.cmpi eq, %rem3A_109, %eq3A_141 : i32
      %add3A_143 = arith.constant 1 : i32
      %add3A_144 = arith.addi %div3A_108, %add3A_143 : i32
      %lt3A_145 = arith.constant 16 : i32
      %lt3A_146 = arith.cmpi slt, %add3A_144, %lt3A_145 : i32
      %and3A = arith.andi %eq3A_142, %lt3A_146 : i1
      %convert_element_type3A_147 = arith.extui %and3A : i1 to i32
      %cond3A_148 = arith.constant 0 : i32
      %cond3A_149 = arith.cmpi ne, %convert_element_type3A_147, %cond3A_148 : i32
      scf.if %cond3A_149 {
        %add3A_198 = arith.constant 1 : i32
        %add3A_199 = arith.addi %div3A_108, %add3A_198 : i32
        %mul3A_200 = arith.constant 16 : i32
        %mul3A_201 = arith.muli %add3A_199, %mul3A_200 : i32
        %add3A_202 = arith.addi %mul3A_2, %mul3A_201 : i32
        %dma_start3A_203 = arith.constant 0 : i32
        %dma_start3A_204 = tpu.memref_slice %arg4[%add3A_202, %dma_start3A_203] : memref<8192x1024xf32, #tpu.memory_space<hbm>> -> memref<16x1024xf32, #tpu.memory_space<hbm>>
        %dma_start3A_205 = arith.constant 0 : i32
        %dma_start3A_206 = tpu.memref_slice %arg4[%add3A_202, %dma_start3A_205] : memref<8192x1024xf32, #tpu.memory_space<hbm>> -> memref<16x1024xf32, #tpu.memory_space<hbm>>
        tpu.enqueue_dma source(%dma_start3A_206 : memref<16x1024xf32, #tpu.memory_space<hbm>>) target(%arg7 : memref<16x1024xf32, #tpu.memory_space<vmem>>) target_semaphore(%arg11 : memref<!tpu.dma_semaphore, #tpu.memory_space<semaphore_mem>>)
      } else {
      }
      %mul3A_150 = arith.constant 2 : i32
      %mul3A_151 = arith.muli %mul3A_150, %rem3A_109 : i32
      %add3A_152 = arith.constant 0 : i32
      %add3A_153 = arith.addi %mul3A_151, %add3A_152 : i32
      %mul3A_154 = arith.constant 8192 : i32
      %mul3A_155 = arith.muli %add3A_153, %mul3A_154 : i32
      %add3A_156 = arith.addi %mul3A_155, %mul3A_2 : i32
      %mul3A_157 = arith.constant 16 : i32
      %mul3A_158 = arith.muli %div3A_108, %mul3A_157 : i32
      %add3A_159 = arith.addi %add3A_156, %mul3A_158 : i32
      %dma_start3A_160 = arith.constant 0 : i32
      %dma_start3A_161 = arith.constant 0 : i32
      %dma_start3A_162 = tpu.memref_slice %arg8[%rem3A_111, %dma_start3A_160, %dma_start3A_161] : memref<3x32x1024xf32, #tpu.memory_space<vmem>> -> memref<1x16x1024xf32, #tpu.memory_space<vmem>>
      %dma_start3A_163 = tpu.memref_squeeze %dma_start3A_162 : memref<1x16x1024xf32, #tpu.memory_space<vmem>> -> memref<16x1024xf32, #tpu.memory_space<vmem>>
      %dma_start3A_164 = arith.constant 0 : i32
      %dma_start3A_165 = tpu.memref_slice %arg5[%add3A_159, %dma_start3A_164] : memref<32768x1024xf32, #tpu.memory_space<hbm>> -> memref<16x1024xf32, #tpu.memory_space<hbm>>
      %dma_start3A_166 = tpu.memref_slice %arg10[%rem3A_111] : memref<3x!tpu.dma_semaphore, #tpu.memory_space<semaphore_mem>> -> memref<1x!tpu.dma_semaphore, #tpu.memory_space<semaphore_mem>>
      %dma_start3A_167 = tpu.memref_squeeze %dma_start3A_166 : memref<1x!tpu.dma_semaphore, #tpu.memory_space<semaphore_mem>> -> memref<!tpu.dma_semaphore, #tpu.memory_space<semaphore_mem>>
      %dma_start3A_168 = arith.constant 0 : i32
      %dma_start3A_169 = tpu.memref_slice %arg5[%add3A_159, %dma_start3A_168] : memref<32768x1024xf32, #tpu.memory_space<hbm>> -> memref<16x1024xf32, #tpu.memory_space<hbm>>
      %dma_start3A_170 = arith.constant 0 : i32
      %dma_start3A_171 = arith.constant 0 : i32
      %dma_start3A_172 = tpu.memref_slice %arg8[%rem3A_111, %dma_start3A_170, %dma_start3A_171] : memref<3x32x1024xf32, #tpu.memory_space<vmem>> -> memref<1x16x1024xf32, #tpu.memory_space<vmem>>
      %dma_start3A_173 = tpu.memref_squeeze %dma_start3A_172 : memref<1x16x1024xf32, #tpu.memory_space<vmem>> -> memref<16x1024xf32, #tpu.memory_space<vmem>>
      tpu.enqueue_dma source(%dma_start3A_173 : memref<16x1024xf32, #tpu.memory_space<vmem>>) target(%dma_start3A_169 : memref<16x1024xf32, #tpu.memory_space<hbm>>) target_semaphore(%dma_start3A_167 : memref<!tpu.dma_semaphore, #tpu.memory_space<semaphore_mem>>)
      %mul3A_174 = arith.constant 2 : i32
      %mul3A_175 = arith.muli %mul3A_174, %rem3A_109 : i32
      %add3A_176 = arith.constant 1 : i32
      %add3A_177 = arith.addi %mul3A_175, %add3A_176 : i32
      %mul3A_178 = arith.constant 8192 : i32
      %mul3A_179 = arith.muli %add3A_177, %mul3A_178 : i32
      %add3A_180 = arith.addi %mul3A_179, %mul3A_2 : i32
      %mul3A_181 = arith.constant 16 : i32
      %mul3A_182 = arith.muli %div3A_108, %mul3A_181 : i32
      %add3A_183 = arith.addi %add3A_180, %mul3A_182 : i32
      %dma_start3A_184 = arith.constant 16 : i32
      %dma_start3A_185 = arith.constant 0 : i32
      %dma_start3A_186 = tpu.memref_slice %arg8[%rem3A_111, %dma_start3A_184, %dma_start3A_185] : memref<3x32x1024xf32, #tpu.memory_space<vmem>> -> memref<1x16x1024xf32, #tpu.memory_space<vmem>>
      %dma_start3A_187 = tpu.memref_squeeze %dma_start3A_186 : memref<1x16x1024xf32, #tpu.memory_space<vmem>> -> memref<16x1024xf32, #tpu.memory_space<vmem>>
      %dma_start3A_188 = arith.constant 0 : i32
      %dma_start3A_189 = tpu.memref_slice %arg5[%add3A_183, %dma_start3A_188] : memref<32768x1024xf32, #tpu.memory_space<hbm>> -> memref<16x1024xf32, #tpu.memory_space<hbm>>
      %dma_start3A_190 = tpu.memref_slice %arg10[%rem3A_111] : memref<3x!tpu.dma_semaphore, #tpu.memory_space<semaphore_mem>> -> memref<1x!tpu.dma_semaphore, #tpu.memory_space<semaphore_mem>>
      %dma_start3A_191 = tpu.memref_squeeze %dma_start3A_190 : memref<1x!tpu.dma_semaphore, #tpu.memory_space<semaphore_mem>> -> memref<!tpu.dma_semaphore, #tpu.memory_space<semaphore_mem>>
      %dma_start3A_192 = arith.constant 0 : i32
      %dma_start3A_193 = tpu.memref_slice %arg5[%add3A_183, %dma_start3A_192] : memref<32768x1024xf32, #tpu.memory_space<hbm>> -> memref<16x1024xf32, #tpu.memory_space<hbm>>
      %dma_start3A_194 = arith.constant 16 : i32
      %dma_start3A_195 = arith.constant 0 : i32
      %dma_start3A_196 = tpu.memref_slice %arg8[%rem3A_111, %dma_start3A_194, %dma_start3A_195] : memref<3x32x1024xf32, #tpu.memory_space<vmem>> -> memref<1x16x1024xf32, #tpu.memory_space<vmem>>
      %dma_start3A_197 = tpu.memref_squeeze %dma_start3A_196 : memref<1x16x1024xf32, #tpu.memory_space<vmem>> -> memref<16x1024xf32, #tpu.memory_space<vmem>>
      tpu.enqueue_dma source(%dma_start3A_197 : memref<16x1024xf32, #tpu.memory_space<vmem>>) target(%dma_start3A_193 : memref<16x1024xf32, #tpu.memory_space<hbm>>) target_semaphore(%dma_start3A_191 : memref<!tpu.dma_semaphore, #tpu.memory_space<semaphore_mem>>)
    }
    %scan3A_27 = arith.constant 32 : i32
    %add3A_28 = arith.constant 0 : i32
    %add3A_29 = arith.addi %add3A_28, %mul3A_2 : i32
    %add3A_30 = arith.constant 240 : i32
    %add3A_31 = arith.addi %add3A_29, %add3A_30 : i32
    %dma_wait3A = arith.constant 0 : i32
    %dma_wait3A_32 = arith.constant 0 : i32
    %dma_wait3A_33 = arith.constant 0 : i32
    %dma_wait3A_34 = arith.constant 0 : i32
    %dma_wait3A_35 = tpu.memref_slice %arg8[%dma_wait3A, %dma_wait3A_33, %dma_wait3A_34] : memref<3x32x1024xf32, #tpu.memory_space<vmem>> -> memref<1x16x1024xf32, #tpu.memory_space<vmem>>
    %dma_wait3A_36 = tpu.memref_squeeze %dma_wait3A_35 : memref<1x16x1024xf32, #tpu.memory_space<vmem>> -> memref<16x1024xf32, #tpu.memory_space<vmem>>
    %dma_wait3A_37 = arith.constant 0 : i32
    %dma_wait3A_38 = tpu.memref_slice %arg5[%add3A_31, %dma_wait3A_37] : memref<32768x1024xf32, #tpu.memory_space<hbm>> -> memref<16x1024xf32, #tpu.memory_space<hbm>>
    %dma_wait3A_39 = tpu.memref_slice %arg10[%dma_wait3A_32] : memref<3x!tpu.dma_semaphore, #tpu.memory_space<semaphore_mem>> -> memref<1x!tpu.dma_semaphore, #tpu.memory_space<semaphore_mem>>
    %dma_wait3A_40 = tpu.memref_squeeze %dma_wait3A_39 : memref<1x!tpu.dma_semaphore, #tpu.memory_space<semaphore_mem>> -> memref<!tpu.dma_semaphore, #tpu.memory_space<semaphore_mem>>
    %dma_wait3A_41 = arith.constant 0 : i32
    %dma_wait3A_42 = tpu.memref_slice %arg5[%add3A_31, %dma_wait3A_41] : memref<32768x1024xf32, #tpu.memory_space<hbm>> -> memref<16x1024xf32, #tpu.memory_space<hbm>>
    %dma_wait3A_43 = arith.constant 0 : i32
    %dma_wait3A_44 = arith.constant 0 : i32
    %dma_wait3A_45 = tpu.memref_slice %arg8[%dma_wait3A, %dma_wait3A_43, %dma_wait3A_44] : memref<3x32x1024xf32, #tpu.memory_space<vmem>> -> memref<1x16x1024xf32, #tpu.memory_space<vmem>>
    %dma_wait3A_46 = tpu.memref_squeeze %dma_wait3A_45 : memref<1x16x1024xf32, #tpu.memory_space<vmem>> -> memref<16x1024xf32, #tpu.memory_space<vmem>>
    tpu.wait_dma2 semaphore(%dma_wait3A_40 : memref<!tpu.dma_semaphore, #tpu.memory_space<semaphore_mem>>) src(%dma_wait3A_46 : memref<16x1024xf32, #tpu.memory_space<vmem>>) dst(%dma_wait3A_42 : memref<16x1024xf32, #tpu.memory_space<hbm>>)
    %add3A_47 = arith.constant 8192 : i32
    %add3A_48 = arith.addi %add3A_47, %mul3A_2 : i32
    %add3A_49 = arith.constant 240 : i32
    %add3A_50 = arith.addi %add3A_48, %add3A_49 : i32
    %dma_wait3A_51 = arith.constant 0 : i32
    %dma_wait3A_52 = arith.constant 0 : i32
    %dma_wait3A_53 = arith.constant 16 : i32
    %dma_wait3A_54 = arith.constant 0 : i32
    %dma_wait3A_55 = tpu.memref_slice %arg8[%dma_wait3A_51, %dma_wait3A_53, %dma_wait3A_54] : memref<3x32x1024xf32, #tpu.memory_space<vmem>> -> memref<1x16x1024xf32, #tpu.memory_space<vmem>>
    %dma_wait3A_56 = tpu.memref_squeeze %dma_wait3A_55 : memref<1x16x1024xf32, #tpu.memory_space<vmem>> -> memref<16x1024xf32, #tpu.memory_space<vmem>>
    %dma_wait3A_57 = arith.constant 0 : i32
    %dma_wait3A_58 = tpu.memref_slice %arg5[%add3A_50, %dma_wait3A_57] : memref<32768x1024xf32, #tpu.memory_space<hbm>> -> memref<16x1024xf32, #tpu.memory_space<hbm>>
    %dma_wait3A_59 = tpu.memref_slice %arg10[%dma_wait3A_52] : memref<3x!tpu.dma_semaphore, #tpu.memory_space<semaphore_mem>> -> memref<1x!tpu.dma_semaphore, #tpu.memory_space<semaphore_mem>>
    %dma_wait3A_60 = tpu.memref_squeeze %dma_wait3A_59 : memref<1x!tpu.dma_semaphore, #tpu.memory_space<semaphore_mem>> -> memref<!tpu.dma_semaphore, #tpu.memory_space<semaphore_mem>>
    %dma_wait3A_61 = arith.constant 0 : i32
    %dma_wait3A_62 = tpu.memref_slice %arg5[%add3A_50, %dma_wait3A_61] : memref<32768x1024xf32, #tpu.memory_space<hbm>> -> memref<16x1024xf32, #tpu.memory_space<hbm>>
    %dma_wait3A_63 = arith.constant 16 : i32
    %dma_wait3A_64 = arith.constant 0 : i32
    %dma_wait3A_65 = tpu.memref_slice %arg8[%dma_wait3A_51, %dma_wait3A_63, %dma_wait3A_64] : memref<3x32x1024xf32, #tpu.memory_space<vmem>> -> memref<1x16x1024xf32, #tpu.memory_space<vmem>>
    %dma_wait3A_66 = tpu.memref_squeeze %dma_wait3A_65 : memref<1x16x1024xf32, #tpu.memory_space<vmem>> -> memref<16x1024xf32, #tpu.memory_space<vmem>>
    tpu.wait_dma2 semaphore(%dma_wait3A_60 : memref<!tpu.dma_semaphore, #tpu.memory_space<semaphore_mem>>) src(%dma_wait3A_66 : memref<16x1024xf32, #tpu.memory_space<vmem>>) dst(%dma_wait3A_62 : memref<16x1024xf32, #tpu.memory_space<hbm>>)
    %add3A_67 = arith.constant 16384 : i32
    %add3A_68 = arith.addi %add3A_67, %mul3A_2 : i32
    %add3A_69 = arith.constant 240 : i32
    %add3A_70 = arith.addi %add3A_68, %add3A_69 : i32
    %dma_wait3A_71 = arith.constant 1 : i32
    %dma_wait3A_72 = arith.constant 1 : i32
    %dma_wait3A_73 = arith.constant 0 : i32
    %dma_wait3A_74 = arith.constant 0 : i32
    %dma_wait3A_75 = tpu.memref_slice %arg8[%dma_wait3A_71, %dma_wait3A_73, %dma_wait3A_74] : memref<3x32x1024xf32, #tpu.memory_space<vmem>> -> memref<1x16x1024xf32, #tpu.memory_space<vmem>>
    %dma_wait3A_76 = tpu.memref_squeeze %dma_wait3A_75 : memref<1x16x1024xf32, #tpu.memory_space<vmem>> -> memref<16x1024xf32, #tpu.memory_space<vmem>>
    %dma_wait3A_77 = arith.constant 0 : i32
    %dma_wait3A_78 = tpu.memref_slice %arg5[%add3A_70, %dma_wait3A_77] : memref<32768x1024xf32, #tpu.memory_space<hbm>> -> memref<16x1024xf32, #tpu.memory_space<hbm>>
    %dma_wait3A_79 = tpu.memref_slice %arg10[%dma_wait3A_72] : memref<3x!tpu.dma_semaphore, #tpu.memory_space<semaphore_mem>> -> memref<1x!tpu.dma_semaphore, #tpu.memory_space<semaphore_mem>>
    %dma_wait3A_80 = tpu.memref_squeeze %dma_wait3A_79 : memref<1x!tpu.dma_semaphore, #tpu.memory_space<semaphore_mem>> -> memref<!tpu.dma_semaphore, #tpu.memory_space<semaphore_mem>>
    %dma_wait3A_81 = arith.constant 0 : i32
    %dma_wait3A_82 = tpu.memref_slice %arg5[%add3A_70, %dma_wait3A_81] : memref<32768x1024xf32, #tpu.memory_space<hbm>> -> memref<16x1024xf32, #tpu.memory_space<hbm>>
    %dma_wait3A_83 = arith.constant 0 : i32
    %dma_wait3A_84 = arith.constant 0 : i32
    %dma_wait3A_85 = tpu.memref_slice %arg8[%dma_wait3A_71, %dma_wait3A_83, %dma_wait3A_84] : memref<3x32x1024xf32, #tpu.memory_space<vmem>> -> memref<1x16x1024xf32, #tpu.memory_space<vmem>>
    %dma_wait3A_86 = tpu.memref_squeeze %dma_wait3A_85 : memref<1x16x1024xf32, #tpu.memory_space<vmem>> -> memref<16x1024xf32, #tpu.memory_space<vmem>>
    tpu.wait_dma2 semaphore(%dma_wait3A_80 : memref<!tpu.dma_semaphore, #tpu.memory_space<semaphore_mem>>) src(%dma_wait3A_86 : memref<16x1024xf32, #tpu.memory_space<vmem>>) dst(%dma_wait3A_82 : memref<16x1024xf32, #tpu.memory_space<hbm>>)
    %add3A_87 = arith.constant 24576 : i32
    %add3A_88 = arith.addi %add3A_87, %mul3A_2 : i32
    %add3A_89 = arith.constant 240 : i32
    %add3A_90 = arith.addi %add3A_88, %add3A_89 : i32
    %dma_wait3A_91 = arith.constant 1 : i32
    %dma_wait3A_92 = arith.constant 1 : i32
    %dma_wait3A_93 = arith.constant 16 : i32
    %dma_wait3A_94 = arith.constant 0 : i32
    %dma_wait3A_95 = tpu.memref_slice %arg8[%dma_wait3A_91, %dma_wait3A_93, %dma_wait3A_94] : memref<3x32x1024xf32, #tpu.memory_space<vmem>> -> memref<1x16x1024xf32, #tpu.memory_space<vmem>>
    %dma_wait3A_96 = tpu.memref_squeeze %dma_wait3A_95 : memref<1x16x1024xf32, #tpu.memory_space<vmem>> -> memref<16x1024xf32, #tpu.memory_space<vmem>>
    %dma_wait3A_97 = arith.constant 0 : i32
    %dma_wait3A_98 = tpu.memref_slice %arg5[%add3A_90, %dma_wait3A_97] : memref<32768x1024xf32, #tpu.memory_space<hbm>> -> memref<16x1024xf32, #tpu.memory_space<hbm>>
    %dma_wait3A_99 = tpu.memref_slice %arg10[%dma_wait3A_92] : memref<3x!tpu.dma_semaphore, #tpu.memory_space<semaphore_mem>> -> memref<1x!tpu.dma_semaphore, #tpu.memory_space<semaphore_mem>>
    %dma_wait3A_100 = tpu.memref_squeeze %dma_wait3A_99 : memref<1x!tpu.dma_semaphore, #tpu.memory_space<semaphore_mem>> -> memref<!tpu.dma_semaphore, #tpu.memory_space<semaphore_mem>>
    %dma_wait3A_101 = arith.constant 0 : i32
    %dma_wait3A_102 = tpu.memref_slice %arg5[%add3A_90, %dma_wait3A_101] : memref<32768x1024xf32, #tpu.memory_space<hbm>> -> memref<16x1024xf32, #tpu.memory_space<hbm>>
    %dma_wait3A_103 = arith.constant 16 : i32
    %dma_wait3A_104 = arith.constant 0 : i32
    %dma_wait3A_105 = tpu.memref_slice %arg8[%dma_wait3A_91, %dma_wait3A_103, %dma_wait3A_104] : memref<3x32x1024xf32, #tpu.memory_space<vmem>> -> memref<1x16x1024xf32, #tpu.memory_space<vmem>>
    %dma_wait3A_106 = tpu.memref_squeeze %dma_wait3A_105 : memref<1x16x1024xf32, #tpu.memory_space<vmem>> -> memref<16x1024xf32, #tpu.memory_space<vmem>>
    tpu.wait_dma2 semaphore(%dma_wait3A_100 : memref<!tpu.dma_semaphore, #tpu.memory_space<semaphore_mem>>) src(%dma_wait3A_106 : memref<16x1024xf32, #tpu.memory_space<vmem>>) dst(%dma_wait3A_102 : memref<16x1024xf32, #tpu.memory_space<hbm>>)
    return
  }
}

</mosaic_0001>

<sc_bundles>
// kernel: _embed.3.cloned.1.call-start
scs
__scs_entry_jumppad:
0x0: {  	(pc) =	sbr.rel $0x88, $3  }
0x1: {  	(tag) =	ssettag $0x0;
	lr =	simm.s32 $0x1  }
0x2: {  	[smem:$0x3F9E] =	sst lr;
	_ =	strace $0xD0000000  }
0x3: {  	_ = 	snop  }
0x4: {  	_ = 	snop  }
0x5: {  	_ = 	snop  }
0x6: {  	_ = 	snop  }
0x7: {  	_ = 	snop  }
__scs_overlays_trampoline_lowered:
0x8: {  	[smem:$0x3FAD] =	sst s0  }
0x9: {  	[smem:$0x3FAE] =	sst s1  }
0xa: {  	[smem:$0x3FAF] =	sst s2  }
0xb: {  	[smem:$0x3FB0] =	sst s3  }
0xc: {  	[smem:$0x3FB1] =	sst s4  }
0xd: {  	[smem:$0x3FB2] =	sst s5  }
0xe: {  	[smem:$0x3FB3] =	sst s6  }
0xf: {  	[smem:$0x3FB4] =	sst s7  }
0x10: {  	[smem:$0x3FB5] =	sst s8  }
0x11: {  	[smem:$0x3FB6] =	sst s9;
	s0 =	simm.s32 @!p0 $0x0  }
0x12: {  	s1 =	sld [smem:$0x3F9C];
	s0 =	simm.s32 @p0 $0x1  }
0x13: {  	[smem:$0x3FB7] =	sst s0;
	s0 =	simm.s32 @!p1 $0x0  }
0x14: {  	s2 =	sld [smem:$0x3F9B];
	s0 =	simm.s32 @p1 $0x1  }
0x15: {  	[smem:$0x3FB8] =	sst s0;
	s0 =	simm.s32 @!p2 $0x0  }
0x16: {  	s3 =	sld [smem:$0x3FDB];
	s0 =	simm.s32 @p2 $0x1  }
0x17: {  	s4 =	simm.s32 $0x1BF5;
	[smem:$0x3FBA] =	sst s0  }
0x18: {  	s0 =	sld [smem:$0x3F9D];
	_ =	swait.ge [sflag:s4], $0x0  }
0x19: {  	s7 =	sld [smem:$0x3F9E]  }
0x1a: {  	s8 =	sadd.s32 $0xFFFFE003, lr  }
0x1b: {  	s9 =	sadd.s32 $0xFFFFFEF7, lr;
	s5 =	simm.s32 $0xFFFFFFFF;
	p2 =	slt.u32 s8, $0xFFFFF086  }
0x1c: {  	p1 =	slt.u32 s9, $0xF7A;
	s5 =	simm.s32 @!p2 $0x0  }
0x1d: {  	s5 =	simm.s32 @p1 $0x1;
	p0 =	seq.s32 s7, s2  }
0x1e: {  	s7 =	smul.u32 @!p0 $0xF7A, s2;
	p2 =	seq.s32 @!p0 s5, $0x0  }
0x1f: {  	s9 =	smul.u32 $0xF7A, s1;
	s8 =	simm.s32 @!p0 $0x1BF5;
	p2 =	por !p2, p0  }
0x20: {  	[sflag:s8] =	ssyncset.s32 @!p0 $0xFFFFF086;
	s6 =	sadd.s32 @!p0 s3, s7;
	s7 =	simm.s32 @!p0 $0x108  }
0x21: {  	s3 =	sadd.s32 s3, s9;
	s6 =	sadd.s32 @!p0 $0x88, s6;
	s7 =	simm.s32 @p2 $0x1082  }
0x22: {  	[simem:s7], [sflag:s8] =	dma.local @!p0 [hbm:s6], $0xF7A  }
0x23: {  	s9 =	sor.u32 $0xD0000000, s2;
	s6 =	simm.s32 $0x108;
	_ =	swait.ge @!p0 [sflag:s8], $0x0  }
0x24: {  	s3 =	sadd.s32 $0x88, s3;
	s6 =	simm.s32 @!p1 $0x1082;
	[sflag:s4] =	ssyncset.s32 $0xFFFFF086  }
0x25: {  	[simem:s6], [sflag:s4] =	dma.local [hbm:s3], $0xF7A  }
0x26: {  	[smem:$0x3F9E] =	sst s1;
	(tag) =	ssettag s2;
	_ =	strace s9  }
0x27: {  	s1 =	sld [smem:$0x3FAE]  }
0x28: {  	s2 =	sld [smem:$0x3FAF]  }
0x29: {  	s4 =	sld [smem:$0x3FB1]  }
0x2a: {  	p0 =	seq.s32 s5, $0x0;
	s5 =	sld [smem:$0x3FB2]  }
0x2b: {  	s6 =	sld [smem:$0x3FB3]  }
0x2c: {  	s7 =	sld [smem:$0x3FB4]  }
0x2d: {  	s3 =	simm.s32 $0x108;
	s8 =	sld [smem:$0x3FB5]  }
0x2e: {  	s3 =	simm.s32 @!p0 $0x1082;
	s9 =	sld [smem:$0x3FB6]  }
0x2f: {  	lr =	sadd.s32 s0, s3;
	s0 =	sld [smem:$0x3FAD]  }
0x30: {  	s3 =	sld [smem:$0x3FB0]  }
0x31: {  	[smem:$0x3FB9] =	sst s10  }
0x32: {  	s10 =	sld [smem:$0x3FB7];
	_ =	sdelay $0x3  }
0x33: {  	p0 =	seq.s32 s10, $0x1;
	s10 =	sld [smem:$0x3FB9];
	_ =	sdelay $0x3  }
0x34: {  	[smem:$0x3FB9] =	sst s10  }
0x35: {  	s10 =	sld [smem:$0x3FB8];
	_ =	sdelay $0x3  }
0x36: {  	p1 =	seq.s32 s10, $0x1;
	s10 =	sld [smem:$0x3FB9];
	_ =	sdelay $0x3  }
0x37: {  	[smem:$0x3FB9] =	sst s10  }
0x38: {  	s10 =	sld [smem:$0x3FBA]  }
0x39: {  	_ = 	snop;
	(pc) =	sbr.ind lr, $3  }
0x3a: {  	_ = 	snop  }
0x3b: {  	_ = 	snop  }
0x3c: {  	p2 =	seq.s32 s10, $0x1;
	s10 =	sld [smem:$0x3FB9]  }
0x3d: {  	_ =	shalt  }
0x3e: {  	_ =	shalt  }
0x3f: {  	_ =	shalt  }
0x40: {  	_ =	shalt  }
0x41: {  	_ =	shalt  }
0x42: {  	_ =	shalt  }
0x43: {  	_ =	shalt  }
0x44: {  	_ =	shalt  }
0x45: {  	_ =	shalt  }
0x46: {  	_ =	shalt  }
0x47: {  	_ =	shalt  }
0x48: {  	_ =	shalt  }
0x49: {  	_ =	shalt  }
0x4a: {  	_ =	shalt  }
0x4b: {  	_ =	shalt  }
0x4c: {  	_ =	shalt  }
0x4d: {  	_ =	shalt  }
0x4e: {  	_ =	shalt  }
0x4f: {  	_ =	shalt  }
0x50: {  	_ =	shalt  }
0x51: {  	_ =	shalt  }
0x52: {  	_ =	shalt  }
0x53: {  	_ =	shalt  }
0x54: {  	_ =	shalt  }
0x55: {  	_ =	shalt  }
0x56: {  	_ =	shalt  }
0x57: {  	_ =	shalt  }
0x58: {  	_ =	shalt  }
0x59: {  	_ =	shalt  }
0x5a: {  	_ =	shalt  }
0x5b: {  	_ =	shalt  }
0x5c: {  	_ =	shalt  }
0x5d: {  	_ =	shalt  }
0x5e: {  	_ =	shalt  }
0x5f: {  	_ =	shalt  }
0x60: {  	_ =	shalt  }
0x61: {  	_ =	shalt  }
0x62: {  	_ =	shalt  }
0x63: {  	_ =	shalt  }
0x64: {  	_ =	shalt  }
0x65: {  	_ =	shalt  }
0x66: {  	_ =	shalt  }
0x67: {  	_ =	shalt  }
0x68: {  	_ =	shalt  }
0x69: {  	_ =	shalt  }
0x6a: {  	_ =	shalt  }
0x6b: {  	_ =	shalt  }
0x6c: {  	_ =	shalt  }
0x6d: {  	_ =	shalt  }
0x6e: {  	_ =	shalt  }
0x6f: {  	_ =	shalt  }
0x70: {  	_ =	shalt  }
0x71: {  	_ =	shalt  }
0x72: {  	_ =	shalt  }
0x73: {  	_ =	shalt  }
0x74: {  	_ =	shalt  }
0x75: {  	_ =	shalt  }
0x76: {  	_ =	shalt  }
0x77: {  	_ =	shalt  }
0x78: {  	_ =	shalt  }
0x79: {  	_ =	shalt  }
0x7a: {  	_ =	shalt  }
0x7b: {  	_ =	shalt  }
0x7c: {  	_ =	shalt  }
0x7d: {  	_ =	shalt  }
0x7e: {  	_ =	shalt  }
0x7f: {  	_ =	shalt  }
0x80: {  	_ =	shalt  }
0x81: {  	_ =	shalt  }
0x82: {  	_ =	shalt  }
0x83: {  	_ =	shalt  }
0x84: {  	_ =	shalt  }
0x85: {  	_ =	shalt  }
0x86: {  	_ =	shalt  }
0x87: {  	_ =	shalt  }
.Lfunc_end0:
.L_simem_size_0:
called_computation_lowered:
.L_overlay_start_0:
0x88: {  	s2 =	sld [smem:$0x3FD9]  }
0x89: {  	s3 =	sld [smem:$0x3FFE];
	_ =	sdelay $0x1  }
0x8a: {  	s1 =	srdreg.scid  }
0x8b: {  	s0 =	sand.u32 $0x1, s1  }
0x8c: {  	s18 =	sshll.u32 s0, $0xA;
	s2 =	sadd.s32 s3, s2  }
0x8d: {  	s2 =	sadd.s32 s2, s18  }
0x8e: {  	[smem:$0x3FC5] =	sst s2  }
0x8f: {  	_ = 	snop  }
0x90: {  	s2 =	sld [smem:$0x3FC9]  }
0x91: {  	s19 =	sld [smem:$0x3FC8]  }
0x92: {  	s4 =	sld [smem:$0x3FC7]  }
0x93: {  	s5 =	sld [smem:$0x3FD0];
	(tm) =	ssettm $0x1  }
0x94: {  	s6 =	sld [smem:$0x3FFB];
	_ =	sdelay $0x3  }
0x95: {  	_ =	strace s6  }
0x96: {  	s6 =	sld [smem:$0x3FFC];
	_ =	sdelay $0x3  }
0x97: {  	_ =	strace s6  }
0x98: {  	s6 =	sld [smem:$0x3FFD];
	_ =	sdelay $0x3  }
0x99: {  	_ =	strace s6  }
0x9a: {  	_ =	strace $0x8FFFFFFF  }
0x9b: {  	s20 =	sld [smem:$0x3FDB];
	_ =	sdelay $0x1  }
0x9c: {  	s7 =	simm.s32 $_scs_section_size  }
0x9d: {  	s8 =	simm.s32 $_size__tile_overlayer_lowered;
	s9 =	simm.s32 $_tile_overlayer_lowered  }
0x9e: {  	s23 =	simm.s32 $0x1BFF;
	s22 =	sshll.u32 s9, $0x1;
	s6 =	sadd.s32 s7, s20  }
0x9f: {  	s10 =	simm.s32 $0x0;
	s21 =	sshll.u32 s8, $0x1;
	s8 =	sadd.s32 s22, s6  }
0xa0: {  	[timem:s10], [sflag:s23] =	dma.local [hbm:s8], s21  }
0xa1: {  	_ =	swait.ge [sflag:s23], s21  }
0xa2: {  	s7 =	ssub.s32 $0x0, s21;
	[sflag:s23] =	ssyncset.done $0x0  }
0xa3: {  	[sflag:s23] =	ssyncadd.s32 s7;
	_ =	sdelay $0x1  }
0xa4: {  	s24 =	simm.s32 $0x1B8B  }
0xa5: {  	_ =	swait.ge [sflag:s24], $0x1  }
0xa6: {  	[sflag:s24] =	ssyncset.done $0x0  }
0xa7: {  	s25 =	simm.s32 $0x1B8E;
	[sflag:s24] =	ssyncadd.s32 $0xFFFFFFFF  }
0xa8: {  	s26 =	simm.s32 $execute0_lowered;
	[smem:$0x3FD2] =	sst s25  }
0xa9: {  	s7 =	sshll.u32 s26, $0x1;
	_ =	strace $0x80000046;
	[dreg:$0x1] =	wrdreg $0xFFFFFFFF  }
0xaa: {  	s28 =	simm.s32 $_size_execute0_lowered;
	s6 =	sadd.s32 s6, s7;
	[dreg:$0x0] =	wrdreg $0x0  }
0xab: {  	s7 =	sshll.u32 s28, $0x1;
	[dreg:$0x2] =	wrdreg s6  }
0xac: {  	[dreg:$0x3] =	wrdreg s7  }
0xad: {  	[dreg:$0x4] =	wrdreg $0xC0  }
0xae: {  	_ =	task [dreg:s10], $0x5FFFF  }
0xaf: {  	[dreg:$0x1] =	wrdreg $0xFFFFFFFF  }
0xb0: {  	[dreg:$0x0] =	wrdreg $0x60  }
0xb1: {  	[dreg:$0x2] =	wrdreg s2  }
0xb2: {  	[dreg:$0x3] =	wrdreg s19  }
0xb3: {  	[dreg:$0x4] =	wrdreg s4  }
0xb4: {  	[dreg:$0x5] =	wrdreg s5  }
0xb5: {  	[dreg:$0x6] =	wrdreg $0x9  }
0xb6: {  	_ =	task.clear_ibuf [dreg:s10], $0x7FFFF;
	_ =	strace $0x90000046  }
0xb7: {  	s29 =	simm.s32 $0x9;
	_ =	strace $0x80000048  }
0xb8: {  	_ =	swait.ge [sflag:s29], $0x1  }
0xb9: {  	[sflag:s29] =	ssyncadd.s32 $0xFFFFFFFF  }
0xba: {  	_ =	strace $0x90000048  }
0xbb: {  	_ =	sfence  }
0xbc: {  	s30 =	sld [smem:$0x0];
	_ =	sdelay $0x2  }
0xbd: {  	s31 =	sshll.u32 s1, $0xD;
	s1 =	sshrl.u32 s1, $0x2  }
0xbe: {  	s3 =	sand.u32 $0x4000, s31;
	s1 =	sadd.s32 s1, s30  }
0xbf: {  	s0 =	sor.u32 s3, s0;
	s1 =	sshll.u32 s1, $0x11  }
0xc0: {  	s0 =	sor.u32 s1, s0  }
0xc1: {  	s0 =	sadd.s32 $0x8F2B, s0  }
0xc2: {  	[sflag:s0] =	ssyncadd.remote.s32 $0x1  }
0xc3: {  	_ =	sfence.sel $0xFFFF  }
0xc4: {  	[dreg:$0x0] =	wrdreg $0xFFFFFFFF;
	(pc) =	sbr.abs _section_cstart, $3  }
0xc5: {  	[dreg:$0x1] =	wrdreg $0xFFFFFFFF  }
0xc6: {  	_ =	task.clear_ibuf [dreg:s10], $0x2FFFF;
	_ =	strace $0x9FFFFFFF  }
0xc7: {  	(tm) =	ssettm $0x7FFFFFFF  }
tec
execute0_lowered:
.L_overlay_start_1:
0x0: {  	(tag) =	ssettag $0x1  }
0x1: {  	s0 =	rddreg [dreg:$0x0]  }
0x2: {  	s6 =	rddreg [dreg:$0x1]  }
0x3: {  	s1 =	rddreg [dreg:$0x2]  }
0x4: {  	s2 =	srdreg.scid;
	s3 =	stileid.u32  }
0x5: {  	s4 =	simm.s32 $0x0;
	s2 =	sand.u32 $0x1, s2;
	s3 =	sshll.u32 s3, $0x1  }
0x6: {  	[smem:$0x7FF] =	sst s4;
	s28 =	sadd.s32 $0x100, s6;
	s29 =	sadd.s32 $0x200, s6  }
0x7: {  	s30 =	sadd.s32 $0x300, s6;
	_ =	strace $0x80000047;
	[dreg:$0xc] =	wrdreg s28  }
0x8: {  	s24 =	ssub.s32 $0x2, s2;
	s2 =	sor.u32 s2, s3;
	[dreg:$0xd] =	wrdreg s29  }
0x9: {  	[dreg:$0xe] =	wrdreg s30;
	s5 =	sshll.u32 s2, $0x7;
	s2 =	sshll.u32 s2, $0xF  }
0xa: {  	s25 =	sshrl.u32 s24, $0x1;
	s0 =	sadd.s32 s0, s5;
	[dreg:$0x9] =	wrdreg s2  }
0xb: {  	s3 =	ssub.s32 s24, s25;
	s26 =	sadd.s32 s1, s2;
	[dreg:$0xa] =	wrdreg s0  }
0xc: {  	v2 =	vlaneseq.u32;
	s31 =	smax.u32 s3, $0x1;
	[dreg:$0xb] =	wrdreg s26  }
0xd: {  	vm0 =	vmmov $0xffff;
	v1 =	vshrl.u32 v2, $0x3;
	s0 =	sadd.s32 $0x800, s26;
	[dreg:$0xf] =	wrdreg s31  }
0xe: {  	v0 =	vand.u32 $0x7, v2;
	v2 =	vor.u32 $0x8, v2;
	v1 =	vmul.u32 $0x8, v1;
	s2 =	simm.s32 $0x0;
	[dreg:$0x10] =	wrdreg s0  }
.LBB2_1:
0xf: {  	[dreg:$0x11] =	wrdreg s2  }
0x10: {  	s1 =	simm.s32 $0x0;
	s0 =	rddreg [dreg:$0xa];
	s11 =	simm.s32 $0x8  }
0x11: {  	[tilespmem:s1], [sflag:$0x8] =	stream.linear.gather [hbm4b:s0+s1], $0x400, $0x38;
	[tilespmem:$0x1C400] =	vst v63  }
0x12: {  	_ =	swait.ge [sflag:s11], $0x400  }
0x13: {  	[sflag:s11] =	ssyncset.done $0x0  }
0x14: {  	s13 =	simm.s32 $0x400;
	s12 =	rddreg [dreg:$0xb];
	[sflag:s11] =	ssyncadd.s32 $0xFFFFFC00  }
0x15: {  	[tilespmem:s13], [sflag:$0x7] =	stream.linear.gather [hbm4b:s12+s1], $0x4000, $0x38;
	[tilespmem:$0x1C400] =	vst v63  }
0x16: {  	v3 =	vld [tilespmem:$0x0];
	_ =	sdelay $0x4  }
0x17: {  	v4 =	vshll.u32 v3, $0x3  }
0x18: {  	v3 =	vand.u32 $0x7, v3;
	v4 =	vand.u32 $0xFFFFFFC0, v4  }
0x19: {  	v3 =	vor.u32 v3, v4  }
0x1a: {  	v4 =	vperm.xlane v3, v0;
	_ =	sdelay $0x1  }
0x1b: {  	v4 =	vadd.s32 v1, v4;
	_ =	sdelay $0x3  }
0x1c: {  	s15 =	simm.s32 $0x4400;
	s14 =	rddreg [dreg:$0x1]  }
0x1d: {  	[tilespmem:s15], [sflag:$0x1] =	stream.indirect_vreg.gather [hbm4b:s14+s1], $0x80, v4, vm0, $0xb8;
	[tilespmem:$0x1C400] =	vst v63  }
0x1e: {  	s3 =	simm.s32 $0x4C00;
	s16 =	rddreg [dreg:$0xc];
	v3 =	vperm.xlane v3, v2  }
0x1f: {  	[tilespmem:s3], [sflag:$0x1] =	stream.indirect_vreg.gather [hbm4b:s16+s1], $0x80, v4, vm0, $0xb8;
	[tilespmem:$0x1C400] =	vst v63  }
0x20: {  	s4 =	simm.s32 $0x5400;
	s17 =	rddreg [dreg:$0xd];
	v3 =	vadd.s32 v1, v3  }
0x21: {  	[tilespmem:s4], [sflag:$0x1] =	stream.indirect_vreg.gather [hbm4b:s17+s1], $0x80, v4, vm0, $0xb8;
	[tilespmem:$0x1C400] =	vst v63  }
0x22: {  	s5 =	simm.s32 $0x5C00;
	s18 =	rddreg [dreg:$0xe]  }
0x23: {  	[tilespmem:s5], [sflag:$0x1] =	stream.indirect_vreg.gather [hbm4b:s18+s1], $0x80, v4, vm0, $0xb8;
	[tilespmem:$0x1C400] =	vst v63  }
0x24: {  	s19 =	simm.s32 $0x6400  }
0x25: {  	[tilespmem:s19], [sflag:$0x1] =	stream.indirect_vreg.gather [hbm4b:s14+s1], $0x80, v3, vm0, $0xb8;
	[tilespmem:$0x1C400] =	vst v63  }
0x26: {  	s20 =	simm.s32 $0x6C00  }
0x27: {  	[tilespmem:s20], [sflag:$0x1] =	stream.indirect_vreg.gather [hbm4b:s16+s1], $0x80, v3, vm0, $0xb8;
	[tilespmem:$0x1C400] =	vst v63  }
0x28: {  	s21 =	simm.s32 $0x7400  }
0x29: {  	[tilespmem:s21], [sflag:$0x1] =	stream.indirect_vreg.gather [hbm4b:s17+s1], $0x80, v3, vm0, $0xb8;
	[tilespmem:$0x1C400] =	vst v63  }
0x2a: {  	s22 =	simm.s32 $0x7C00  }
0x2b: {  	[tilespmem:s22], [sflag:$0x1] =	stream.indirect_vreg.gather [hbm4b:s18+s1], $0x80, v3, vm0, $0xb8;
	[tilespmem:$0x1C400] =	vst v63  }
0x2c: {  	v3 =	vld [tilespmem:$0x10];
	_ =	sdelay $0x4  }
0x2d: {  	v63 =	vshll.u32 v3, $0x3  }
0x2e: {  	v3 =	vand.u32 $0x7, v3;
	v4 =	vand.u32 $0xFFFFFFC0, v63  }
0x2f: {  	v3 =	vor.u32 v3, v4  }
0x30: {  	v4 =	vperm.xlane v3, v0;
	_ =	sdelay $0x1  }
0x31: {  	v4 =	vadd.s32 v1, v4;
	_ =	sdelay $0x3  }
0x32: {  	s23 =	simm.s32 $0x8400  }
0x33: {  	[tilespmem:s23], [sflag:$0x1] =	stream.indirect_vreg.gather [hbm4b:s14+s1], $0x80, v4, vm0, $0xb8;
	[tilespmem:$0x1C400] =	vst v63  }
0x34: {  	s24 =	simm.s32 $0x8C00;
	v3 =	vperm.xlane v3, v2  }
0x35: {  	[tilespmem:s24], [sflag:$0x1] =	stream.indirect_vreg.gather [hbm4b:s16+s1], $0x80, v4, vm0, $0xb8;
	[tilespmem:$0x1C400] =	vst v63  }
0x36: {  	s25 =	simm.s32 $0x9400;
	v3 =	vadd.s32 v1, v3  }
0x37: {  	[tilespmem:s25], [sflag:$0x1] =	stream.indirect_vreg.gather [hbm4b:s17+s1], $0x80, v4, vm0, $0xb8;
	[tilespmem:$0x1C400] =	vst v63  }
0x38: {  	s26 =	simm.s32 $0x9C00  }
0x39: {  	[tilespmem:s26], [sflag:$0x1] =	stream.indirect_vreg.gather [hbm4b:s18+s1], $0x80, v4, vm0, $0xb8;
	[tilespmem:$0x1C400] =	vst v63  }
0x3a: {  	s28 =	simm.s32 $0xA400  }
0x3b: {  	[tilespmem:s28], [sflag:$0x1] =	stream.indirect_vreg.gather [hbm4b:s14+s1], $0x80, v3, vm0, $0xb8;
	[tilespmem:$0x1C400] =	vst v63  }
0x3c: {  	s29 =	simm.s32 $0xAC00  }
0x3d: {  	[tilespmem:s29], [sflag:$0x1] =	stream.indirect_vreg.gather [hbm4b:s16+s1], $0x80, v3, vm0, $0xb8;
	[tilespmem:$0x1C400] =	vst v63  }
0x3e: {  	s30 =	simm.s32 $0xB400  }
0x3f: {  	[tilespmem:s30], [sflag:$0x1] =	stream.indirect_vreg.gather [hbm4b:s17+s1], $0x80, v3, vm0, $0xb8;
	[tilespmem:$0x1C400] =	vst v63  }
0x40: {  	s31 =	simm.s32 $0xBC00;
	s9 =	simm.s32 $0x0  }
0x41: {  	[tilespmem:s31], [sflag:$0x1] =	stream.indirect_vreg.gather [hbm4b:s18+s1], $0x80, v3, vm0, $0xb8;
	[tilespmem:$0x1C400] =	vst v63  }
.LBB2_2:
0x42: {  	p0 =	slt.u32 s9, $0x2  }
0x43: {  	s0 =	sadd.s32 @!p0 $0xFFFFFFFE, s9  }
0x44: {  	s1 =	sand.u32 @!p0 $0xFF, s0  }
0x45: {  	s1 =	smul.u32 @!p0 $0xAB, s1;
	_ =	sdelay $0x1  }
0x46: {  	s1 =	sshrl.u32 @!p0 s1, $0x9  }
0x47: {  	s1 =	smul.u32 @!p0 $0x3, s1;
	_ =	sdelay $0x1  }
0x48: {  	s0 =	ssub.s32 @!p0 s0, s1  }
0x49: {  	s0 =	sor.u32 @!p0 $0x4, s0  }
0x4a: {  	p1 =	seq.s32 @!p0 s9, $0x1F;
	s0 =	sand.u32 @!p0 $0xFF, s0  }
0x4b: {  	p1 =	por p0, !p1;
	_ =	swait.ge @!p0 [sflag:s0], $0x4000  }
.Ltmp0:
0x4c: {  	[sflag:s0] =	ssyncset.done @!p0 $0x0;
	(pc) =	sbr.rel @!p1 .LBB2_4-.Ltmp0, $4  }
0x4d: {  	[sflag:s0] =	ssyncadd.s32 @!p0 $0xFFFFC000  }
0x4e: {  	_ =	swait.ge @!p0 [sflag:s0], $0x4000  }
0x4f: {  	[sflag:s0] =	ssyncset.done @!p0 $0x0  }
0x50: {  	s11 =	sand.u32 $0x1, s9;
	s10 =	simm.s32 @!p0 $0x20;
	[sflag:s0] =	ssyncadd.s32 @!p0 $0xFFFFC000  }
0x51: {  	s10 =	sadd.s32 $0x1, s9  }
0x52: {  	s0 =	sshll.u32 s10, $0x5  }
0x53: {  	s0 =	sand.u32 $0x7E0, s0  }
0x54: {  	v3 =	vld [tilespmem:s0+$0x0];
	_ =	sdelay $0x4  }
0x55: {  	s1 =	smul.u32 $0xAB, s10;
	v4 =	vshll.u32 v3, $0x3  }
0x56: {  	v3 =	vand.u32 $0x7, v3;
	v4 =	vand.u32 $0xFFFFFFC0, v4  }
0x57: {  	s1 =	sshrl.u32 s1, $0x9;
	v3 =	vor.u32 v3, v4  }
0x58: {  	s1 =	sand.u32 $0x7F, s1;
	v4 =	vperm.xlane v3, v0  }
0x59: {  	s1 =	smul.u32 $0x3, s1  }
0x5a: {  	v4 =	vadd.s32 v1, v4  }
0x5b: {  	s1 =	ssub.s32 s10, s1  }
0x5c: {  	s1 =	sand.u32 $0xFF, s1  }
0x5d: {  	s4 =	rddreg [dreg:$0x1];
	s2 =	sshll.u32 s1, $0xF  }
0x5e: {  	s5 =	simm.s32 $0x0;
	s1 =	sadd.s32 $0x1, s1;
	s3 =	sor.u32 $0x4400, s2  }
0x5f: {  	[tilespmem:s3], [sflag:s1] =	stream.indirect_vreg.gather [hbm4b:s4+s5], $0x80, v4, vm0, $0xb8;
	[tilespmem:$0x1C400] =	vst v63  }
0x60: {  	s6 =	rddreg [dreg:$0xc];
	s16 =	sor.u32 $0x4C00, s2;
	v3 =	vperm.xlane v3, v2  }
0x61: {  	[tilespmem:s16], [sflag:s1] =	stream.indirect_vreg.gather [hbm4b:s6+s5], $0x80, v4, vm0, $0xb8;
	[tilespmem:$0x1C400] =	vst v63  }
0x62: {  	s7 =	rddreg [dreg:$0xd];
	s17 =	sor.u32 $0x5400, s2;
	v3 =	vadd.s32 v1, v3  }
0x63: {  	[tilespmem:s17], [sflag:s1] =	stream.indirect_vreg.gather [hbm4b:s7+s5], $0x80, v4, vm0, $0xb8;
	[tilespmem:$0x1C400] =	vst v63  }
0x64: {  	s8 =	rddreg [dreg:$0xe];
	s18 =	sor.u32 $0x5C00, s2  }
0x65: {  	[tilespmem:s18], [sflag:s1] =	stream.indirect_vreg.gather [hbm4b:s8+s5], $0x80, v4, vm0, $0xb8;
	[tilespmem:$0x1C400] =	vst v63  }
0x66: {  	s19 =	sor.u32 $0x6400, s2  }
0x67: {  	[tilespmem:s19], [sflag:s1] =	stream.indirect_vreg.gather [hbm4b:s4+s5], $0x80, v3, vm0, $0xb8;
	[tilespmem:$0x1C400] =	vst v63  }
0x68: {  	s20 =	sor.u32 $0x6C00, s2  }
0x69: {  	[tilespmem:s20], [sflag:s1] =	stream.indirect_vreg.gather [hbm4b:s6+s5], $0x80, v3, vm0, $0xb8;
	[tilespmem:$0x1C400] =	vst v63  }
0x6a: {  	s21 =	sor.u32 $0x7400, s2  }
0x6b: {  	[tilespmem:s21], [sflag:s1] =	stream.indirect_vreg.gather [hbm4b:s7+s5], $0x80, v3, vm0, $0xb8;
	[tilespmem:$0x1C400] =	vst v63  }
0x6c: {  	s22 =	sor.u32 $0x7C00, s2  }
0x6d: {  	[tilespmem:s22], [sflag:s1] =	stream.indirect_vreg.gather [hbm4b:s8+s5], $0x80, v3, vm0, $0xb8;
	[tilespmem:$0x1C400] =	vst v63  }
0x6e: {  	v3 =	vld [tilespmem:s0+$0x10];
	_ =	sdelay $0x4  }
0x6f: {  	v63 =	vshll.u32 v3, $0x3  }
0x70: {  	v3 =	vand.u32 $0x7, v3;
	v4 =	vand.u32 $0xFFFFFFC0, v63  }
0x71: {  	v3 =	vor.u32 v3, v4  }
0x72: {  	v4 =	vperm.xlane v3, v0;
	_ =	sdelay $0x1  }
0x73: {  	v4 =	vadd.s32 v1, v4;
	_ =	sdelay $0x3  }
0x74: {  	s23 =	sadd.s32 $0x8400, s2  }
0x75: {  	[tilespmem:s23], [sflag:s1] =	stream.indirect_vreg.gather [hbm4b:s4+s5], $0x80, v4, vm0, $0xb8;
	[tilespmem:$0x1C400] =	vst v63  }
0x76: {  	s24 =	sadd.s32 $0x8C00, s2;
	v3 =	vperm.xlane v3, v2  }
0x77: {  	[tilespmem:s24], [sflag:s1] =	stream.indirect_vreg.gather [hbm4b:s6+s5], $0x80, v4, vm0, $0xb8;
	[tilespmem:$0x1C400] =	vst v63  }
0x78: {  	s25 =	sadd.s32 $0x9400, s2;
	v3 =	vadd.s32 v1, v3  }
0x79: {  	[tilespmem:s25], [sflag:s1] =	stream.indirect_vreg.gather [hbm4b:s7+s5], $0x80, v4, vm0, $0xb8;
	[tilespmem:$0x1C400] =	vst v63  }
0x7a: {  	s26 =	sadd.s32 $0x9C00, s2  }
0x7b: {  	[tilespmem:s26], [sflag:s1] =	stream.indirect_vreg.gather [hbm4b:s8+s5], $0x80, v4, vm0, $0xb8;
	[tilespmem:$0x1C400] =	vst v63  }
0x7c: {  	s28 =	sadd.s32 $0xA400, s2  }
0x7d: {  	[tilespmem:s28], [sflag:s1] =	stream.indirect_vreg.gather [hbm4b:s4+s5], $0x80, v3, vm0, $0xb8;
	[tilespmem:$0x1C400] =	vst v63  }
0x7e: {  	s29 =	sadd.s32 $0xAC00, s2  }
0x7f: {  	[tilespmem:s29], [sflag:s1] =	stream.indirect_vreg.gather [hbm4b:s6+s5], $0x80, v3, vm0, $0xb8;
	[tilespmem:$0x1C400] =	vst v63  }
0x80: {  	p0 =	sne.s32 s11, $0x0;
	s30 =	sadd.s32 $0xB400, s2  }
0x81: {  	[tilespmem:s30], [sflag:s1] =	stream.indirect_vreg.gather [hbm4b:s7+s5], $0x80, v3, vm0, $0xb8;
	[tilespmem:$0x1C400] =	vst v63  }
0x82: {  	s31 =	sadd.s32 $0xBC00, s2;
	s0 =	simm.s32 @!p0 $0x7  }
0x83: {  	[tilespmem:s31], [sflag:s1] =	stream.indirect_vreg.gather [hbm4b:s8+s5], $0x80, v3, vm0, $0xb8;
	[tilespmem:$0x1C400] =	vst v63  }
0x84: {  	_ =	swait.ge @!p0 [sflag:s0], $0x4000  }
0x85: {  	[sflag:s0] =	ssyncset.done @!p0 $0x0  }
0x86: {  	[sflag:s0] =	ssyncadd.s32 @!p0 $0xFFFFC000  }
.LBB2_4:
0x87: {  	s0 =	smul.u32 $0xAB, s9;
	_ =	sdelay $0x1  }
0x88: {  	s0 =	sshrl.u32 s0, $0x9  }
0x89: {  	s0 =	sand.u32 $0x7F, s0  }
0x8a: {  	s0 =	smul.u32 $0x3, s0;
	_ =	sdelay $0x1  }
0x8b: {  	[dreg:$0x14] =	wrdreg s11;
	s0 =	ssub.s32 s9, s0  }
0x8c: {  	[dreg:$0x13] =	wrdreg s10;
	s6 =	sand.u32 $0xFF, s0  }
0x8d: {  	[dreg:$0x12] =	wrdreg s9;
	s24 =	simm.s32 $0x0;
	s0 =	sadd.s32 $0x1, s6  }
0x8e: {  	s2 =	sand.u32 $0x2000, s24;
	s3 =	sand.u32 $0x300, s24;
	_ =	swait.ge [sflag:s0], $0x8000  }
0x8f: {  	s4 =	sor.u32 $0x400, s2;
	s5 =	sor.u32 $0x80, s3;
	[sflag:s0] =	ssyncset.done $0x0  }
0x90: {  	s1 =	sor.u32 s5, s4;
	[sflag:s0] =	ssyncadd.s32 $0xFFFF8000  }
0x91: {  	v3 =	vld [tilespmem:s1+$0x0]  }
0x92: {  	s7 =	sshll.u32 s6, $0xF  }
0x93: {  	s11 =	simm.s32 $0x4400;
	s12 =	simm.s32 $0x880;
	s8 =	sor.u32 $0x4400, s7  }
0x94: {  	s2 =	sadd.s32 s2, s8;
	s0 =	sand.u32 $0x6000, s11;
	[dreg:$0x15] =	wrdreg s6  }
0x95: {  	s21 =	sadd.s32 s5, s2;
	[dreg:$0x6] =	wrdreg s8;
	s6 =	sand.u32 $0x380, s12  }
0x96: {  	s0 =	sor.u32 s6, s0;
	[tilespmem:s21+$0x0] =	vst.add.f32.msk $0xffff, v3  }
0x97: {  	s22 =	sadd.s32 s7, s0;
	[dreg:$0x5] =	wrdreg s7  }
0x98: {  	[tilespmem:s22+$0x4400] =	vst.add.f32.msk $0xffff, v3  }
0x99: {  	v3 =	vld [tilespmem:s1+$0x10];
	_ =	sdelay $0x4  }
0x9a: {  	[tilespmem:s21+$0x10] =	vst.add.f32.msk $0xffff, v3  }
0x9b: {  	[tilespmem:s22+$0x4410] =	vst.add.f32.msk $0xffff, v3  }
0x9c: {  	v3 =	vld [tilespmem:s1+$0x20];
	_ =	sdelay $0x4  }
0x9d: {  	[tilespmem:s21+$0x20] =	vst.add.f32.msk $0xffff, v3  }
0x9e: {  	[tilespmem:s22+$0x4420] =	vst.add.f32.msk $0xffff, v3  }
0x9f: {  	v3 =	vld [tilespmem:s1+$0x30];
	_ =	sdelay $0x4  }
0xa0: {  	[tilespmem:s21+$0x30] =	vst.add.f32.msk $0xffff, v3  }
0xa1: {  	[tilespmem:s22+$0x4430] =	vst.add.f32.msk $0xffff, v3  }
0xa2: {  	v3 =	vld [tilespmem:s1+$0x40];
	_ =	sdelay $0x4  }
0xa3: {  	[tilespmem:s21+$0x40] =	vst.add.f32.msk $0xffff, v3  }
0xa4: {  	[tilespmem:s22+$0x4440] =	vst.add.f32.msk $0xffff, v3  }
0xa5: {  	v3 =	vld [tilespmem:s1+$0x50];
	_ =	sdelay $0x4  }
0xa6: {  	[tilespmem:s21+$0x50] =	vst.add.f32.msk $0xffff, v3  }
0xa7: {  	[tilespmem:s22+$0x4450] =	vst.add.f32.msk $0xffff, v3  }
0xa8: {  	v3 =	vld [tilespmem:s1+$0x60];
	_ =	sdelay $0x2  }
0xa9: {  	s13 =	sor.u32 s3, s4  }
0xaa: {  	v4 =	vld [tilespmem:s13+$0x0]  }
0xab: {  	[tilespmem:s21+$0x60] =	vst.add.f32.msk $0xffff, v3  }
0xac: {  	[tilespmem:s22+$0x4460] =	vst.add.f32.msk $0xffff, v3  }
0xad: {  	v3 =	vld [tilespmem:s1+$0x70]  }
0xae: {  	s23 =	sadd.s32 s3, s2  }
0xaf: {  	[tilespmem:s23+$0x0] =	vst.add.f32.msk $0xffff, v4  }
0xb0: {  	[tilespmem:s23+$0x4000] =	vst.add.f32.msk $0xffff, v4  }
0xb1: {  	v4 =	vld [tilespmem:s13+$0x10]  }
0xb2: {  	[tilespmem:s21+$0x70] =	vst.add.f32.msk $0xffff, v3  }
0xb3: {  	[tilespmem:s22+$0x4470] =	vst.add.f32.msk $0xffff, v3  }
0xb4: {  	v3 =	vld [tilespmem:s1+$0x400];
	_ =	sdelay $0x1  }
0xb5: {  	[tilespmem:s23+$0x10] =	vst.add.f32.msk $0xffff, v4  }
0xb6: {  	[tilespmem:s23+$0x4010] =	vst.add.f32.msk $0xffff, v4  }
0xb7: {  	v4 =	vld [tilespmem:s13+$0x20]  }
0xb8: {  	[tilespmem:s21+$0x400] =	vst.add.f32.msk $0xffff, v3  }
0xb9: {  	[tilespmem:s22+$0x4800] =	vst.add.f32.msk $0xffff, v3  }
0xba: {  	v3 =	vld [tilespmem:s1+$0x410];
	_ =	sdelay $0x1  }
0xbb: {  	[tilespmem:s23+$0x20] =	vst.add.f32.msk $0xffff, v4  }
0xbc: {  	[tilespmem:s23+$0x4020] =	vst.add.f32.msk $0xffff, v4  }
0xbd: {  	v4 =	vld [tilespmem:s13+$0x30]  }
0xbe: {  	[tilespmem:s21+$0x410] =	vst.add.f32.msk $0xffff, v3  }
0xbf: {  	[tilespmem:s22+$0x4810] =	vst.add.f32.msk $0xffff, v3  }
0xc0: {  	v3 =	vld [tilespmem:s1+$0x420];
	_ =	sdelay $0x1  }
0xc1: {  	[tilespmem:s23+$0x30] =	vst.add.f32.msk $0xffff, v4  }
0xc2: {  	[tilespmem:s23+$0x4030] =	vst.add.f32.msk $0xffff, v4  }
0xc3: {  	v4 =	vld [tilespmem:s13+$0x40]  }
0xc4: {  	[tilespmem:s21+$0x420] =	vst.add.f32.msk $0xffff, v3  }
0xc5: {  	[tilespmem:s22+$0x4820] =	vst.add.f32.msk $0xffff, v3  }
0xc6: {  	v3 =	vld [tilespmem:s1+$0x430];
	_ =	sdelay $0x1  }
0xc7: {  	[tilespmem:s23+$0x40] =	vst.add.f32.msk $0xffff, v4  }
0xc8: {  	[tilespmem:s23+$0x4040] =	vst.add.f32.msk $0xffff, v4  }
0xc9: {  	v4 =	vld [tilespmem:s13+$0x50]  }
0xca: {  	[tilespmem:s21+$0x430] =	vst.add.f32.msk $0xffff, v3  }
0xcb: {  	[tilespmem:s22+$0x4830] =	vst.add.f32.msk $0xffff, v3  }
0xcc: {  	v3 =	vld [tilespmem:s1+$0x440];
	_ =	sdelay $0x1  }
0xcd: {  	[tilespmem:s23+$0x50] =	vst.add.f32.msk $0xffff, v4  }
0xce: {  	[tilespmem:s23+$0x4050] =	vst.add.f32.msk $0xffff, v4  }
0xcf: {  	v4 =	vld [tilespmem:s13+$0x60]  }
0xd0: {  	[tilespmem:s21+$0x440] =	vst.add.f32.msk $0xffff, v3  }
0xd1: {  	[tilespmem:s22+$0x4840] =	vst.add.f32.msk $0xffff, v3  }
0xd2: {  	v3 =	vld [tilespmem:s1+$0x450];
	_ =	sdelay $0x1  }
0xd3: {  	[tilespmem:s23+$0x60] =	vst.add.f32.msk $0xffff, v4  }
0xd4: {  	[tilespmem:s23+$0x4060] =	vst.add.f32.msk $0xffff, v4  }
0xd5: {  	v4 =	vld [tilespmem:s13+$0x70]  }
0xd6: {  	[tilespmem:s21+$0x450] =	vst.add.f32.msk $0xffff, v3  }
0xd7: {  	[tilespmem:s22+$0x4850] =	vst.add.f32.msk $0xffff, v3  }
0xd8: {  	v3 =	vld [tilespmem:s1+$0x460];
	_ =	sdelay $0x1  }
0xd9: {  	[tilespmem:s23+$0x70] =	vst.add.f32.msk $0xffff, v4  }
0xda: {  	[tilespmem:s23+$0x4070] =	vst.add.f32.msk $0xffff, v4  }
0xdb: {  	v4 =	vld [tilespmem:s13+$0x400]  }
0xdc: {  	[tilespmem:s21+$0x460] =	vst.add.f32.msk $0xffff, v3  }
0xdd: {  	[tilespmem:s22+$0x4860] =	vst.add.f32.msk $0xffff, v3  }
0xde: {  	v3 =	vld [tilespmem:s1+$0x470];
	_ =	sdelay $0x1  }
0xdf: {  	[tilespmem:s23+$0x400] =	vst.add.f32.msk $0xffff, v4  }
0xe0: {  	[tilespmem:s23+$0x4400] =	vst.add.f32.msk $0xffff, v4  }
0xe1: {  	v4 =	vld [tilespmem:s13+$0x410]  }
0xe2: {  	[tilespmem:s21+$0x470] =	vst.add.f32.msk $0xffff, v3  }
0xe3: {  	[tilespmem:s22+$0x4870] =	vst.add.f32.msk $0xffff, v3  }
0xe4: {  	v3 =	vld [tilespmem:s1+$0x800];
	_ =	sdelay $0x1  }
0xe5: {  	[tilespmem:s23+$0x410] =	vst.add.f32.msk $0xffff, v4  }
0xe6: {  	[tilespmem:s23+$0x4410] =	vst.add.f32.msk $0xffff, v4  }
0xe7: {  	v4 =	vld [tilespmem:s13+$0x420]  }
0xe8: {  	[tilespmem:s21+$0x800] =	vst.add.f32.msk $0xffff, v3  }
0xe9: {  	[tilespmem:s22+$0x4C00] =	vst.add.f32.msk $0xffff, v3  }
0xea: {  	v3 =	vld [tilespmem:s1+$0x810];
	_ =	sdelay $0x1  }
0xeb: {  	[tilespmem:s23+$0x420] =	vst.add.f32.msk $0xffff, v4  }
0xec: {  	[tilespmem:s23+$0x4420] =	vst.add.f32.msk $0xffff, v4  }
0xed: {  	v4 =	vld [tilespmem:s13+$0x430]  }
0xee: {  	[tilespmem:s21+$0x810] =	vst.add.f32.msk $0xffff, v3  }
0xef: {  	[tilespmem:s22+$0x4C10] =	vst.add.f32.msk $0xffff, v3  }
0xf0: {  	v3 =	vld [tilespmem:s1+$0x820];
	_ =	sdelay $0x1  }
0xf1: {  	[tilespmem:s23+$0x430] =	vst.add.f32.msk $0xffff, v4  }
0xf2: {  	[tilespmem:s23+$0x4430] =	vst.add.f32.msk $0xffff, v4  }
0xf3: {  	v4 =	vld [tilespmem:s13+$0x440]  }
0xf4: {  	[tilespmem:s21+$0x820] =	vst.add.f32.msk $0xffff, v3  }
0xf5: {  	[tilespmem:s22+$0x4C20] =	vst.add.f32.msk $0xffff, v3  }
0xf6: {  	v3 =	vld [tilespmem:s1+$0x830];
	_ =	sdelay $0x1  }
0xf7: {  	[tilespmem:s23+$0x440] =	vst.add.f32.msk $0xffff, v4  }
0xf8: {  	[tilespmem:s23+$0x4440] =	vst.add.f32.msk $0xffff, v4  }
0xf9: {  	v4 =	vld [tilespmem:s13+$0x450]  }
0xfa: {  	[tilespmem:s21+$0x830] =	vst.add.f32.msk $0xffff, v3  }
0xfb: {  	[tilespmem:s22+$0x4C30] =	vst.add.f32.msk $0xffff, v3  }
0xfc: {  	v3 =	vld [tilespmem:s1+$0x840];
	_ =	sdelay $0x1  }
0xfd: {  	[tilespmem:s23+$0x450] =	vst.add.f32.msk $0xffff, v4  }
0xfe: {  	[tilespmem:s23+$0x4450] =	vst.add.f32.msk $0xffff, v4  }
0xff: {  	v4 =	vld [tilespmem:s13+$0x460]  }
0x100: {  	[tilespmem:s21+$0x840] =	vst.add.f32.msk $0xffff, v3  }
0x101: {  	[tilespmem:s22+$0x4C40] =	vst.add.f32.msk $0xffff, v3  }
0x102: {  	v3 =	vld [tilespmem:s1+$0x850];
	_ =	sdelay $0x1  }
0x103: {  	[tilespmem:s23+$0x460] =	vst.add.f32.msk $0xffff, v4  }
0x104: {  	[tilespmem:s23+$0x4460] =	vst.add.f32.msk $0xffff, v4  }
0x105: {  	v4 =	vld [tilespmem:s13+$0x470]  }
0x106: {  	[tilespmem:s21+$0x850] =	vst.add.f32.msk $0xffff, v3  }
0x107: {  	[tilespmem:s22+$0x4C50] =	vst.add.f32.msk $0xffff, v3  }
0x108: {  	v3 =	vld [tilespmem:s1+$0x860];
	_ =	sdelay $0x1  }
0x109: {  	[tilespmem:s23+$0x470] =	vst.add.f32.msk $0xffff, v4  }
0x10a: {  	[tilespmem:s23+$0x4470] =	vst.add.f32.msk $0xffff, v4  }
0x10b: {  	v4 =	vld [tilespmem:s13+$0x800]  }
0x10c: {  	[tilespmem:s21+$0x860] =	vst.add.f32.msk $0xffff, v3  }
0x10d: {  	[tilespmem:s22+$0x4C60] =	vst.add.f32.msk $0xffff, v3  }
0x10e: {  	v3 =	vld [tilespmem:s1+$0x870];
	_ =	sdelay $0x1  }
0x10f: {  	[tilespmem:s23+$0x800] =	vst.add.f32.msk $0xffff, v4  }
0x110: {  	[tilespmem:s23+$0x4800] =	vst.add.f32.msk $0xffff, v4  }
0x111: {  	v4 =	vld [tilespmem:s13+$0x810]  }
0x112: {  	[tilespmem:s21+$0x870] =	vst.add.f32.msk $0xffff, v3  }
0x113: {  	[tilespmem:s22+$0x4C70] =	vst.add.f32.msk $0xffff, v3  }
0x114: {  	v3 =	vld [tilespmem:s1+$0xC00];
	_ =	sdelay $0x1  }
0x115: {  	[tilespmem:s23+$0x810] =	vst.add.f32.msk $0xffff, v4  }
0x116: {  	[tilespmem:s23+$0x4810] =	vst.add.f32.msk $0xffff, v4  }
0x117: {  	v4 =	vld [tilespmem:s13+$0x820]  }
0x118: {  	[tilespmem:s21+$0xC00] =	vst.add.f32.msk $0xffff, v3  }
0x119: {  	[tilespmem:s22+$0x5000] =	vst.add.f32.msk $0xffff, v3  }
0x11a: {  	v3 =	vld [tilespmem:s1+$0xC10];
	_ =	sdelay $0x1  }
0x11b: {  	[tilespmem:s23+$0x820] =	vst.add.f32.msk $0xffff, v4  }
0x11c: {  	[tilespmem:s23+$0x4820] =	vst.add.f32.msk $0xffff, v4  }
0x11d: {  	v4 =	vld [tilespmem:s13+$0x830]  }
0x11e: {  	[tilespmem:s21+$0xC10] =	vst.add.f32.msk $0xffff, v3  }
0x11f: {  	[tilespmem:s22+$0x5010] =	vst.add.f32.msk $0xffff, v3  }
0x120: {  	v3 =	vld [tilespmem:s1+$0xC20];
	_ =	sdelay $0x1  }
0x121: {  	[tilespmem:s23+$0x830] =	vst.add.f32.msk $0xffff, v4  }
0x122: {  	[tilespmem:s23+$0x4830] =	vst.add.f32.msk $0xffff, v4  }
0x123: {  	v4 =	vld [tilespmem:s13+$0x840]  }
0x124: {  	[tilespmem:s21+$0xC20] =	vst.add.f32.msk $0xffff, v3  }
0x125: {  	[tilespmem:s22+$0x5020] =	vst.add.f32.msk $0xffff, v3  }
0x126: {  	v3 =	vld [tilespmem:s1+$0xC30];
	_ =	sdelay $0x1  }
0x127: {  	[tilespmem:s23+$0x840] =	vst.add.f32.msk $0xffff, v4  }
0x128: {  	[tilespmem:s23+$0x4840] =	vst.add.f32.msk $0xffff, v4  }
0x129: {  	v4 =	vld [tilespmem:s13+$0x850]  }
0x12a: {  	[tilespmem:s21+$0xC30] =	vst.add.f32.msk $0xffff, v3  }
0x12b: {  	[tilespmem:s22+$0x5030] =	vst.add.f32.msk $0xffff, v3  }
0x12c: {  	v3 =	vld [tilespmem:s1+$0xC40];
	_ =	sdelay $0x1  }
0x12d: {  	[tilespmem:s23+$0x850] =	vst.add.f32.msk $0xffff, v4  }
0x12e: {  	[tilespmem:s23+$0x4850] =	vst.add.f32.msk $0xffff, v4  }
0x12f: {  	v4 =	vld [tilespmem:s13+$0x860]  }
0x130: {  	[tilespmem:s21+$0xC40] =	vst.add.f32.msk $0xffff, v3  }
0x131: {  	[tilespmem:s22+$0x5040] =	vst.add.f32.msk $0xffff, v3  }
0x132: {  	v3 =	vld [tilespmem:s1+$0xC50];
	_ =	sdelay $0x1  }
0x133: {  	[tilespmem:s23+$0x860] =	vst.add.f32.msk $0xffff, v4  }
0x134: {  	[tilespmem:s23+$0x4860] =	vst.add.f32.msk $0xffff, v4  }
0x135: {  	v4 =	vld [tilespmem:s13+$0x870]  }
0x136: {  	[tilespmem:s21+$0xC50] =	vst.add.f32.msk $0xffff, v3  }
0x137: {  	[tilespmem:s22+$0x5050] =	vst.add.f32.msk $0xffff, v3  }
0x138: {  	v3 =	vld [tilespmem:s1+$0xC60];
	_ =	sdelay $0x1  }
0x139: {  	[tilespmem:s23+$0x870] =	vst.add.f32.msk $0xffff, v4  }
0x13a: {  	[tilespmem:s23+$0x4870] =	vst.add.f32.msk $0xffff, v4  }
0x13b: {  	v4 =	vld [tilespmem:s13+$0xC00]  }
0x13c: {  	[tilespmem:s21+$0xC60] =	vst.add.f32.msk $0xffff, v3  }
0x13d: {  	[tilespmem:s22+$0x5060] =	vst.add.f32.msk $0xffff, v3  }
0x13e: {  	v3 =	vld [tilespmem:s1+$0xC70];
	_ =	sdelay $0x1  }
0x13f: {  	[tilespmem:s23+$0xC00] =	vst.add.f32.msk $0xffff, v4  }
0x140: {  	[tilespmem:s23+$0x4C00] =	vst.add.f32.msk $0xffff, v4  }
0x141: {  	v4 =	vld [tilespmem:s13+$0xC10]  }
0x142: {  	[tilespmem:s21+$0xC70] =	vst.add.f32.msk $0xffff, v3  }
0x143: {  	[tilespmem:s22+$0x5070] =	vst.add.f32.msk $0xffff, v3  }
0x144: {  	v3 =	vld [tilespmem:s1+$0x1000];
	_ =	sdelay $0x1  }
0x145: {  	[tilespmem:s23+$0xC10] =	vst.add.f32.msk $0xffff, v4  }
0x146: {  	[tilespmem:s23+$0x4C10] =	vst.add.f32.msk $0xffff, v4  }
0x147: {  	v4 =	vld [tilespmem:s13+$0xC20]  }
0x148: {  	[tilespmem:s21+$0x1000] =	vst.add.f32.msk $0xffff, v3  }
0x149: {  	[tilespmem:s22+$0x5400] =	vst.add.f32.msk $0xffff, v3  }
0x14a: {  	v3 =	vld [tilespmem:s1+$0x1010];
	_ =	sdelay $0x1  }
0x14b: {  	[tilespmem:s23+$0xC20] =	vst.add.f32.msk $0xffff, v4  }
0x14c: {  	[tilespmem:s23+$0x4C20] =	vst.add.f32.msk $0xffff, v4  }
0x14d: {  	v4 =	vld [tilespmem:s13+$0xC30]  }
0x14e: {  	[tilespmem:s21+$0x1010] =	vst.add.f32.msk $0xffff, v3  }
0x14f: {  	[tilespmem:s22+$0x5410] =	vst.add.f32.msk $0xffff, v3  }
0x150: {  	v3 =	vld [tilespmem:s1+$0x1020];
	_ =	sdelay $0x1  }
0x151: {  	[tilespmem:s23+$0xC30] =	vst.add.f32.msk $0xffff, v4  }
0x152: {  	[tilespmem:s23+$0x4C30] =	vst.add.f32.msk $0xffff, v4  }
0x153: {  	v4 =	vld [tilespmem:s13+$0xC40]  }
0x154: {  	[tilespmem:s21+$0x1020] =	vst.add.f32.msk $0xffff, v3  }
0x155: {  	[tilespmem:s22+$0x5420] =	vst.add.f32.msk $0xffff, v3  }
0x156: {  	v3 =	vld [tilespmem:s1+$0x1030];
	_ =	sdelay $0x1  }
0x157: {  	[tilespmem:s23+$0xC40] =	vst.add.f32.msk $0xffff, v4  }
0x158: {  	[tilespmem:s23+$0x4C40] =	vst.add.f32.msk $0xffff, v4  }
0x159: {  	v4 =	vld [tilespmem:s13+$0xC50]  }
0x15a: {  	[tilespmem:s21+$0x1030] =	vst.add.f32.msk $0xffff, v3  }
0x15b: {  	[tilespmem:s22+$0x5430] =	vst.add.f32.msk $0xffff, v3  }
0x15c: {  	v3 =	vld [tilespmem:s1+$0x1040];
	_ =	sdelay $0x1  }
0x15d: {  	[tilespmem:s23+$0xC50] =	vst.add.f32.msk $0xffff, v4  }
0x15e: {  	[tilespmem:s23+$0x4C50] =	vst.add.f32.msk $0xffff, v4  }
0x15f: {  	v4 =	vld [tilespmem:s13+$0xC60]  }
0x160: {  	[tilespmem:s21+$0x1040] =	vst.add.f32.msk $0xffff, v3  }
0x161: {  	[tilespmem:s22+$0x5440] =	vst.add.f32.msk $0xffff, v3  }
0x162: {  	v3 =	vld [tilespmem:s1+$0x1050];
	_ =	sdelay $0x1  }
0x163: {  	[tilespmem:s23+$0xC60] =	vst.add.f32.msk $0xffff, v4  }
0x164: {  	[tilespmem:s23+$0x4C60] =	vst.add.f32.msk $0xffff, v4  }
0x165: {  	v4 =	vld [tilespmem:s13+$0xC70]  }
0x166: {  	[tilespmem:s21+$0x1050] =	vst.add.f32.msk $0xffff, v3  }
0x167: {  	[tilespmem:s22+$0x5450] =	vst.add.f32.msk $0xffff, v3  }
0x168: {  	v3 =	vld [tilespmem:s1+$0x1060];
	_ =	sdelay $0x1  }
0x169: {  	[tilespmem:s23+$0xC70] =	vst.add.f32.msk $0xffff, v4  }
0x16a: {  	[tilespmem:s23+$0x4C70] =	vst.add.f32.msk $0xffff, v4  }
0x16b: {  	v4 =	vld [tilespmem:s13+$0x1000]  }
0x16c: {  	[tilespmem:s21+$0x1060] =	vst.add.f32.msk $0xffff, v3  }
0x16d: {  	[tilespmem:s22+$0x5460] =	vst.add.f32.msk $0xffff, v3  }
0x16e: {  	v3 =	vld [tilespmem:s1+$0x1070];
	_ =	sdelay $0x1  }
0x16f: {  	[tilespmem:s23+$0x1000] =	vst.add.f32.msk $0xffff, v4  }
0x170: {  	[tilespmem:s23+$0x5000] =	vst.add.f32.msk $0xffff, v4  }
0x171: {  	v4 =	vld [tilespmem:s13+$0x1010]  }
0x172: {  	[tilespmem:s21+$0x1070] =	vst.add.f32.msk $0xffff, v3  }
0x173: {  	[tilespmem:s22+$0x5470] =	vst.add.f32.msk $0xffff, v3  }
0x174: {  	v3 =	vld [tilespmem:s1+$0x1400];
	_ =	sdelay $0x1  }
0x175: {  	[tilespmem:s23+$0x1010] =	vst.add.f32.msk $0xffff, v4  }
0x176: {  	[tilespmem:s23+$0x5010] =	vst.add.f32.msk $0xffff, v4  }
0x177: {  	v4 =	vld [tilespmem:s13+$0x1020]  }
0x178: {  	[tilespmem:s21+$0x1400] =	vst.add.f32.msk $0xffff, v3  }
0x179: {  	[tilespmem:s22+$0x5800] =	vst.add.f32.msk $0xffff, v3  }
0x17a: {  	v3 =	vld [tilespmem:s1+$0x1410];
	_ =	sdelay $0x1  }
0x17b: {  	[tilespmem:s23+$0x1020] =	vst.add.f32.msk $0xffff, v4  }
0x17c: {  	[tilespmem:s23+$0x5020] =	vst.add.f32.msk $0xffff, v4  }
0x17d: {  	v4 =	vld [tilespmem:s13+$0x1030]  }
0x17e: {  	[tilespmem:s21+$0x1410] =	vst.add.f32.msk $0xffff, v3  }
0x17f: {  	[tilespmem:s22+$0x5810] =	vst.add.f32.msk $0xffff, v3  }
0x180: {  	v3 =	vld [tilespmem:s1+$0x1420];
	_ =	sdelay $0x1  }
0x181: {  	[tilespmem:s23+$0x1030] =	vst.add.f32.msk $0xffff, v4  }
0x182: {  	[tilespmem:s23+$0x5030] =	vst.add.f32.msk $0xffff, v4  }
0x183: {  	v4 =	vld [tilespmem:s13+$0x1040]  }
0x184: {  	[tilespmem:s21+$0x1420] =	vst.add.f32.msk $0xffff, v3  }
0x185: {  	[tilespmem:s22+$0x5820] =	vst.add.f32.msk $0xffff, v3  }
0x186: {  	v3 =	vld [tilespmem:s1+$0x1430];
	_ =	sdelay $0x1  }
0x187: {  	[tilespmem:s23+$0x1040] =	vst.add.f32.msk $0xffff, v4  }
0x188: {  	[tilespmem:s23+$0x5040] =	vst.add.f32.msk $0xffff, v4  }
0x189: {  	v4 =	vld [tilespmem:s13+$0x1050]  }
0x18a: {  	[tilespmem:s21+$0x1430] =	vst.add.f32.msk $0xffff, v3  }
0x18b: {  	[tilespmem:s22+$0x5830] =	vst.add.f32.msk $0xffff, v3  }
0x18c: {  	v3 =	vld [tilespmem:s1+$0x1440];
	_ =	sdelay $0x1  }
0x18d: {  	[tilespmem:s23+$0x1050] =	vst.add.f32.msk $0xffff, v4  }
0x18e: {  	[tilespmem:s23+$0x5050] =	vst.add.f32.msk $0xffff, v4  }
0x18f: {  	v4 =	vld [tilespmem:s13+$0x1060]  }
0x190: {  	[tilespmem:s21+$0x1440] =	vst.add.f32.msk $0xffff, v3  }
0x191: {  	[tilespmem:s22+$0x5840] =	vst.add.f32.msk $0xffff, v3  }
0x192: {  	v3 =	vld [tilespmem:s1+$0x1450];
	_ =	sdelay $0x1  }
0x193: {  	[tilespmem:s23+$0x1060] =	vst.add.f32.msk $0xffff, v4  }
0x194: {  	[tilespmem:s23+$0x5060] =	vst.add.f32.msk $0xffff, v4  }
0x195: {  	v4 =	vld [tilespmem:s13+$0x1070]  }
0x196: {  	[tilespmem:s21+$0x1450] =	vst.add.f32.msk $0xffff, v3  }
0x197: {  	[tilespmem:s22+$0x5850] =	vst.add.f32.msk $0xffff, v3  }
0x198: {  	v3 =	vld [tilespmem:s1+$0x1460];
	_ =	sdelay $0x1  }
0x199: {  	[tilespmem:s23+$0x1070] =	vst.add.f32.msk $0xffff, v4  }
0x19a: {  	[tilespmem:s23+$0x5070] =	vst.add.f32.msk $0xffff, v4  }
0x19b: {  	v4 =	vld [tilespmem:s13+$0x1400]  }
0x19c: {  	[tilespmem:s21+$0x1460] =	vst.add.f32.msk $0xffff, v3  }
0x19d: {  	[tilespmem:s22+$0x5860] =	vst.add.f32.msk $0xffff, v3  }
0x19e: {  	v3 =	vld [tilespmem:s1+$0x1470];
	_ =	sdelay $0x1  }
0x19f: {  	s14 =	sand.u32 $0x3, s24;
	[tilespmem:s23+$0x1400] =	vst.add.f32.msk $0xffff, v4  }
0x1a0: {  	[tilespmem:s23+$0x5400] =	vst.add.f32.msk $0xffff, v4;
	s1 =	sshll.u32 s14, $0x8  }
0x1a1: {  	v4 =	vld [tilespmem:s13+$0x1410];
	s15 =	sadd.s32 $0x0, s1  }
0x1a2: {  	s9 =	sadd.s32 $0x80, s15;
	[tilespmem:s21+$0x1470] =	vst.add.f32.msk $0xffff, v3  }
0x1a3: {  	s16 =	sor.u32 $0x1800, s9;
	[tilespmem:s22+$0x5870] =	vst.add.f32.msk $0xffff, v3  }
0x1a4: {  	v3 =	vld [tilespmem:s16+$0x400];
	_ =	sdelay $0x1  }
0x1a5: {  	[tilespmem:s23+$0x1410] =	vst.add.f32.msk $0xffff, v4  }
0x1a6: {  	[tilespmem:s23+$0x5410] =	vst.add.f32.msk $0xffff, v4  }
0x1a7: {  	v4 =	vld [tilespmem:s13+$0x1420]  }
0x1a8: {  	[tilespmem:s21+$0x1800] =	vst.add.f32.msk $0xffff, v3  }
0x1a9: {  	s17 =	sor.u32 $0x1810, s9;
	[tilespmem:s22+$0x5C00] =	vst.add.f32.msk $0xffff, v3  }
0x1aa: {  	v3 =	vld [tilespmem:s17+$0x400];
	_ =	sdelay $0x1  }
0x1ab: {  	[tilespmem:s23+$0x1420] =	vst.add.f32.msk $0xffff, v4  }
0x1ac: {  	[tilespmem:s23+$0x5420] =	vst.add.f32.msk $0xffff, v4  }
0x1ad: {  	v4 =	vld [tilespmem:s13+$0x1430]  }
0x1ae: {  	[tilespmem:s21+$0x1810] =	vst.add.f32.msk $0xffff, v3  }
0x1af: {  	s18 =	sor.u32 $0x1820, s9;
	[tilespmem:s22+$0x5C10] =	vst.add.f32.msk $0xffff, v3  }
0x1b0: {  	v3 =	vld [tilespmem:s18+$0x400];
	_ =	sdelay $0x1  }
0x1b1: {  	[tilespmem:s23+$0x1430] =	vst.add.f32.msk $0xffff, v4  }
0x1b2: {  	[tilespmem:s23+$0x5430] =	vst.add.f32.msk $0xffff, v4  }
0x1b3: {  	v4 =	vld [tilespmem:s13+$0x1440]  }
0x1b4: {  	[tilespmem:s21+$0x1820] =	vst.add.f32.msk $0xffff, v3  }
0x1b5: {  	s19 =	sor.u32 $0x1830, s9;
	[tilespmem:s22+$0x5C20] =	vst.add.f32.msk $0xffff, v3  }
0x1b6: {  	v3 =	vld [tilespmem:s19+$0x400];
	_ =	sdelay $0x1  }
0x1b7: {  	[tilespmem:s23+$0x1440] =	vst.add.f32.msk $0xffff, v4  }
0x1b8: {  	[tilespmem:s23+$0x5440] =	vst.add.f32.msk $0xffff, v4  }
0x1b9: {  	v4 =	vld [tilespmem:s13+$0x1450]  }
0x1ba: {  	[tilespmem:s21+$0x1830] =	vst.add.f32.msk $0xffff, v3  }
0x1bb: {  	s20 =	sor.u32 $0x1840, s9;
	[tilespmem:s22+$0x5C30] =	vst.add.f32.msk $0xffff, v3  }
0x1bc: {  	v3 =	vld [tilespmem:s20+$0x400];
	_ =	sdelay $0x1  }
0x1bd: {  	[tilespmem:s23+$0x1450] =	vst.add.f32.msk $0xffff, v4  }
0x1be: {  	[tilespmem:s23+$0x5450] =	vst.add.f32.msk $0xffff, v4  }
0x1bf: {  	v4 =	vld [tilespmem:s13+$0x1460]  }
0x1c0: {  	[tilespmem:s21+$0x1840] =	vst.add.f32.msk $0xffff, v3  }
0x1c1: {  	s25 =	sor.u32 $0x1850, s9;
	[tilespmem:s22+$0x5C40] =	vst.add.f32.msk $0xffff, v3  }
0x1c2: {  	v5 =	vld [tilespmem:s25+$0x400]  }
0x1c3: {  	s28 =	simm.s32 $0x0;
	s30 =	simm.s32 $0x100  }
0x1c4: {  	s31 =	simm.s32 $0x800;
	[tilespmem:s23+$0x1460] =	vst.add.f32.msk $0xffff, v4;
	s4 =	sor.u32 $0x1800, s15;
	s10 =	sor.u32 $0x1830, s15  }
0x1c5: {  	[tilespmem:s23+$0x5460] =	vst.add.f32.msk $0xffff, v4;
	s8 =	sor.u32 $0x1840, s15;
	s1 =	sor.u32 $0x1850, s15;
	s12 =	sor.u32 $0x1860, s15  }
0x1c6: {  	s5 =	sor.u32 $0x1870, s15;
	s3 =	sor.u32 $0x1C00, s15;
	s14 =	sor.u32 $0x1C10, s15;
	v3 =	vld [tilespmem:s13+$0x1470]  }
0x1c7: {  	s0 =	sor.u32 $0x1C20, s15;
	s11 =	sor.u32 $0x1C40, s15;
	s29 =	sor.u32 $0x1C50, s15;
	[tilespmem:s21+$0x1850] =	vst.add.f32.msk $0xffff, v5  }
0x1c8: {  	s26 =	sor.u32 $0x1860, s9;
	s16 =	sor.u32 $0x1C60, s15;
	s17 =	sor.u32 $0x1820, s15;
	[tilespmem:s22+$0x5C50] =	vst.add.f32.msk $0xffff, v5  }
0x1c9: {  	s18 =	sor.u32 $0x1810, s15;
	s13 =	sor.u32 $0x1C30, s15;
	s15 =	sor.u32 $0x1C70, s15;
	v4 =	vld [tilespmem:s26+$0x400]  }
.LBB2_5:
0x1ca: {  	[dreg:$0x8] =	wrdreg s16;
	s7 =	sand.u32 $0x2000, s31;
	s16 =	sand.u32 $0x300, s30  }
0x1cb: {  	[dreg:$0x7] =	wrdreg s15;
	s2 =	sor.u32 $0x400, s7;
	s15 =	sor.u32 $0x80, s16  }
0x1cc: {  	s6 =	sor.u32 s16, s2;
	s2 =	sor.u32 s15, s2  }
0x1cd: {  	v5 =	vld [tilespmem:s2+$0x0]  }
0x1ce: {  	[tilespmem:s23+$0x1470] =	vst.add.f32.msk $0xffff, v3  }
0x1cf: {  	[tilespmem:s23+$0x5470] =	vst.add.f32.msk $0xffff, v3  }
0x1d0: {  	[tilespmem:s21+$0x1860] =	vst.add.f32.msk $0xffff, v4  }
0x1d1: {  	s26 =	sadd.s32 $0x4400, s31;
	s25 =	rddreg [dreg:$0x6];
	v3 =	vld [tilespmem:s4+$0x400]  }
0x1d2: {  	s19 =	sadd.s32 $0x880, s30;
	s20 =	sor.u32 $0x1870, s9;
	s25 =	sadd.s32 s7, s25;
	[tilespmem:s22+$0x5C60] =	vst.add.f32.msk $0xffff, v4  }
0x1d3: {  	s26 =	sand.u32 $0x6000, s26;
	s19 =	sand.u32 $0x380, s19;
	s7 =	sadd.s32 s16, s25;
	v4 =	vld [tilespmem:s20+$0x400]  }
0x1d4: {  	s16 =	sor.u32 s19, s26;
	s19 =	rddreg [dreg:$0x5];
	v6 =	vld [tilespmem:s6+$0x0];
	s4 =	sadd.s32 s15, s25  }
0x1d5: {  	s16 =	sadd.s32 s19, s16;
	[tilespmem:s4+$0x0] =	vst.add.f32.msk $0xffff, v5  }
0x1d6: {  	[tilespmem:s16+$0x4400] =	vst.add.f32.msk $0xffff, v5  }
0x1d7: {  	v5 =	vld [tilespmem:s2+$0x10]  }
0x1d8: {  	[tilespmem:s21+$0x1870] =	vst.add.f32.msk $0xffff, v4  }
0x1d9: {  	s20 =	sor.u32 $0x1C00, s9;
	[tilespmem:s22+$0x5C70] =	vst.add.f32.msk $0xffff, v4  }
0x1da: {  	v4 =	vld [tilespmem:s20+$0x400]  }
0x1db: {  	[tilespmem:s7+$0x0] =	vst.add.f32.msk $0xffff, v6  }
0x1dc: {  	[tilespmem:s4+$0x10] =	vst.add.f32.msk $0xffff, v5  }
0x1dd: {  	[tilespmem:s16+$0x4410] =	vst.add.f32.msk $0xffff, v5  }
0x1de: {  	v5 =	vld [tilespmem:s2+$0x20]  }
0x1df: {  	[tilespmem:s21+$0x1C00] =	vst.add.f32.msk $0xffff, v4  }
0x1e0: {  	s25 =	sor.u32 $0x1C10, s9;
	[tilespmem:s22+$0x6000] =	vst.add.f32.msk $0xffff, v4  }
0x1e1: {  	v4 =	vld [tilespmem:s25+$0x400]  }
0x1e2: {  	[tilespmem:s7+$0x4000] =	vst.add.f32.msk $0xffff, v6  }
0x1e3: {  	[tilespmem:s4+$0x20] =	vst.add.f32.msk $0xffff, v5  }
0x1e4: {  	[tilespmem:s16+$0x4420] =	vst.add.f32.msk $0xffff, v5  }
0x1e5: {  	v5 =	vld [tilespmem:s2+$0x30]  }
0x1e6: {  	[tilespmem:s21+$0x1C10] =	vst.add.f32.msk $0xffff, v4  }
0x1e7: {  	s26 =	sor.u32 $0x1C20, s9;
	[tilespmem:s22+$0x6010] =	vst.add.f32.msk $0xffff, v4  }
0x1e8: {  	v4 =	vld [tilespmem:s26+$0x400]  }
0x1e9: {  	v6 =	vld [tilespmem:s6+$0x10]  }
0x1ea: {  	[tilespmem:s4+$0x30] =	vst.add.f32.msk $0xffff, v5  }
0x1eb: {  	[tilespmem:s16+$0x4430] =	vst.add.f32.msk $0xffff, v5  }
0x1ec: {  	v5 =	vld [tilespmem:s2+$0x40]  }
0x1ed: {  	[tilespmem:s21+$0x1C20] =	vst.add.f32.msk $0xffff, v4  }
0x1ee: {  	s19 =	sor.u32 $0x1C30, s9;
	[tilespmem:s22+$0x6020] =	vst.add.f32.msk $0xffff, v4  }
0x1ef: {  	v4 =	vld [tilespmem:s19+$0x400]  }
0x1f0: {  	[tilespmem:s7+$0x10] =	vst.add.f32.msk $0xffff, v6  }
0x1f1: {  	[tilespmem:s4+$0x40] =	vst.add.f32.msk $0xffff, v5  }
0x1f2: {  	[tilespmem:s16+$0x4440] =	vst.add.f32.msk $0xffff, v5  }
0x1f3: {  	v5 =	vld [tilespmem:s2+$0x50]  }
0x1f4: {  	[tilespmem:s21+$0x1C30] =	vst.add.f32.msk $0xffff, v4  }
0x1f5: {  	s20 =	sor.u32 $0x1C40, s9;
	[tilespmem:s22+$0x6030] =	vst.add.f32.msk $0xffff, v4  }
0x1f6: {  	v4 =	vld [tilespmem:s20+$0x400]  }
0x1f7: {  	[tilespmem:s7+$0x4010] =	vst.add.f32.msk $0xffff, v6  }
0x1f8: {  	[tilespmem:s4+$0x50] =	vst.add.f32.msk $0xffff, v5  }
0x1f9: {  	[tilespmem:s16+$0x4450] =	vst.add.f32.msk $0xffff, v5  }
0x1fa: {  	v5 =	vld [tilespmem:s2+$0x60]  }
0x1fb: {  	[tilespmem:s21+$0x1C40] =	vst.add.f32.msk $0xffff, v4  }
0x1fc: {  	s25 =	sor.u32 $0x1C50, s9;
	[tilespmem:s22+$0x6040] =	vst.add.f32.msk $0xffff, v4  }
0x1fd: {  	v4 =	vld [tilespmem:s25+$0x400]  }
0x1fe: {  	v6 =	vld [tilespmem:s6+$0x20]  }
0x1ff: {  	[tilespmem:s4+$0x60] =	vst.add.f32.msk $0xffff, v5  }
0x200: {  	[tilespmem:s16+$0x4460] =	vst.add.f32.msk $0xffff, v5  }
0x201: {  	v5 =	vld [tilespmem:s2+$0x70]  }
0x202: {  	[tilespmem:s21+$0x1C50] =	vst.add.f32.msk $0xffff, v4  }
0x203: {  	s26 =	sor.u32 $0x1C60, s9;
	[tilespmem:s22+$0x6050] =	vst.add.f32.msk $0xffff, v4  }
0x204: {  	v4 =	vld [tilespmem:s26+$0x400]  }
0x205: {  	[tilespmem:s7+$0x20] =	vst.add.f32.msk $0xffff, v6  }
0x206: {  	[tilespmem:s4+$0x70] =	vst.add.f32.msk $0xffff, v5  }
0x207: {  	[tilespmem:s16+$0x4470] =	vst.add.f32.msk $0xffff, v5  }
0x208: {  	v5 =	vld [tilespmem:s2+$0x400]  }
0x209: {  	[tilespmem:s21+$0x1C60] =	vst.add.f32.msk $0xffff, v4  }
0x20a: {  	s15 =	sor.u32 $0x1C70, s9;
	[tilespmem:s22+$0x6060] =	vst.add.f32.msk $0xffff, v4  }
0x20b: {  	v4 =	vld [tilespmem:s15+$0x400]  }
0x20c: {  	[tilespmem:s7+$0x4020] =	vst.add.f32.msk $0xffff, v6  }
0x20d: {  	[tilespmem:s4+$0x400] =	vst.add.f32.msk $0xffff, v5  }
0x20e: {  	[tilespmem:s16+$0x4800] =	vst.add.f32.msk $0xffff, v5  }
0x20f: {  	v5 =	vld [tilespmem:s2+$0x410]  }
0x210: {  	[tilespmem:s21+$0x1C70] =	vst.add.f32.msk $0xffff, v4  }
0x211: {  	[tilespmem:s22+$0x6070] =	vst.add.f32.msk $0xffff, v4  }
0x212: {  	v4 =	vld [tilespmem:s6+$0x30]  }
0x213: {  	[tilespmem:s23+$0x1800] =	vst.add.f32.msk $0xffff, v3  }
0x214: {  	[tilespmem:s23+$0x5800] =	vst.add.f32.msk $0xffff, v3  }
0x215: {  	s21 =	smov.u32 s4;
	v3 =	vld [tilespmem:s18+$0x400]  }
0x216: {  	s22 =	smov.u32 s16;
	[tilespmem:s21+$0x410] =	vst.add.f32.msk $0xffff, v5  }
0x217: {  	[tilespmem:s22+$0x4810] =	vst.add.f32.msk $0xffff, v5  }
0x218: {  	v5 =	vld [tilespmem:s2+$0x420]  }
0x219: {  	[tilespmem:s7+$0x30] =	vst.add.f32.msk $0xffff, v4  }
0x21a: {  	[tilespmem:s7+$0x4030] =	vst.add.f32.msk $0xffff, v4  }
0x21b: {  	v4 =	vld [tilespmem:s6+$0x40]  }
0x21c: {  	[tilespmem:s23+$0x1810] =	vst.add.f32.msk $0xffff, v3  }
0x21d: {  	[tilespmem:s21+$0x420] =	vst.add.f32.msk $0xffff, v5  }
0x21e: {  	[tilespmem:s22+$0x4820] =	vst.add.f32.msk $0xffff, v5  }
0x21f: {  	v5 =	vld [tilespmem:s2+$0x430]  }
0x220: {  	[tilespmem:s7+$0x40] =	vst.add.f32.msk $0xffff, v4  }
0x221: {  	[tilespmem:s7+$0x4040] =	vst.add.f32.msk $0xffff, v4  }
0x222: {  	v4 =	vld [tilespmem:s6+$0x50]  }
0x223: {  	[tilespmem:s23+$0x5810] =	vst.add.f32.msk $0xffff, v3  }
0x224: {  	[tilespmem:s21+$0x430] =	vst.add.f32.msk $0xffff, v5  }
0x225: {  	[tilespmem:s22+$0x4830] =	vst.add.f32.msk $0xffff, v5  }
0x226: {  	v3 =	vld [tilespmem:s2+$0x440]  }
0x227: {  	[tilespmem:s7+$0x50] =	vst.add.f32.msk $0xffff, v4  }
0x228: {  	[tilespmem:s7+$0x4050] =	vst.add.f32.msk $0xffff, v4  }
0x229: {  	v4 =	vld [tilespmem:s6+$0x60]  }
0x22a: {  	v5 =	vld [tilespmem:s17+$0x400]  }
0x22b: {  	[tilespmem:s21+$0x440] =	vst.add.f32.msk $0xffff, v3  }
0x22c: {  	[tilespmem:s22+$0x4840] =	vst.add.f32.msk $0xffff, v3  }
0x22d: {  	v3 =	vld [tilespmem:s2+$0x450]  }
0x22e: {  	[tilespmem:s7+$0x60] =	vst.add.f32.msk $0xffff, v4  }
0x22f: {  	[tilespmem:s7+$0x4060] =	vst.add.f32.msk $0xffff, v4  }
0x230: {  	v4 =	vld [tilespmem:s6+$0x70]  }
0x231: {  	[tilespmem:s23+$0x1820] =	vst.add.f32.msk $0xffff, v5  }
0x232: {  	[tilespmem:s21+$0x450] =	vst.add.f32.msk $0xffff, v3  }
0x233: {  	[tilespmem:s22+$0x4850] =	vst.add.f32.msk $0xffff, v3  }
0x234: {  	v3 =	vld [tilespmem:s2+$0x460]  }
0x235: {  	[tilespmem:s7+$0x70] =	vst.add.f32.msk $0xffff, v4  }
0x236: {  	[tilespmem:s7+$0x4070] =	vst.add.f32.msk $0xffff, v4  }
0x237: {  	v4 =	vld [tilespmem:s6+$0x400]  }
0x238: {  	[tilespmem:s23+$0x5820] =	vst.add.f32.msk $0xffff, v5  }
0x239: {  	[tilespmem:s21+$0x460] =	vst.add.f32.msk $0xffff, v3  }
0x23a: {  	[tilespmem:s22+$0x4860] =	vst.add.f32.msk $0xffff, v3  }
0x23b: {  	v3 =	vld [tilespmem:s2+$0x470]  }
0x23c: {  	[tilespmem:s7+$0x400] =	vst.add.f32.msk $0xffff, v4  }
0x23d: {  	[tilespmem:s7+$0x4400] =	vst.add.f32.msk $0xffff, v4  }
0x23e: {  	v4 =	vld [tilespmem:s6+$0x410]  }
0x23f: {  	v5 =	vld [tilespmem:s10+$0x400]  }
0x240: {  	[tilespmem:s21+$0x470] =	vst.add.f32.msk $0xffff, v3  }
0x241: {  	[tilespmem:s22+$0x4870] =	vst.add.f32.msk $0xffff, v3  }
0x242: {  	v3 =	vld [tilespmem:s2+$0x800]  }
0x243: {  	[tilespmem:s7+$0x410] =	vst.add.f32.msk $0xffff, v4  }
0x244: {  	[tilespmem:s7+$0x4410] =	vst.add.f32.msk $0xffff, v4  }
0x245: {  	v4 =	vld [tilespmem:s6+$0x420]  }
0x246: {  	[tilespmem:s23+$0x1830] =	vst.add.f32.msk $0xffff, v5  }
0x247: {  	[tilespmem:s21+$0x800] =	vst.add.f32.msk $0xffff, v3  }
0x248: {  	[tilespmem:s22+$0x4C00] =	vst.add.f32.msk $0xffff, v3  }
0x249: {  	v3 =	vld [tilespmem:s2+$0x810]  }
0x24a: {  	[tilespmem:s7+$0x420] =	vst.add.f32.msk $0xffff, v4  }
0x24b: {  	[tilespmem:s7+$0x4420] =	vst.add.f32.msk $0xffff, v4  }
0x24c: {  	v4 =	vld [tilespmem:s6+$0x430]  }
0x24d: {  	[tilespmem:s23+$0x5830] =	vst.add.f32.msk $0xffff, v5  }
0x24e: {  	[tilespmem:s21+$0x810] =	vst.add.f32.msk $0xffff, v3  }
0x24f: {  	[tilespmem:s22+$0x4C10] =	vst.add.f32.msk $0xffff, v3  }
0x250: {  	v3 =	vld [tilespmem:s2+$0x820]  }
0x251: {  	[tilespmem:s7+$0x430] =	vst.add.f32.msk $0xffff, v4  }
0x252: {  	[tilespmem:s7+$0x4430] =	vst.add.f32.msk $0xffff, v4  }
0x253: {  	v4 =	vld [tilespmem:s6+$0x440]  }
0x254: {  	v5 =	vld [tilespmem:s8+$0x400]  }
0x255: {  	[tilespmem:s21+$0x820] =	vst.add.f32.msk $0xffff, v3  }
0x256: {  	[tilespmem:s22+$0x4C20] =	vst.add.f32.msk $0xffff, v3  }
0x257: {  	v3 =	vld [tilespmem:s2+$0x830]  }
0x258: {  	[tilespmem:s7+$0x440] =	vst.add.f32.msk $0xffff, v4  }
0x259: {  	[tilespmem:s7+$0x4440] =	vst.add.f32.msk $0xffff, v4  }
0x25a: {  	v4 =	vld [tilespmem:s6+$0x450]  }
0x25b: {  	[tilespmem:s23+$0x1840] =	vst.add.f32.msk $0xffff, v5  }
0x25c: {  	[tilespmem:s21+$0x830] =	vst.add.f32.msk $0xffff, v3  }
0x25d: {  	[tilespmem:s22+$0x4C30] =	vst.add.f32.msk $0xffff, v3  }
0x25e: {  	v3 =	vld [tilespmem:s2+$0x840]  }
0x25f: {  	[tilespmem:s7+$0x450] =	vst.add.f32.msk $0xffff, v4  }
0x260: {  	[tilespmem:s7+$0x4450] =	vst.add.f32.msk $0xffff, v4  }
0x261: {  	v4 =	vld [tilespmem:s6+$0x460]  }
0x262: {  	[tilespmem:s23+$0x5840] =	vst.add.f32.msk $0xffff, v5  }
0x263: {  	[tilespmem:s21+$0x840] =	vst.add.f32.msk $0xffff, v3  }
0x264: {  	[tilespmem:s22+$0x4C40] =	vst.add.f32.msk $0xffff, v3  }
0x265: {  	v3 =	vld [tilespmem:s2+$0x850]  }
0x266: {  	[tilespmem:s7+$0x460] =	vst.add.f32.msk $0xffff, v4  }
0x267: {  	[tilespmem:s7+$0x4460] =	vst.add.f32.msk $0xffff, v4  }
0x268: {  	v4 =	vld [tilespmem:s6+$0x470]  }
0x269: {  	v5 =	vld [tilespmem:s1+$0x400]  }
0x26a: {  	[tilespmem:s21+$0x850] =	vst.add.f32.msk $0xffff, v3  }
0x26b: {  	[tilespmem:s22+$0x4C50] =	vst.add.f32.msk $0xffff, v3  }
0x26c: {  	v3 =	vld [tilespmem:s2+$0x860]  }
0x26d: {  	[tilespmem:s7+$0x470] =	vst.add.f32.msk $0xffff, v4  }
0x26e: {  	[tilespmem:s7+$0x4470] =	vst.add.f32.msk $0xffff, v4  }
0x26f: {  	v4 =	vld [tilespmem:s6+$0x800]  }
0x270: {  	[tilespmem:s23+$0x1850] =	vst.add.f32.msk $0xffff, v5  }
0x271: {  	[tilespmem:s21+$0x860] =	vst.add.f32.msk $0xffff, v3  }
0x272: {  	[tilespmem:s22+$0x4C60] =	vst.add.f32.msk $0xffff, v3  }
0x273: {  	v3 =	vld [tilespmem:s2+$0x870]  }
0x274: {  	[tilespmem:s7+$0x800] =	vst.add.f32.msk $0xffff, v4  }
0x275: {  	[tilespmem:s7+$0x4800] =	vst.add.f32.msk $0xffff, v4  }
0x276: {  	v4 =	vld [tilespmem:s6+$0x810]  }
0x277: {  	[tilespmem:s23+$0x5850] =	vst.add.f32.msk $0xffff, v5  }
0x278: {  	[tilespmem:s21+$0x870] =	vst.add.f32.msk $0xffff, v3  }
0x279: {  	[tilespmem:s22+$0x4C70] =	vst.add.f32.msk $0xffff, v3  }
0x27a: {  	v3 =	vld [tilespmem:s2+$0xC00]  }
0x27b: {  	[tilespmem:s7+$0x810] =	vst.add.f32.msk $0xffff, v4  }
0x27c: {  	[tilespmem:s7+$0x4810] =	vst.add.f32.msk $0xffff, v4  }
0x27d: {  	v4 =	vld [tilespmem:s6+$0x820]  }
0x27e: {  	v5 =	vld [tilespmem:s12+$0x400]  }
0x27f: {  	[tilespmem:s21+$0xC00] =	vst.add.f32.msk $0xffff, v3  }
0x280: {  	[tilespmem:s22+$0x5000] =	vst.add.f32.msk $0xffff, v3  }
0x281: {  	v3 =	vld [tilespmem:s2+$0xC10]  }
0x282: {  	[tilespmem:s7+$0x820] =	vst.add.f32.msk $0xffff, v4  }
0x283: {  	[tilespmem:s7+$0x4820] =	vst.add.f32.msk $0xffff, v4  }
0x284: {  	v4 =	vld [tilespmem:s6+$0x830]  }
0x285: {  	[tilespmem:s23+$0x1860] =	vst.add.f32.msk $0xffff, v5  }
0x286: {  	[tilespmem:s21+$0xC10] =	vst.add.f32.msk $0xffff, v3  }
0x287: {  	[tilespmem:s22+$0x5010] =	vst.add.f32.msk $0xffff, v3  }
0x288: {  	v3 =	vld [tilespmem:s2+$0xC20]  }
0x289: {  	[tilespmem:s7+$0x830] =	vst.add.f32.msk $0xffff, v4  }
0x28a: {  	[tilespmem:s7+$0x4830] =	vst.add.f32.msk $0xffff, v4  }
0x28b: {  	v4 =	vld [tilespmem:s6+$0x840]  }
0x28c: {  	[tilespmem:s23+$0x5860] =	vst.add.f32.msk $0xffff, v5  }
0x28d: {  	[tilespmem:s21+$0xC20] =	vst.add.f32.msk $0xffff, v3  }
0x28e: {  	[tilespmem:s22+$0x5020] =	vst.add.f32.msk $0xffff, v3  }
0x28f: {  	v3 =	vld [tilespmem:s2+$0xC30]  }
0x290: {  	[tilespmem:s7+$0x840] =	vst.add.f32.msk $0xffff, v4  }
0x291: {  	[tilespmem:s7+$0x4840] =	vst.add.f32.msk $0xffff, v4  }
0x292: {  	v4 =	vld [tilespmem:s6+$0x850]  }
0x293: {  	v5 =	vld [tilespmem:s5+$0x400]  }
0x294: {  	[tilespmem:s21+$0xC30] =	vst.add.f32.msk $0xffff, v3  }
0x295: {  	[tilespmem:s22+$0x5030] =	vst.add.f32.msk $0xffff, v3  }
0x296: {  	v3 =	vld [tilespmem:s2+$0xC40]  }
0x297: {  	[tilespmem:s7+$0x850] =	vst.add.f32.msk $0xffff, v4  }
0x298: {  	[tilespmem:s7+$0x4850] =	vst.add.f32.msk $0xffff, v4  }
0x299: {  	v4 =	vld [tilespmem:s6+$0x860]  }
0x29a: {  	[tilespmem:s23+$0x1870] =	vst.add.f32.msk $0xffff, v5  }
0x29b: {  	[tilespmem:s21+$0xC40] =	vst.add.f32.msk $0xffff, v3  }
0x29c: {  	[tilespmem:s22+$0x5040] =	vst.add.f32.msk $0xffff, v3  }
0x29d: {  	v3 =	vld [tilespmem:s2+$0xC50]  }
0x29e: {  	[tilespmem:s7+$0x860] =	vst.add.f32.msk $0xffff, v4  }
0x29f: {  	[tilespmem:s7+$0x4860] =	vst.add.f32.msk $0xffff, v4  }
0x2a0: {  	v4 =	vld [tilespmem:s6+$0x870]  }
0x2a1: {  	[tilespmem:s23+$0x5870] =	vst.add.f32.msk $0xffff, v5  }
0x2a2: {  	[tilespmem:s21+$0xC50] =	vst.add.f32.msk $0xffff, v3  }
0x2a3: {  	[tilespmem:s22+$0x5050] =	vst.add.f32.msk $0xffff, v3  }
0x2a4: {  	v3 =	vld [tilespmem:s2+$0xC60]  }
0x2a5: {  	[tilespmem:s7+$0x870] =	vst.add.f32.msk $0xffff, v4  }
0x2a6: {  	[tilespmem:s7+$0x4870] =	vst.add.f32.msk $0xffff, v4  }
0x2a7: {  	v4 =	vld [tilespmem:s6+$0xC00]  }
0x2a8: {  	v5 =	vld [tilespmem:s3+$0x400]  }
0x2a9: {  	[tilespmem:s21+$0xC60] =	vst.add.f32.msk $0xffff, v3  }
0x2aa: {  	[tilespmem:s22+$0x5060] =	vst.add.f32.msk $0xffff, v3  }
0x2ab: {  	v3 =	vld [tilespmem:s2+$0xC70]  }
0x2ac: {  	[tilespmem:s7+$0xC00] =	vst.add.f32.msk $0xffff, v4  }
0x2ad: {  	[tilespmem:s7+$0x4C00] =	vst.add.f32.msk $0xffff, v4  }
0x2ae: {  	v4 =	vld [tilespmem:s6+$0xC10]  }
0x2af: {  	[tilespmem:s23+$0x1C00] =	vst.add.f32.msk $0xffff, v5  }
0x2b0: {  	[tilespmem:s21+$0xC70] =	vst.add.f32.msk $0xffff, v3  }
0x2b1: {  	[tilespmem:s22+$0x5070] =	vst.add.f32.msk $0xffff, v3  }
0x2b2: {  	v3 =	vld [tilespmem:s2+$0x1000]  }
0x2b3: {  	[tilespmem:s7+$0xC10] =	vst.add.f32.msk $0xffff, v4  }
0x2b4: {  	[tilespmem:s7+$0x4C10] =	vst.add.f32.msk $0xffff, v4  }
0x2b5: {  	v4 =	vld [tilespmem:s6+$0xC20]  }
0x2b6: {  	[tilespmem:s23+$0x5C00] =	vst.add.f32.msk $0xffff, v5  }
0x2b7: {  	[tilespmem:s21+$0x1000] =	vst.add.f32.msk $0xffff, v3  }
0x2b8: {  	[tilespmem:s22+$0x5400] =	vst.add.f32.msk $0xffff, v3  }
0x2b9: {  	v3 =	vld [tilespmem:s2+$0x1010]  }
0x2ba: {  	[tilespmem:s7+$0xC20] =	vst.add.f32.msk $0xffff, v4  }
0x2bb: {  	[tilespmem:s7+$0x4C20] =	vst.add.f32.msk $0xffff, v4  }
0x2bc: {  	v4 =	vld [tilespmem:s6+$0xC30]  }
0x2bd: {  	v5 =	vld [tilespmem:s14+$0x400]  }
0x2be: {  	[tilespmem:s21+$0x1010] =	vst.add.f32.msk $0xffff, v3  }
0x2bf: {  	[tilespmem:s22+$0x5410] =	vst.add.f32.msk $0xffff, v3  }
0x2c0: {  	v3 =	vld [tilespmem:s2+$0x1020]  }
0x2c1: {  	[tilespmem:s7+$0xC30] =	vst.add.f32.msk $0xffff, v4  }
0x2c2: {  	[tilespmem:s7+$0x4C30] =	vst.add.f32.msk $0xffff, v4  }
0x2c3: {  	v4 =	vld [tilespmem:s6+$0xC40]  }
0x2c4: {  	[tilespmem:s23+$0x1C10] =	vst.add.f32.msk $0xffff, v5  }
0x2c5: {  	[tilespmem:s21+$0x1020] =	vst.add.f32.msk $0xffff, v3  }
0x2c6: {  	[tilespmem:s22+$0x5420] =	vst.add.f32.msk $0xffff, v3  }
0x2c7: {  	v3 =	vld [tilespmem:s2+$0x1030]  }
0x2c8: {  	[tilespmem:s7+$0xC40] =	vst.add.f32.msk $0xffff, v4  }
0x2c9: {  	[tilespmem:s7+$0x4C40] =	vst.add.f32.msk $0xffff, v4  }
0x2ca: {  	v4 =	vld [tilespmem:s6+$0xC50]  }
0x2cb: {  	[tilespmem:s23+$0x5C10] =	vst.add.f32.msk $0xffff, v5  }
0x2cc: {  	[tilespmem:s21+$0x1030] =	vst.add.f32.msk $0xffff, v3  }
0x2cd: {  	[tilespmem:s22+$0x5430] =	vst.add.f32.msk $0xffff, v3  }
0x2ce: {  	v3 =	vld [tilespmem:s2+$0x1040]  }
0x2cf: {  	[tilespmem:s7+$0xC50] =	vst.add.f32.msk $0xffff, v4  }
0x2d0: {  	[tilespmem:s7+$0x4C50] =	vst.add.f32.msk $0xffff, v4  }
0x2d1: {  	v4 =	vld [tilespmem:s6+$0xC60]  }
0x2d2: {  	v5 =	vld [tilespmem:s0+$0x400]  }
0x2d3: {  	[tilespmem:s21+$0x1040] =	vst.add.f32.msk $0xffff, v3  }
0x2d4: {  	[tilespmem:s22+$0x5440] =	vst.add.f32.msk $0xffff, v3  }
0x2d5: {  	v3 =	vld [tilespmem:s2+$0x1050]  }
0x2d6: {  	[tilespmem:s7+$0xC60] =	vst.add.f32.msk $0xffff, v4  }
0x2d7: {  	[tilespmem:s7+$0x4C60] =	vst.add.f32.msk $0xffff, v4  }
0x2d8: {  	v4 =	vld [tilespmem:s6+$0xC70]  }
0x2d9: {  	[tilespmem:s23+$0x1C20] =	vst.add.f32.msk $0xffff, v5  }
0x2da: {  	[tilespmem:s21+$0x1050] =	vst.add.f32.msk $0xffff, v3  }
0x2db: {  	[tilespmem:s22+$0x5450] =	vst.add.f32.msk $0xffff, v3  }
0x2dc: {  	v3 =	vld [tilespmem:s2+$0x1060]  }
0x2dd: {  	[tilespmem:s7+$0xC70] =	vst.add.f32.msk $0xffff, v4  }
0x2de: {  	[tilespmem:s7+$0x4C70] =	vst.add.f32.msk $0xffff, v4  }
0x2df: {  	v4 =	vld [tilespmem:s6+$0x1000]  }
0x2e0: {  	[tilespmem:s23+$0x5C20] =	vst.add.f32.msk $0xffff, v5  }
0x2e1: {  	[tilespmem:s21+$0x1060] =	vst.add.f32.msk $0xffff, v3  }
0x2e2: {  	[tilespmem:s22+$0x5460] =	vst.add.f32.msk $0xffff, v3  }
0x2e3: {  	v3 =	vld [tilespmem:s2+$0x1070]  }
0x2e4: {  	[tilespmem:s7+$0x1000] =	vst.add.f32.msk $0xffff, v4  }
0x2e5: {  	[tilespmem:s7+$0x5000] =	vst.add.f32.msk $0xffff, v4  }
0x2e6: {  	v4 =	vld [tilespmem:s6+$0x1010]  }
0x2e7: {  	v5 =	vld [tilespmem:s13+$0x400]  }
0x2e8: {  	[tilespmem:s21+$0x1070] =	vst.add.f32.msk $0xffff, v3  }
0x2e9: {  	[tilespmem:s22+$0x5470] =	vst.add.f32.msk $0xffff, v3  }
0x2ea: {  	v3 =	vld [tilespmem:s2+$0x1400]  }
0x2eb: {  	[tilespmem:s7+$0x1010] =	vst.add.f32.msk $0xffff, v4  }
0x2ec: {  	[tilespmem:s7+$0x5010] =	vst.add.f32.msk $0xffff, v4  }
0x2ed: {  	v4 =	vld [tilespmem:s6+$0x1020]  }
0x2ee: {  	[tilespmem:s23+$0x1C30] =	vst.add.f32.msk $0xffff, v5  }
0x2ef: {  	[tilespmem:s21+$0x1400] =	vst.add.f32.msk $0xffff, v3  }
0x2f0: {  	[tilespmem:s22+$0x5800] =	vst.add.f32.msk $0xffff, v3  }
0x2f1: {  	v3 =	vld [tilespmem:s2+$0x1410]  }
0x2f2: {  	[tilespmem:s7+$0x1020] =	vst.add.f32.msk $0xffff, v4  }
0x2f3: {  	[tilespmem:s7+$0x5020] =	vst.add.f32.msk $0xffff, v4  }
0x2f4: {  	v4 =	vld [tilespmem:s6+$0x1030]  }
0x2f5: {  	[tilespmem:s23+$0x5C30] =	vst.add.f32.msk $0xffff, v5  }
0x2f6: {  	[tilespmem:s21+$0x1410] =	vst.add.f32.msk $0xffff, v3  }
0x2f7: {  	[tilespmem:s22+$0x5810] =	vst.add.f32.msk $0xffff, v3  }
0x2f8: {  	v3 =	vld [tilespmem:s2+$0x1420]  }
0x2f9: {  	[tilespmem:s7+$0x1030] =	vst.add.f32.msk $0xffff, v4  }
0x2fa: {  	[tilespmem:s7+$0x5030] =	vst.add.f32.msk $0xffff, v4  }
0x2fb: {  	v4 =	vld [tilespmem:s6+$0x1040]  }
0x2fc: {  	v5 =	vld [tilespmem:s11+$0x400]  }
0x2fd: {  	[tilespmem:s21+$0x1420] =	vst.add.f32.msk $0xffff, v3  }
0x2fe: {  	[tilespmem:s22+$0x5820] =	vst.add.f32.msk $0xffff, v3  }
0x2ff: {  	v3 =	vld [tilespmem:s2+$0x1430]  }
0x300: {  	[tilespmem:s7+$0x1040] =	vst.add.f32.msk $0xffff, v4  }
0x301: {  	[tilespmem:s7+$0x5040] =	vst.add.f32.msk $0xffff, v4  }
0x302: {  	v4 =	vld [tilespmem:s6+$0x1050]  }
0x303: {  	[tilespmem:s23+$0x1C40] =	vst.add.f32.msk $0xffff, v5  }
0x304: {  	[tilespmem:s21+$0x1430] =	vst.add.f32.msk $0xffff, v3  }
0x305: {  	[tilespmem:s22+$0x5830] =	vst.add.f32.msk $0xffff, v3  }
0x306: {  	v3 =	vld [tilespmem:s2+$0x1440]  }
0x307: {  	[tilespmem:s7+$0x1050] =	vst.add.f32.msk $0xffff, v4  }
0x308: {  	[tilespmem:s7+$0x5050] =	vst.add.f32.msk $0xffff, v4  }
0x309: {  	v4 =	vld [tilespmem:s6+$0x1060]  }
0x30a: {  	[tilespmem:s23+$0x5C40] =	vst.add.f32.msk $0xffff, v5  }
0x30b: {  	[tilespmem:s21+$0x1440] =	vst.add.f32.msk $0xffff, v3  }
0x30c: {  	[tilespmem:s22+$0x5840] =	vst.add.f32.msk $0xffff, v3  }
0x30d: {  	v3 =	vld [tilespmem:s2+$0x1450]  }
0x30e: {  	[tilespmem:s7+$0x1060] =	vst.add.f32.msk $0xffff, v4  }
0x30f: {  	[tilespmem:s7+$0x5060] =	vst.add.f32.msk $0xffff, v4  }
0x310: {  	v4 =	vld [tilespmem:s6+$0x1070]  }
0x311: {  	v5 =	vld [tilespmem:s29+$0x400]  }
0x312: {  	[tilespmem:s21+$0x1450] =	vst.add.f32.msk $0xffff, v3  }
0x313: {  	[tilespmem:s22+$0x5850] =	vst.add.f32.msk $0xffff, v3  }
0x314: {  	v3 =	vld [tilespmem:s2+$0x1460]  }
0x315: {  	[tilespmem:s7+$0x1070] =	vst.add.f32.msk $0xffff, v4  }
0x316: {  	[tilespmem:s7+$0x5070] =	vst.add.f32.msk $0xffff, v4  }
0x317: {  	v4 =	vld [tilespmem:s6+$0x1400]  }
0x318: {  	[tilespmem:s23+$0x1C50] =	vst.add.f32.msk $0xffff, v5  }
0x319: {  	[tilespmem:s21+$0x1460] =	vst.add.f32.msk $0xffff, v3  }
0x31a: {  	[tilespmem:s22+$0x5860] =	vst.add.f32.msk $0xffff, v3  }
0x31b: {  	v3 =	vld [tilespmem:s2+$0x1470]  }
0x31c: {  	s24 =	sadd.s32 $0x1, s24;
	[tilespmem:s7+$0x1400] =	vst.add.f32.msk $0xffff, v4  }
0x31d: {  	s19 =	sand.u32 $0x3, s24;
	[tilespmem:s7+$0x5400] =	vst.add.f32.msk $0xffff, v4  }
0x31e: {  	s0 =	sshll.u32 s19, $0x8;
	v4 =	vld [tilespmem:s6+$0x1410]  }
0x31f: {  	s20 =	sadd.s32 s0, s31;
	[tilespmem:s23+$0x5C50] =	vst.add.f32.msk $0xffff, v5  }
0x320: {  	s9 =	sadd.s32 $0x80, s20;
	[tilespmem:s21+$0x1470] =	vst.add.f32.msk $0xffff, v3  }
0x321: {  	s25 =	sor.u32 $0x1800, s9;
	[tilespmem:s22+$0x5870] =	vst.add.f32.msk $0xffff, v3  }
0x322: {  	v3 =	vld [tilespmem:s25+$0x400]  }
0x323: {  	s19 =	rddreg [dreg:$0x8];
	s4 =	sor.u32 $0x1800, s20;
	s18 =	sor.u32 $0x1810, s20;
	[tilespmem:s7+$0x1410] =	vst.add.f32.msk $0xffff, v4  }
0x324: {  	s17 =	sor.u32 $0x1820, s20;
	s10 =	sor.u32 $0x1830, s20;
	s8 =	sor.u32 $0x1840, s20;
	[tilespmem:s7+$0x5410] =	vst.add.f32.msk $0xffff, v4  }
0x325: {  	s1 =	sor.u32 $0x1850, s20;
	s12 =	sor.u32 $0x1860, s20;
	s5 =	sor.u32 $0x1870, s20;
	v4 =	vld [tilespmem:s6+$0x1420]  }
0x326: {  	s3 =	sor.u32 $0x1C00, s20;
	s14 =	sor.u32 $0x1C10, s20;
	s0 =	sor.u32 $0x1C20, s20;
	v5 =	vld [tilespmem:s19+$0x400]  }
0x327: {  	s26 =	sor.u32 $0x1C60, s20;
	s13 =	sor.u32 $0x1C30, s20;
	s11 =	sor.u32 $0x1C40, s20;
	[tilespmem:s21+$0x1800] =	vst.add.f32.msk $0xffff, v3  }
0x328: {  	s29 =	sor.u32 $0x1C50, s20;
	s2 =	sor.u32 $0x1C70, s20;
	s20 =	sor.u32 $0x1810, s9;
	[tilespmem:s22+$0x5C00] =	vst.add.f32.msk $0xffff, v3  }
0x329: {  	v3 =	vld [tilespmem:s20+$0x400]  }
0x32a: {  	[tilespmem:s7+$0x1420] =	vst.add.f32.msk $0xffff, v4  }
0x32b: {  	[tilespmem:s7+$0x5420] =	vst.add.f32.msk $0xffff, v4  }
0x32c: {  	v4 =	vld [tilespmem:s6+$0x1430]  }
0x32d: {  	[tilespmem:s23+$0x1C60] =	vst.add.f32.msk $0xffff, v5  }
0x32e: {  	[tilespmem:s21+$0x1810] =	vst.add.f32.msk $0xffff, v3  }
0x32f: {  	s25 =	sor.u32 $0x1820, s9;
	[tilespmem:s22+$0x5C10] =	vst.add.f32.msk $0xffff, v3  }
0x330: {  	v3 =	vld [tilespmem:s25+$0x400]  }
0x331: {  	[tilespmem:s7+$0x1430] =	vst.add.f32.msk $0xffff, v4  }
0x332: {  	[tilespmem:s7+$0x5430] =	vst.add.f32.msk $0xffff, v4  }
0x333: {  	v4 =	vld [tilespmem:s6+$0x1440]  }
0x334: {  	[tilespmem:s23+$0x5C60] =	vst.add.f32.msk $0xffff, v5  }
0x335: {  	[tilespmem:s21+$0x1820] =	vst.add.f32.msk $0xffff, v3  }
0x336: {  	s16 =	smov.u32 s26;
	s26 =	sor.u32 $0x1830, s9;
	[tilespmem:s22+$0x5C20] =	vst.add.f32.msk $0xffff, v3  }
0x337: {  	v3 =	vld [tilespmem:s26+$0x400]  }
0x338: {  	[tilespmem:s7+$0x1440] =	vst.add.f32.msk $0xffff, v4  }
0x339: {  	[tilespmem:s7+$0x5440] =	vst.add.f32.msk $0xffff, v4  }
0x33a: {  	s19 =	rddreg [dreg:$0x7];
	v4 =	vld [tilespmem:s6+$0x1450]  }
0x33b: {  	v5 =	vld [tilespmem:s19+$0x400]  }
0x33c: {  	[tilespmem:s21+$0x1830] =	vst.add.f32.msk $0xffff, v3  }
0x33d: {  	s20 =	sor.u32 $0x1840, s9;
	[tilespmem:s22+$0x5C30] =	vst.add.f32.msk $0xffff, v3  }
0x33e: {  	v3 =	vld [tilespmem:s20+$0x400]  }
0x33f: {  	[tilespmem:s7+$0x1450] =	vst.add.f32.msk $0xffff, v4  }
0x340: {  	[tilespmem:s7+$0x5450] =	vst.add.f32.msk $0xffff, v4  }
0x341: {  	v4 =	vld [tilespmem:s6+$0x1460]  }
0x342: {  	[tilespmem:s23+$0x1C70] =	vst.add.f32.msk $0xffff, v5  }
0x343: {  	[tilespmem:s21+$0x1840] =	vst.add.f32.msk $0xffff, v3  }
0x344: {  	s25 =	sor.u32 $0x1850, s9;
	[tilespmem:s22+$0x5C40] =	vst.add.f32.msk $0xffff, v3  }
0x345: {  	v6 =	vld [tilespmem:s25+$0x400]  }
0x346: {  	s28 =	sadd.s32 $0x2, s28;
	[tilespmem:s7+$0x1460] =	vst.add.f32.msk $0xffff, v4  }
0x347: {  	p0 =	slt.u32 s28, $0xE;
	[tilespmem:s7+$0x5460] =	vst.add.f32.msk $0xffff, v4  }
.Ltmp1:
0x348: {  	v3 =	vld [tilespmem:s6+$0x1470];
	(pc) =	sbr.rel @p0 .LBB2_5-.Ltmp1, $4  }
0x349: {  	[tilespmem:s23+$0x5C70] =	vst.add.f32.msk $0xffff, v5  }
0x34a: {  	[tilespmem:s21+$0x1850] =	vst.add.f32.msk $0xffff, v6  }
0x34b: {  	s30 =	sadd.s32 $0x100, s30;
	s26 =	sor.u32 $0x1860, s9;
	[tilespmem:s22+$0x5C50] =	vst.add.f32.msk $0xffff, v6  }
0x34c: {  	s31 =	sadd.s32 $0x800, s31;
	s15 =	smov.u32 s2;
	s23 =	smov.u32 s7;
	v4 =	vld [tilespmem:s26+$0x400]  }
0x34d: {  	[tilespmem:s23+$0x1470] =	vst.add.f32.msk $0xffff, v3  }
0x34e: {  	[tilespmem:s23+$0x5470] =	vst.add.f32.msk $0xffff, v3  }
0x34f: {  	v3 =	vld [tilespmem:s4+$0x400];
	_ =	sdelay $0x4  }
0x350: {  	[tilespmem:s23+$0x1800] =	vst.add.f32.msk $0xffff, v3  }
0x351: {  	[tilespmem:s23+$0x5800] =	vst.add.f32.msk $0xffff, v3  }
0x352: {  	v3 =	vld [tilespmem:s18+$0x400];
	_ =	sdelay $0x4  }
0x353: {  	[tilespmem:s23+$0x1810] =	vst.add.f32.msk $0xffff, v3  }
0x354: {  	[tilespmem:s23+$0x5810] =	vst.add.f32.msk $0xffff, v3  }
0x355: {  	v3 =	vld [tilespmem:s17+$0x400];
	_ =	sdelay $0x4  }
0x356: {  	[tilespmem:s23+$0x1820] =	vst.add.f32.msk $0xffff, v3  }
0x357: {  	[tilespmem:s23+$0x5820] =	vst.add.f32.msk $0xffff, v3  }
0x358: {  	v3 =	vld [tilespmem:s10+$0x400];
	_ =	sdelay $0x4  }
0x359: {  	[tilespmem:s23+$0x1830] =	vst.add.f32.msk $0xffff, v3  }
0x35a: {  	[tilespmem:s23+$0x5830] =	vst.add.f32.msk $0xffff, v3  }
0x35b: {  	v3 =	vld [tilespmem:s8+$0x400];
	_ =	sdelay $0x4  }
0x35c: {  	[tilespmem:s23+$0x1840] =	vst.add.f32.msk $0xffff, v3  }
0x35d: {  	[tilespmem:s23+$0x5840] =	vst.add.f32.msk $0xffff, v3  }
0x35e: {  	v3 =	vld [tilespmem:s1+$0x400];
	_ =	sdelay $0x4  }
0x35f: {  	[tilespmem:s23+$0x1850] =	vst.add.f32.msk $0xffff, v3  }
0x360: {  	[tilespmem:s23+$0x5850] =	vst.add.f32.msk $0xffff, v3  }
0x361: {  	v3 =	vld [tilespmem:s12+$0x400];
	_ =	sdelay $0x1  }
0x362: {  	[tilespmem:s21+$0x1860] =	vst.add.f32.msk $0xffff, v4  }
0x363: {  	s7 =	sor.u32 $0x1870, s9;
	[tilespmem:s22+$0x5C60] =	vst.add.f32.msk $0xffff, v4  }
0x364: {  	v4 =	vld [tilespmem:s7+$0x400]  }
0x365: {  	[tilespmem:s23+$0x1860] =	vst.add.f32.msk $0xffff, v3  }
0x366: {  	[tilespmem:s23+$0x5860] =	vst.add.f32.msk $0xffff, v3  }
0x367: {  	v3 =	vld [tilespmem:s5+$0x400];
	_ =	sdelay $0x1  }
0x368: {  	[tilespmem:s21+$0x1870] =	vst.add.f32.msk $0xffff, v4  }
0x369: {  	[tilespmem:s22+$0x5C70] =	vst.add.f32.msk $0xffff, v4;
	s8 =	sor.u32 $0x1C00, s9  }
0x36a: {  	v4 =	vld [tilespmem:s8+$0x400]  }
0x36b: {  	[tilespmem:s23+$0x1870] =	vst.add.f32.msk $0xffff, v3  }
0x36c: {  	[tilespmem:s23+$0x5870] =	vst.add.f32.msk $0xffff, v3  }
0x36d: {  	v3 =	vld [tilespmem:s3+$0x400];
	_ =	sdelay $0x1  }
0x36e: {  	[tilespmem:s21+$0x1C00] =	vst.add.f32.msk $0xffff, v4  }
0x36f: {  	s10 =	sor.u32 $0x1C10, s9;
	[tilespmem:s22+$0x6000] =	vst.add.f32.msk $0xffff, v4  }
0x370: {  	v4 =	vld [tilespmem:s10+$0x400]  }
0x371: {  	[tilespmem:s23+$0x1C00] =	vst.add.f32.msk $0xffff, v3  }
0x372: {  	[tilespmem:s23+$0x5C00] =	vst.add.f32.msk $0xffff, v3  }
0x373: {  	v3 =	vld [tilespmem:s14+$0x400];
	_ =	sdelay $0x1  }
0x374: {  	[tilespmem:s21+$0x1C10] =	vst.add.f32.msk $0xffff, v4  }
0x375: {  	s12 =	sor.u32 $0x1C20, s9;
	[tilespmem:s22+$0x6010] =	vst.add.f32.msk $0xffff, v4  }
0x376: {  	v4 =	vld [tilespmem:s12+$0x400]  }
0x377: {  	[tilespmem:s23+$0x1C10] =	vst.add.f32.msk $0xffff, v3  }
0x378: {  	[tilespmem:s23+$0x5C10] =	vst.add.f32.msk $0xffff, v3  }
0x379: {  	v3 =	vld [tilespmem:s0+$0x400];
	_ =	sdelay $0x1  }
0x37a: {  	[tilespmem:s21+$0x1C20] =	vst.add.f32.msk $0xffff, v4  }
0x37b: {  	[tilespmem:s22+$0x6020] =	vst.add.f32.msk $0xffff, v4;
	s14 =	sor.u32 $0x1C30, s9  }
0x37c: {  	v4 =	vld [tilespmem:s14+$0x400]  }
0x37d: {  	[tilespmem:s23+$0x1C20] =	vst.add.f32.msk $0xffff, v3  }
0x37e: {  	[tilespmem:s23+$0x5C20] =	vst.add.f32.msk $0xffff, v3  }
0x37f: {  	v3 =	vld [tilespmem:s13+$0x400];
	_ =	sdelay $0x1  }
0x380: {  	[tilespmem:s21+$0x1C30] =	vst.add.f32.msk $0xffff, v4  }
0x381: {  	s17 =	sor.u32 $0x1C40, s9;
	[tilespmem:s22+$0x6030] =	vst.add.f32.msk $0xffff, v4  }
0x382: {  	v4 =	vld [tilespmem:s17+$0x400]  }
0x383: {  	[tilespmem:s23+$0x1C30] =	vst.add.f32.msk $0xffff, v3  }
0x384: {  	[tilespmem:s23+$0x5C30] =	vst.add.f32.msk $0xffff, v3  }
0x385: {  	v3 =	vld [tilespmem:s11+$0x400];
	_ =	sdelay $0x1  }
0x386: {  	[tilespmem:s21+$0x1C40] =	vst.add.f32.msk $0xffff, v4  }
0x387: {  	s18 =	sor.u32 $0x1C50, s9;
	[tilespmem:s22+$0x6040] =	vst.add.f32.msk $0xffff, v4  }
0x388: {  	v4 =	vld [tilespmem:s18+$0x400]  }
0x389: {  	[tilespmem:s23+$0x1C40] =	vst.add.f32.msk $0xffff, v3  }
0x38a: {  	[tilespmem:s23+$0x5C40] =	vst.add.f32.msk $0xffff, v3  }
0x38b: {  	v3 =	vld [tilespmem:s29+$0x400];
	_ =	sdelay $0x1  }
0x38c: {  	[tilespmem:s21+$0x1C50] =	vst.add.f32.msk $0xffff, v4  }
0x38d: {  	s19 =	sor.u32 $0x1C60, s9;
	[tilespmem:s22+$0x6050] =	vst.add.f32.msk $0xffff, v4  }
0x38e: {  	v4 =	vld [tilespmem:s19+$0x400]  }
0x38f: {  	[tilespmem:s23+$0x1C50] =	vst.add.f32.msk $0xffff, v3  }
0x390: {  	[tilespmem:s23+$0x5C50] =	vst.add.f32.msk $0xffff, v3  }
0x391: {  	v3 =	vld [tilespmem:s16+$0x400];
	_ =	sdelay $0x1  }
0x392: {  	[tilespmem:s21+$0x1C60] =	vst.add.f32.msk $0xffff, v4  }
0x393: {  	s20 =	sor.u32 $0x1C70, s9;
	[tilespmem:s22+$0x6060] =	vst.add.f32.msk $0xffff, v4  }
0x394: {  	v4 =	vld [tilespmem:s20+$0x400]  }
0x395: {  	[tilespmem:s23+$0x1C60] =	vst.add.f32.msk $0xffff, v3  }
0x396: {  	[tilespmem:s23+$0x5C60] =	vst.add.f32.msk $0xffff, v3  }
0x397: {  	v3 =	vld [tilespmem:s15+$0x400];
	_ =	sdelay $0x1  }
0x398: {  	[tilespmem:s21+$0x1C70] =	vst.add.f32.msk $0xffff, v4  }
0x399: {  	s28 =	rddreg [dreg:$0x3];
	[tilespmem:s22+$0x6070] =	vst.add.f32.msk $0xffff, v4  }
0x39a: {  	s21 =	rddreg [dreg:$0x14]  }
0x39b: {  	s29 =	simm.s32 $0x0;
	s22 =	rddreg [dreg:$0x12];
	[tilespmem:s23+$0x1C70] =	vst.add.f32.msk $0xffff, v3  }
0x39c: {  	p0 =	seq.s32 s21, $0x1;
	p1 =	sgt.u32 s22, $0x1D;
	s0 =	sshll.u32 s22, $0xA;
	[tilespmem:s23+$0x5C70] =	vst.add.f32.msk $0xffff, v3  }
0x39d: {  	s24 =	sshll.u32 s21, $0x15;
	p0 =	por !p0, p1;
	s1 =	rddreg [dreg:$0x10]  }
0x39e: {  	s0 =	sand.u32 $0x7800, s0;
	s2 =	simm.s32 @!p0 $0x0;
	s25 =	rddreg [dreg:$0x9]  }
0x39f: {  	s3 =	simm.s32 @!p0 $0x400;
	s9 =	rddreg [dreg:$0x13];
	s1 =	sadd.s32 @!p0 s1, s0  }
0x3a0: {  	[tilespmem:s3], [sflag:$0x7] =	stream.linear.gather @!p0 [hbm4b:s1+s2], $0x4000, $0x38;
	[tilespmem:$0x1C400] =	vst v63  }
0x3a1: {  	s26 =	rddreg [dreg:$0x15];
	s0 =	sor.u32 s0, s24;
	p0 =	slt.u32 s9, $0x20  }
.Ltmp2:
0x3a2: {  	s30 =	rddreg [dreg:$0x6];
	s0 =	sor.u32 s25, s0;
	(pc) =	sbr.rel @p0 .LBB2_2-.Ltmp2, $4  }
0x3a3: {  	s31 =	rddreg [dreg:$0x5];
	s1 =	sadd.s32 $0x4, s26;
	s0 =	sadd.s32 s28, s0  }
0x3a4: {  	[hbm4b:s0+s29] =	stream.linear.scatter [tilespmem:s30], [sflag:s1], $0x4000, $0x38;
	[tilespmem:$0x1C400] =	vst v63  }
0x3a5: {  	s2 =	sadd.s32 $0x8400, s31;
	s0 =	sadd.s32 $0x100000, s0  }
0x3a6: {  	[hbm4b:s0+s29] =	stream.linear.scatter [tilespmem:s2], [sflag:s1], $0x4000, $0x38;
	[tilespmem:$0x1C400] =	vst v63  }
0x3a7: {  	s0 =	simm.s32 $0x4  }
0x3a8: {  	_ =	swait.ge [sflag:s0], $0x4000  }
0x3a9: {  	[sflag:s0] =	ssyncset.done $0x0  }
0x3aa: {  	[sflag:s0] =	ssyncadd.s32 $0xFFFFC000  }
0x3ab: {  	_ =	swait.ge [sflag:s0], $0x4000  }
0x3ac: {  	[sflag:s0] =	ssyncset.done $0x0  }
0x3ad: {  	s1 =	simm.s32 $0x5;
	[sflag:s0] =	ssyncadd.s32 $0xFFFFC000  }
0x3ae: {  	_ =	swait.ge [sflag:s1], $0x4000  }
0x3af: {  	[sflag:s1] =	ssyncset.done $0x0  }
0x3b0: {  	[sflag:s1] =	ssyncadd.s32 $0xFFFFC000  }
0x3b1: {  	_ =	swait.ge [sflag:s1], $0x4000  }
0x3b2: {  	s2 =	rddreg [dreg:$0x11]  }
0x3b3: {  	s31 =	rddreg [dreg:$0xf];
	s2 =	sadd.s32 $0x1, s2  }
0x3b4: {  	p0 =	sne.s32 s2, s31  }
.Ltmp3:
0x3b5: {  	_ = 	snop;
	(pc) =	sbr.rel @p0 .LBB2_1-.Ltmp3, $3  }
0x3b6: {  	_ =	sdelay $0x1  }
0x3b7: {  	[sflag:s1] =	ssyncset.done $0x0  }
0x3b8: {  	[sflag:s1] =	ssyncadd.s32 $0xFFFFC000  }
0x3b9: {  	_ =	sfence.sel $0x180000  }
0x3ba: {  	[bflag:$0x0] =	sbarrier.arrive $0xFFFF  }
0x3bb: {  	_ =	strace $0x90000047  }
0x3bc: {  	s0 =	stileid.u32;
	[bflag:$0x2] =	sbarrier.arrive $0xFFFF  }
0x3bd: {  	p0 =	sne.s32 s0, $0x0;
	s0 =	rddreg [dreg:$0x4]  }
0x3be: {  	s0 =	sadd.s32 @!p0 $0x100000, s0  }
0x3bf: {  	[sflag:s0] =	ssyncadd.tile.s32 @!p0 $0x1;
	_ =	shalt  }
.Lfunc_end2:
_tile_overlayer_lowered:
.L_overlay_start_2:
0x3c0: {  	(tag) =	ssettag $0x2  }
0x3c1: {  	s0 =	rddreg [dreg:$0x0];
	s2 =	stileid.u32  }
0x3c2: {  	s1 =	rddreg [dreg:$0x1];
	p0 =	sne.s32 s2, $0x0  }
0x3c3: {  	s3 =	rddreg [dreg:$0x2];
	[bflag:$0x3] =	sbarrier.arrive $0xFFFF;
	s2 =	simm.s32 @!p0 $0x1C08  }
0x3c4: {  	[timem:s3], [sflag:s2] =	dma.local @!p0 [hbm:s0], s1  }
0x3c5: {  	s0 =	simm.s32 @!p0 $0x8  }
0x3c6: {  	_ =	swait.ge @!p0 [sflag:s0], s1  }
0x3c7: {  	s1 =	ssub.s32 @!p0 $0x0, s1;
	[sflag:s0] =	ssyncset.done @!p0 $0x0  }
0x3c8: {  	[sflag:s0] =	ssyncadd.s32 @!p0 s1  }
0x3c9: {  	[bflag:$0x3] =	sbarrier.arrive $0xFFFF  }
0x3ca: {  	_ =	shalt  }

</sc_bundles>
